<compile_context>
chip_gen: v7x
topology: tpu7x:2x2x1
jax: 0.10.2.dev20260603
libtpu: 0.0.44.dev20260713+nightly
codegen_flags: <defaults>
</compile_context>

<pallas_src>
import functools

import jax
import jax.numpy as jnp
from jax import lax
from jax.experimental import pallas as pl
from jax.experimental.pallas import tpu as pltpu
from jax.experimental.pallas import tpu_sc as plsc

EMBED_DIM = 32
BATCH = 4096
HIST_LEN = 200

_info = plsc.get_sparse_core_info()
_NC, _NS = _info.num_cores, _info.num_subcores
_NW = _NC * _NS
_BB = BATCH // _NW
_H = 8
_NCH = HIST_LEN // _H
_DH = EMBED_DIM // 8
_SP = 129

_mesh = plsc.VectorSubcoreMesh(core_axis_name="c", subcore_axis_name="s")


@functools.partial(
    pl.kernel,
    mesh=_mesh,
    out_type=jax.ShapeDtypeStruct((HIST_LEN, _DH, _NW, 8, 128), jnp.float32),
    scratch_types=[
        pltpu.VMEM((HIST_LEN, _BB), jnp.int32),
        pltpu.VMEM((2 * _H * _BB, EMBED_DIM), jnp.float32),
        pltpu.VMEM((_H * _DH, 8, _SP), jnp.float32),
        pltpu.SemaphoreType.DMA,
        pltpu.SemaphoreType.DMA,
    ],
    compiler_params=pltpu.CompilerParams(
        use_tc_tiling_on_sc=False, needs_layout_passes=False),
)
def _sc_embed(xt_hbm, table_hbm, out_hbm, idx_v, rows_v, stage_v, gsem, osem):
    wid = lax.axis_index("s") * _NC + lax.axis_index("c")
    b0 = wid * _BB

    pltpu.sync_copy(xt_hbm.at[:, pl.ds(b0, _BB)], idx_v)

    def gather_chunk(c, p):
        for hh in range(_H):
            pltpu.async_copy(
                table_hbm.at[idx_v.at[c * _H + hh]],
                rows_v.at[pl.ds((p * _H + hh) * _BB, _BB)],
                gsem,
            )

    lane = lax.iota(jnp.int32, 16)
    dl_v = lane & 7
    dh_half = lane >> 3

    def chunk_body(c, carry):
        p = lax.rem(c, 2)
        for hh in range(_H):
            pltpu.make_async_copy(
                table_hbm.at[idx_v.at[0]], rows_v.at[pl.ds(0, _BB)], gsem
            ).wait()

        @pl.when(c + 1 < _NCH)
        def _():
            gather_chunk(c + 1, 1 - p)

        @pl.when(c > 0)
        def _():
            for _ in range(_H * _DH):
                pltpu.make_async_copy(
                    stage_v.at[0, :, pl.ds(0, 128)], out_hbm.at[0, 0, 0], osem
                ).wait()

        @plsc.parallel_loop(0, _H, step=1, unroll=1)
        def _row_body(hh):
            h = c * _H + hh
            base = (p * _H + hh) * _BB
            blk0 = jnp.full((16,), hh * _DH, jnp.int32) + dh_half
            blk1 = blk0 + 2

            @plsc.parallel_loop(0, _BB, step=8, unroll=2)
            def _tok_block(t):
                colv_b = jnp.full((16,), t, jnp.int32)
                for ti in range(8):
                    colv = colv_b + ti
                    v0 = rows_v[base + t + ti, pl.ds(0, 16)]
                    plsc.store_scatter(stage_v, [blk0, dl_v, colv], v0)
                    v1 = rows_v[base + t + ti, pl.ds(16, 16)]
                    plsc.store_scatter(stage_v, [blk1, dl_v, colv], v1)

            for dh in range(_DH):
                blk = hh * _DH + dh
                pltpu.async_copy(
                    stage_v.at[blk, :, pl.ds(0, 128)],
                    out_hbm.at[h, dh, wid], osem)
        return carry

    gather_chunk(0, 0)
    lax.fori_loop(0, _NCH, chunk_body, 0)
    for _ in range(_H * _DH):
        pltpu.make_async_copy(
            stage_v.at[0, :, pl.ds(0, 128)], out_hbm.at[0, 0, 0], osem
        ).wait()


def kernel(x, table):
    xt = x.astype(jnp.int32).T
    out5 = _sc_embed(xt, table)
    return out5.transpose(2, 4, 0, 1, 3).reshape(BATCH, HIST_LEN, EMBED_DIM)

# --- scband reference (transcript-rebuilt; emitter-appended) ---
"""Pipeline reference for scband-word-embedding-5050881540317 (READ-ONLY COPY).

The authoritative reference and input builder live on the scoring server;
editing this copy changes nothing except your own understanding.
"""

import jax, jax.numpy as jnp
import numpy as np

VOCAB_SIZE = 1000000
EMBED_DIM = 32
BATCH = 4096
HIST_LEN = 200


def setup_inputs(seed: int = 0) -> dict:
    key = jax.random.key(seed)
    k_idx, k_tab = jax.random.split(key)
    x = jax.random.randint(k_idx, (BATCH, HIST_LEN), 0, VOCAB_SIZE, dtype=jnp.int64 if jax.config.jax_enable_x64 else jnp.int32)
    # Keras Embedding default initializer is uniform(-0.05, 0.05)
    table = jax.random.uniform(k_tab, (VOCAB_SIZE, EMBED_DIM), dtype=jnp.float32, minval=-0.05, maxval=0.05)
    return {"x": x, "table": table}


def reference(x, table):
    # tf.keras.layers.Embedding: gather rows of the table by integer ids
    return jnp.take(table, x, axis=0)

if __name__ == "__main__":
    import jax
    _d = setup_inputs()
    print(jax.jit(kernel)(*tuple(_d.values())))

</pallas_src>

<mosaic_0001>
#map = affine_map<(d0, d1) -> (0, 0)>
#map1 = affine_map<(d0, d1) -> (0, 0, 0, 0, 0)>
module attributes {stable_mosaic.version = 14 : i64} {
  func.func @_sc_embed(%arg0: i32, %arg1: i32, %arg2: memref<200x4096xi32, #tpu.memory_space<hbm>>, %arg3: memref<1000000x32xf32, #tpu.memory_space<hbm>>, %arg4: memref<200x4x32x8x128xf32, #tpu.memory_space<hbm>>, %arg5: memref<200x128xi32, #tpu.memory_space<vmem>>, %arg6: memref<2048x32xf32, #tpu.memory_space<vmem>>, %arg7: memref<32x8x129xf32, #tpu.memory_space<vmem>>, %arg8: memref<!tpu.dma_semaphore, #tpu.memory_space<semaphore_mem>>, %arg9: memref<!tpu.dma_semaphore, #tpu.memory_space<semaphore_mem>>) attributes {dimension_semantics = [#tpu.dimension_semantics<core_parallel>, #tpu.dimension_semantics<subcore_parallel>], iteration_bounds = array<i64: 2, 16>, scalar_prefetch = 0 : i64, scratch_operands = 5 : i64, tpu.core_type = #tpu.core_type<sc_vector_subcore>, window_params = [{transform_indices = #map}, {transform_indices = #map}, {transform_indices = #map1}]} {
    %mul3A = arith.constant 2 : i32
    %mul3A_0 = arith.muli %arg1, %mul3A : i32
    %add3A = arith.addi %mul3A_0, %arg0 : i32
    %mul3A_1 = arith.constant 128 : i32
    %mul3A_2 = arith.muli %add3A, %mul3A_1 : i32
    "tpu.region"() ({
      %run_scoped3A = tpu.sem_alloc : memref<!tpu.dma_semaphore, #tpu.memory_space<semaphore_mem>>
      %dma_start3A_730 = arith.constant 0 : i32
      %dma_start3A_731 = tpu.memref_slice %arg2[%dma_start3A_730, %mul3A_2] : memref<200x4096xi32, #tpu.memory_space<hbm>> -> memref<200x128xi32, #tpu.memory_space<hbm>>
      %dma_start3A_732 = arith.constant 0 : i32
      %dma_start3A_733 = tpu.memref_slice %arg2[%dma_start3A_732, %mul3A_2] : memref<200x4096xi32, #tpu.memory_space<hbm>> -> memref<200x128xi32, #tpu.memory_space<hbm>>
      tpu.enqueue_dma source(%dma_start3A_733 : memref<200x128xi32, #tpu.memory_space<hbm>>) target(%arg5 : memref<200x128xi32, #tpu.memory_space<vmem>>) target_semaphore(%run_scoped3A : memref<!tpu.dma_semaphore, #tpu.memory_space<semaphore_mem>>)
      %dma_wait3A_734 = arith.constant 0 : i32
      %dma_wait3A_735 = tpu.memref_slice %arg2[%dma_wait3A_734, %mul3A_2] : memref<200x4096xi32, #tpu.memory_space<hbm>> -> memref<200x128xi32, #tpu.memory_space<hbm>>
      %dma_wait3A_736 = arith.constant 0 : i32
      %dma_wait3A_737 = tpu.memref_slice %arg2[%dma_wait3A_736, %mul3A_2] : memref<200x4096xi32, #tpu.memory_space<hbm>> -> memref<200x128xi32, #tpu.memory_space<hbm>>
      tpu.wait_dma2 semaphore(%run_scoped3A : memref<!tpu.dma_semaphore, #tpu.memory_space<semaphore_mem>>) src(%dma_wait3A_737 : memref<200x128xi32, #tpu.memory_space<hbm>>) dst(%arg5 : memref<200x128xi32, #tpu.memory_space<vmem>>)
      tpu.yield
    }) : () -> ()
    %iota3A = tpu.iota {dimensions = array<i32: 0>} : vector<16xi32>
    %and3A = arith.constant 7 : i32
    %and3A_3 = vector.broadcast %and3A : i32 to vector<16xi32>
    %and3A_4 = arith.andi %iota3A, %and3A_3 : vector<16xi32>
    %shift_right_arithmetic3A = arith.constant 3 : i32
    %shift_right_arithmetic3A_5 = vector.broadcast %shift_right_arithmetic3A : i32 to vector<16xi32>
    %shift_right_arithmetic3A_6 = arith.shrsi %iota3A, %shift_right_arithmetic3A_5 : vector<16xi32>
    %dma_start3A = arith.constant 0 : i32
    %dma_start3A_7 = arith.constant 0 : i32
    %dma_start3A_8 = arith.constant 0 : i32
    %dma_start3A_9 = tpu.memref_slice %arg6[%dma_start3A_7, %dma_start3A_8] : memref<2048x32xf32, #tpu.memory_space<vmem>> -> memref<128x32xf32, #tpu.memory_space<vmem>>
    %dma_start3A_10 = arith.constant 0 : i32
    %dma_start3A_11 = tpu.memref_slice %arg5[%dma_start3A, %dma_start3A_10] : memref<200x128xi32, #tpu.memory_space<vmem>> -> memref<1x128xi32, #tpu.memory_space<vmem>>
    %dma_start3A_12 = tpu.memref_squeeze %dma_start3A_11 : memref<1x128xi32, #tpu.memory_space<vmem>> -> memref<128xi32, #tpu.memory_space<vmem>>
    %dma_start3A_13 = arith.constant 0 : i32
    %dma_start3A_14 = arith.constant 0 : i32
    %dma_start3A_15 = tpu.memref_slice %arg3[%dma_start3A_13, %dma_start3A_14] : memref<1000000x32xf32, #tpu.memory_space<hbm>> -> memref<1000000x32xf32, #tpu.memory_space<hbm>>
    tpu.enqueue_indirect_dma source(%dma_start3A_15 : memref<1000000x32xf32, #tpu.memory_space<hbm>>) target(%dma_start3A_9 : memref<128x32xf32, #tpu.memory_space<vmem>>) offsets(%dma_start3A_12 : memref<128xi32, #tpu.memory_space<vmem>>) semaphore(%arg8 : memref<!tpu.dma_semaphore, #tpu.memory_space<semaphore_mem>>)
    %dma_start3A_16 = arith.constant 1 : i32
    %dma_start3A_17 = arith.constant 128 : i32
    %dma_start3A_18 = arith.constant 0 : i32
    %dma_start3A_19 = tpu.memref_slice %arg6[%dma_start3A_17, %dma_start3A_18] : memref<2048x32xf32, #tpu.memory_space<vmem>> -> memref<128x32xf32, #tpu.memory_space<vmem>>
    %dma_start3A_20 = arith.constant 0 : i32
    %dma_start3A_21 = tpu.memref_slice %arg5[%dma_start3A_16, %dma_start3A_20] : memref<200x128xi32, #tpu.memory_space<vmem>> -> memref<1x128xi32, #tpu.memory_space<vmem>>
    %dma_start3A_22 = tpu.memref_squeeze %dma_start3A_21 : memref<1x128xi32, #tpu.memory_space<vmem>> -> memref<128xi32, #tpu.memory_space<vmem>>
    %dma_start3A_23 = arith.constant 0 : i32
    %dma_start3A_24 = arith.constant 0 : i32
    %dma_start3A_25 = tpu.memref_slice %arg3[%dma_start3A_23, %dma_start3A_24] : memref<1000000x32xf32, #tpu.memory_space<hbm>> -> memref<1000000x32xf32, #tpu.memory_space<hbm>>
    tpu.enqueue_indirect_dma source(%dma_start3A_25 : memref<1000000x32xf32, #tpu.memory_space<hbm>>) target(%dma_start3A_19 : memref<128x32xf32, #tpu.memory_space<vmem>>) offsets(%dma_start3A_22 : memref<128xi32, #tpu.memory_space<vmem>>) semaphore(%arg8 : memref<!tpu.dma_semaphore, #tpu.memory_space<semaphore_mem>>)
    %dma_start3A_26 = arith.constant 2 : i32
    %dma_start3A_27 = arith.constant 256 : i32
    %dma_start3A_28 = arith.constant 0 : i32
    %dma_start3A_29 = tpu.memref_slice %arg6[%dma_start3A_27, %dma_start3A_28] : memref<2048x32xf32, #tpu.memory_space<vmem>> -> memref<128x32xf32, #tpu.memory_space<vmem>>
    %dma_start3A_30 = arith.constant 0 : i32
    %dma_start3A_31 = tpu.memref_slice %arg5[%dma_start3A_26, %dma_start3A_30] : memref<200x128xi32, #tpu.memory_space<vmem>> -> memref<1x128xi32, #tpu.memory_space<vmem>>
    %dma_start3A_32 = tpu.memref_squeeze %dma_start3A_31 : memref<1x128xi32, #tpu.memory_space<vmem>> -> memref<128xi32, #tpu.memory_space<vmem>>
    %dma_start3A_33 = arith.constant 0 : i32
    %dma_start3A_34 = arith.constant 0 : i32
    %dma_start3A_35 = tpu.memref_slice %arg3[%dma_start3A_33, %dma_start3A_34] : memref<1000000x32xf32, #tpu.memory_space<hbm>> -> memref<1000000x32xf32, #tpu.memory_space<hbm>>
    tpu.enqueue_indirect_dma source(%dma_start3A_35 : memref<1000000x32xf32, #tpu.memory_space<hbm>>) target(%dma_start3A_29 : memref<128x32xf32, #tpu.memory_space<vmem>>) offsets(%dma_start3A_32 : memref<128xi32, #tpu.memory_space<vmem>>) semaphore(%arg8 : memref<!tpu.dma_semaphore, #tpu.memory_space<semaphore_mem>>)
    %dma_start3A_36 = arith.constant 3 : i32
    %dma_start3A_37 = arith.constant 384 : i32
    %dma_start3A_38 = arith.constant 0 : i32
    %dma_start3A_39 = tpu.memref_slice %arg6[%dma_start3A_37, %dma_start3A_38] : memref<2048x32xf32, #tpu.memory_space<vmem>> -> memref<128x32xf32, #tpu.memory_space<vmem>>
    %dma_start3A_40 = arith.constant 0 : i32
    %dma_start3A_41 = tpu.memref_slice %arg5[%dma_start3A_36, %dma_start3A_40] : memref<200x128xi32, #tpu.memory_space<vmem>> -> memref<1x128xi32, #tpu.memory_space<vmem>>
    %dma_start3A_42 = tpu.memref_squeeze %dma_start3A_41 : memref<1x128xi32, #tpu.memory_space<vmem>> -> memref<128xi32, #tpu.memory_space<vmem>>
    %dma_start3A_43 = arith.constant 0 : i32
    %dma_start3A_44 = arith.constant 0 : i32
    %dma_start3A_45 = tpu.memref_slice %arg3[%dma_start3A_43, %dma_start3A_44] : memref<1000000x32xf32, #tpu.memory_space<hbm>> -> memref<1000000x32xf32, #tpu.memory_space<hbm>>
    tpu.enqueue_indirect_dma source(%dma_start3A_45 : memref<1000000x32xf32, #tpu.memory_space<hbm>>) target(%dma_start3A_39 : memref<128x32xf32, #tpu.memory_space<vmem>>) offsets(%dma_start3A_42 : memref<128xi32, #tpu.memory_space<vmem>>) semaphore(%arg8 : memref<!tpu.dma_semaphore, #tpu.memory_space<semaphore_mem>>)
    %dma_start3A_46 = arith.constant 4 : i32
    %dma_start3A_47 = arith.constant 512 : i32
    %dma_start3A_48 = arith.constant 0 : i32
    %dma_start3A_49 = tpu.memref_slice %arg6[%dma_start3A_47, %dma_start3A_48] : memref<2048x32xf32, #tpu.memory_space<vmem>> -> memref<128x32xf32, #tpu.memory_space<vmem>>
    %dma_start3A_50 = arith.constant 0 : i32
    %dma_start3A_51 = tpu.memref_slice %arg5[%dma_start3A_46, %dma_start3A_50] : memref<200x128xi32, #tpu.memory_space<vmem>> -> memref<1x128xi32, #tpu.memory_space<vmem>>
    %dma_start3A_52 = tpu.memref_squeeze %dma_start3A_51 : memref<1x128xi32, #tpu.memory_space<vmem>> -> memref<128xi32, #tpu.memory_space<vmem>>
    %dma_start3A_53 = arith.constant 0 : i32
    %dma_start3A_54 = arith.constant 0 : i32
    %dma_start3A_55 = tpu.memref_slice %arg3[%dma_start3A_53, %dma_start3A_54] : memref<1000000x32xf32, #tpu.memory_space<hbm>> -> memref<1000000x32xf32, #tpu.memory_space<hbm>>
    tpu.enqueue_indirect_dma source(%dma_start3A_55 : memref<1000000x32xf32, #tpu.memory_space<hbm>>) target(%dma_start3A_49 : memref<128x32xf32, #tpu.memory_space<vmem>>) offsets(%dma_start3A_52 : memref<128xi32, #tpu.memory_space<vmem>>) semaphore(%arg8 : memref<!tpu.dma_semaphore, #tpu.memory_space<semaphore_mem>>)
    %dma_start3A_56 = arith.constant 5 : i32
    %dma_start3A_57 = arith.constant 640 : i32
    %dma_start3A_58 = arith.constant 0 : i32
    %dma_start3A_59 = tpu.memref_slice %arg6[%dma_start3A_57, %dma_start3A_58] : memref<2048x32xf32, #tpu.memory_space<vmem>> -> memref<128x32xf32, #tpu.memory_space<vmem>>
    %dma_start3A_60 = arith.constant 0 : i32
    %dma_start3A_61 = tpu.memref_slice %arg5[%dma_start3A_56, %dma_start3A_60] : memref<200x128xi32, #tpu.memory_space<vmem>> -> memref<1x128xi32, #tpu.memory_space<vmem>>
    %dma_start3A_62 = tpu.memref_squeeze %dma_start3A_61 : memref<1x128xi32, #tpu.memory_space<vmem>> -> memref<128xi32, #tpu.memory_space<vmem>>
    %dma_start3A_63 = arith.constant 0 : i32
    %dma_start3A_64 = arith.constant 0 : i32
    %dma_start3A_65 = tpu.memref_slice %arg3[%dma_start3A_63, %dma_start3A_64] : memref<1000000x32xf32, #tpu.memory_space<hbm>> -> memref<1000000x32xf32, #tpu.memory_space<hbm>>
    tpu.enqueue_indirect_dma source(%dma_start3A_65 : memref<1000000x32xf32, #tpu.memory_space<hbm>>) target(%dma_start3A_59 : memref<128x32xf32, #tpu.memory_space<vmem>>) offsets(%dma_start3A_62 : memref<128xi32, #tpu.memory_space<vmem>>) semaphore(%arg8 : memref<!tpu.dma_semaphore, #tpu.memory_space<semaphore_mem>>)
    %dma_start3A_66 = arith.constant 6 : i32
    %dma_start3A_67 = arith.constant 768 : i32
    %dma_start3A_68 = arith.constant 0 : i32
    %dma_start3A_69 = tpu.memref_slice %arg6[%dma_start3A_67, %dma_start3A_68] : memref<2048x32xf32, #tpu.memory_space<vmem>> -> memref<128x32xf32, #tpu.memory_space<vmem>>
    %dma_start3A_70 = arith.constant 0 : i32
    %dma_start3A_71 = tpu.memref_slice %arg5[%dma_start3A_66, %dma_start3A_70] : memref<200x128xi32, #tpu.memory_space<vmem>> -> memref<1x128xi32, #tpu.memory_space<vmem>>
    %dma_start3A_72 = tpu.memref_squeeze %dma_start3A_71 : memref<1x128xi32, #tpu.memory_space<vmem>> -> memref<128xi32, #tpu.memory_space<vmem>>
    %dma_start3A_73 = arith.constant 0 : i32
    %dma_start3A_74 = arith.constant 0 : i32
    %dma_start3A_75 = tpu.memref_slice %arg3[%dma_start3A_73, %dma_start3A_74] : memref<1000000x32xf32, #tpu.memory_space<hbm>> -> memref<1000000x32xf32, #tpu.memory_space<hbm>>
    tpu.enqueue_indirect_dma source(%dma_start3A_75 : memref<1000000x32xf32, #tpu.memory_space<hbm>>) target(%dma_start3A_69 : memref<128x32xf32, #tpu.memory_space<vmem>>) offsets(%dma_start3A_72 : memref<128xi32, #tpu.memory_space<vmem>>) semaphore(%arg8 : memref<!tpu.dma_semaphore, #tpu.memory_space<semaphore_mem>>)
    %dma_start3A_76 = arith.constant 7 : i32
    %dma_start3A_77 = arith.constant 896 : i32
    %dma_start3A_78 = arith.constant 0 : i32
    %dma_start3A_79 = tpu.memref_slice %arg6[%dma_start3A_77, %dma_start3A_78] : memref<2048x32xf32, #tpu.memory_space<vmem>> -> memref<128x32xf32, #tpu.memory_space<vmem>>
    %dma_start3A_80 = arith.constant 0 : i32
    %dma_start3A_81 = tpu.memref_slice %arg5[%dma_start3A_76, %dma_start3A_80] : memref<200x128xi32, #tpu.memory_space<vmem>> -> memref<1x128xi32, #tpu.memory_space<vmem>>
    %dma_start3A_82 = tpu.memref_squeeze %dma_start3A_81 : memref<1x128xi32, #tpu.memory_space<vmem>> -> memref<128xi32, #tpu.memory_space<vmem>>
    %dma_start3A_83 = arith.constant 0 : i32
    %dma_start3A_84 = arith.constant 0 : i32
    %dma_start3A_85 = tpu.memref_slice %arg3[%dma_start3A_83, %dma_start3A_84] : memref<1000000x32xf32, #tpu.memory_space<hbm>> -> memref<1000000x32xf32, #tpu.memory_space<hbm>>
    tpu.enqueue_indirect_dma source(%dma_start3A_85 : memref<1000000x32xf32, #tpu.memory_space<hbm>>) target(%dma_start3A_79 : memref<128x32xf32, #tpu.memory_space<vmem>>) offsets(%dma_start3A_82 : memref<128xi32, #tpu.memory_space<vmem>>) semaphore(%arg8 : memref<!tpu.dma_semaphore, #tpu.memory_space<semaphore_mem>>)
    %scan3A = arith.constant 0 : i32
    %scan3A_86 = arith.constant 0 : i32
    %scan3A_87 = arith.constant 25 : i32
    %scan3A_88 = arith.addi %scan3A_86, %scan3A_87 : i32
    %scan3A_89 = arith.constant 1 : i32
    scf.for %scan3A_730 = %scan3A_86 to %scan3A_88 step %scan3A_89  : i32 {
      %rem3A = arith.constant 2 : i32
      %rem3A_731 = arith.remsi %scan3A_730, %rem3A : i32
      %dma_wait3A_732 = arith.constant 0 : i32
      %dma_wait3A_733 = arith.constant 0 : i32
      %dma_wait3A_734 = arith.constant 0 : i32
      %dma_wait3A_735 = tpu.memref_slice %arg6[%dma_wait3A_733, %dma_wait3A_734] : memref<2048x32xf32, #tpu.memory_space<vmem>> -> memref<128x32xf32, #tpu.memory_space<vmem>>
      %dma_wait3A_736 = arith.constant 0 : i32
      %dma_wait3A_737 = tpu.memref_slice %arg5[%dma_wait3A_732, %dma_wait3A_736] : memref<200x128xi32, #tpu.memory_space<vmem>> -> memref<1x128xi32, #tpu.memory_space<vmem>>
      %dma_wait3A_738 = tpu.memref_squeeze %dma_wait3A_737 : memref<1x128xi32, #tpu.memory_space<vmem>> -> memref<128xi32, #tpu.memory_space<vmem>>
      %dma_wait3A_739 = arith.constant 0 : i32
      %dma_wait3A_740 = arith.constant 0 : i32
      %dma_wait3A_741 = tpu.memref_slice %arg3[%dma_wait3A_739, %dma_wait3A_740] : memref<1000000x32xf32, #tpu.memory_space<hbm>> -> memref<1000000x32xf32, #tpu.memory_space<hbm>>
      tpu.wait_indirect_dma semaphore(%arg8 : memref<!tpu.dma_semaphore, #tpu.memory_space<semaphore_mem>>) src(%dma_wait3A_741 : memref<1000000x32xf32, #tpu.memory_space<hbm>>) dst(%dma_wait3A_735 : memref<128x32xf32, #tpu.memory_space<vmem>>)
      %dma_wait3A_742 = arith.constant 0 : i32
      %dma_wait3A_743 = arith.constant 0 : i32
      %dma_wait3A_744 = arith.constant 0 : i32
      %dma_wait3A_745 = tpu.memref_slice %arg6[%dma_wait3A_743, %dma_wait3A_744] : memref<2048x32xf32, #tpu.memory_space<vmem>> -> memref<128x32xf32, #tpu.memory_space<vmem>>
      %dma_wait3A_746 = arith.constant 0 : i32
      %dma_wait3A_747 = tpu.memref_slice %arg5[%dma_wait3A_742, %dma_wait3A_746] : memref<200x128xi32, #tpu.memory_space<vmem>> -> memref<1x128xi32, #tpu.memory_space<vmem>>
      %dma_wait3A_748 = tpu.memref_squeeze %dma_wait3A_747 : memref<1x128xi32, #tpu.memory_space<vmem>> -> memref<128xi32, #tpu.memory_space<vmem>>
      %dma_wait3A_749 = arith.constant 0 : i32
      %dma_wait3A_750 = arith.constant 0 : i32
      %dma_wait3A_751 = tpu.memref_slice %arg3[%dma_wait3A_749, %dma_wait3A_750] : memref<1000000x32xf32, #tpu.memory_space<hbm>> -> memref<1000000x32xf32, #tpu.memory_space<hbm>>
      tpu.wait_indirect_dma semaphore(%arg8 : memref<!tpu.dma_semaphore, #tpu.memory_space<semaphore_mem>>) src(%dma_wait3A_751 : memref<1000000x32xf32, #tpu.memory_space<hbm>>) dst(%dma_wait3A_745 : memref<128x32xf32, #tpu.memory_space<vmem>>)
      %dma_wait3A_752 = arith.constant 0 : i32
      %dma_wait3A_753 = arith.constant 0 : i32
      %dma_wait3A_754 = arith.constant 0 : i32
      %dma_wait3A_755 = tpu.memref_slice %arg6[%dma_wait3A_753, %dma_wait3A_754] : memref<2048x32xf32, #tpu.memory_space<vmem>> -> memref<128x32xf32, #tpu.memory_space<vmem>>
      %dma_wait3A_756 = arith.constant 0 : i32
      %dma_wait3A_757 = tpu.memref_slice %arg5[%dma_wait3A_752, %dma_wait3A_756] : memref<200x128xi32, #tpu.memory_space<vmem>> -> memref<1x128xi32, #tpu.memory_space<vmem>>
      %dma_wait3A_758 = tpu.memref_squeeze %dma_wait3A_757 : memref<1x128xi32, #tpu.memory_space<vmem>> -> memref<128xi32, #tpu.memory_space<vmem>>
      %dma_wait3A_759 = arith.constant 0 : i32
      %dma_wait3A_760 = arith.constant 0 : i32
      %dma_wait3A_761 = tpu.memref_slice %arg3[%dma_wait3A_759, %dma_wait3A_760] : memref<1000000x32xf32, #tpu.memory_space<hbm>> -> memref<1000000x32xf32, #tpu.memory_space<hbm>>
      tpu.wait_indirect_dma semaphore(%arg8 : memref<!tpu.dma_semaphore, #tpu.memory_space<semaphore_mem>>) src(%dma_wait3A_761 : memref<1000000x32xf32, #tpu.memory_space<hbm>>) dst(%dma_wait3A_755 : memref<128x32xf32, #tpu.memory_space<vmem>>)
      %dma_wait3A_762 = arith.constant 0 : i32
      %dma_wait3A_763 = arith.constant 0 : i32
      %dma_wait3A_764 = arith.constant 0 : i32
      %dma_wait3A_765 = tpu.memref_slice %arg6[%dma_wait3A_763, %dma_wait3A_764] : memref<2048x32xf32, #tpu.memory_space<vmem>> -> memref<128x32xf32, #tpu.memory_space<vmem>>
      %dma_wait3A_766 = arith.constant 0 : i32
      %dma_wait3A_767 = tpu.memref_slice %arg5[%dma_wait3A_762, %dma_wait3A_766] : memref<200x128xi32, #tpu.memory_space<vmem>> -> memref<1x128xi32, #tpu.memory_space<vmem>>
      %dma_wait3A_768 = tpu.memref_squeeze %dma_wait3A_767 : memref<1x128xi32, #tpu.memory_space<vmem>> -> memref<128xi32, #tpu.memory_space<vmem>>
      %dma_wait3A_769 = arith.constant 0 : i32
      %dma_wait3A_770 = arith.constant 0 : i32
      %dma_wait3A_771 = tpu.memref_slice %arg3[%dma_wait3A_769, %dma_wait3A_770] : memref<1000000x32xf32, #tpu.memory_space<hbm>> -> memref<1000000x32xf32, #tpu.memory_space<hbm>>
      tpu.wait_indirect_dma semaphore(%arg8 : memref<!tpu.dma_semaphore, #tpu.memory_space<semaphore_mem>>) src(%dma_wait3A_771 : memref<1000000x32xf32, #tpu.memory_space<hbm>>) dst(%dma_wait3A_765 : memref<128x32xf32, #tpu.memory_space<vmem>>)
      %dma_wait3A_772 = arith.constant 0 : i32
      %dma_wait3A_773 = arith.constant 0 : i32
      %dma_wait3A_774 = arith.constant 0 : i32
      %dma_wait3A_775 = tpu.memref_slice %arg6[%dma_wait3A_773, %dma_wait3A_774] : memref<2048x32xf32, #tpu.memory_space<vmem>> -> memref<128x32xf32, #tpu.memory_space<vmem>>
      %dma_wait3A_776 = arith.constant 0 : i32
      %dma_wait3A_777 = tpu.memref_slice %arg5[%dma_wait3A_772, %dma_wait3A_776] : memref<200x128xi32, #tpu.memory_space<vmem>> -> memref<1x128xi32, #tpu.memory_space<vmem>>
      %dma_wait3A_778 = tpu.memref_squeeze %dma_wait3A_777 : memref<1x128xi32, #tpu.memory_space<vmem>> -> memref<128xi32, #tpu.memory_space<vmem>>
      %dma_wait3A_779 = arith.constant 0 : i32
      %dma_wait3A_780 = arith.constant 0 : i32
      %dma_wait3A_781 = tpu.memref_slice %arg3[%dma_wait3A_779, %dma_wait3A_780] : memref<1000000x32xf32, #tpu.memory_space<hbm>> -> memref<1000000x32xf32, #tpu.memory_space<hbm>>
      tpu.wait_indirect_dma semaphore(%arg8 : memref<!tpu.dma_semaphore, #tpu.memory_space<semaphore_mem>>) src(%dma_wait3A_781 : memref<1000000x32xf32, #tpu.memory_space<hbm>>) dst(%dma_wait3A_775 : memref<128x32xf32, #tpu.memory_space<vmem>>)
      %dma_wait3A_782 = arith.constant 0 : i32
      %dma_wait3A_783 = arith.constant 0 : i32
      %dma_wait3A_784 = arith.constant 0 : i32
      %dma_wait3A_785 = tpu.memref_slice %arg6[%dma_wait3A_783, %dma_wait3A_784] : memref<2048x32xf32, #tpu.memory_space<vmem>> -> memref<128x32xf32, #tpu.memory_space<vmem>>
      %dma_wait3A_786 = arith.constant 0 : i32
      %dma_wait3A_787 = tpu.memref_slice %arg5[%dma_wait3A_782, %dma_wait3A_786] : memref<200x128xi32, #tpu.memory_space<vmem>> -> memref<1x128xi32, #tpu.memory_space<vmem>>
      %dma_wait3A_788 = tpu.memref_squeeze %dma_wait3A_787 : memref<1x128xi32, #tpu.memory_space<vmem>> -> memref<128xi32, #tpu.memory_space<vmem>>
      %dma_wait3A_789 = arith.constant 0 : i32
      %dma_wait3A_790 = arith.constant 0 : i32
      %dma_wait3A_791 = tpu.memref_slice %arg3[%dma_wait3A_789, %dma_wait3A_790] : memref<1000000x32xf32, #tpu.memory_space<hbm>> -> memref<1000000x32xf32, #tpu.memory_space<hbm>>
      tpu.wait_indirect_dma semaphore(%arg8 : memref<!tpu.dma_semaphore, #tpu.memory_space<semaphore_mem>>) src(%dma_wait3A_791 : memref<1000000x32xf32, #tpu.memory_space<hbm>>) dst(%dma_wait3A_785 : memref<128x32xf32, #tpu.memory_space<vmem>>)
      %dma_wait3A_792 = arith.constant 0 : i32
      %dma_wait3A_793 = arith.constant 0 : i32
      %dma_wait3A_794 = arith.constant 0 : i32
      %dma_wait3A_795 = tpu.memref_slice %arg6[%dma_wait3A_793, %dma_wait3A_794] : memref<2048x32xf32, #tpu.memory_space<vmem>> -> memref<128x32xf32, #tpu.memory_space<vmem>>
      %dma_wait3A_796 = arith.constant 0 : i32
      %dma_wait3A_797 = tpu.memref_slice %arg5[%dma_wait3A_792, %dma_wait3A_796] : memref<200x128xi32, #tpu.memory_space<vmem>> -> memref<1x128xi32, #tpu.memory_space<vmem>>
      %dma_wait3A_798 = tpu.memref_squeeze %dma_wait3A_797 : memref<1x128xi32, #tpu.memory_space<vmem>> -> memref<128xi32, #tpu.memory_space<vmem>>
      %dma_wait3A_799 = arith.constant 0 : i32
      %dma_wait3A_800 = arith.constant 0 : i32
      %dma_wait3A_801 = tpu.memref_slice %arg3[%dma_wait3A_799, %dma_wait3A_800] : memref<1000000x32xf32, #tpu.memory_space<hbm>> -> memref<1000000x32xf32, #tpu.memory_space<hbm>>
      tpu.wait_indirect_dma semaphore(%arg8 : memref<!tpu.dma_semaphore, #tpu.memory_space<semaphore_mem>>) src(%dma_wait3A_801 : memref<1000000x32xf32, #tpu.memory_space<hbm>>) dst(%dma_wait3A_795 : memref<128x32xf32, #tpu.memory_space<vmem>>)
      %dma_wait3A_802 = arith.constant 0 : i32
      %dma_wait3A_803 = arith.constant 0 : i32
      %dma_wait3A_804 = arith.constant 0 : i32
      %dma_wait3A_805 = tpu.memref_slice %arg6[%dma_wait3A_803, %dma_wait3A_804] : memref<2048x32xf32, #tpu.memory_space<vmem>> -> memref<128x32xf32, #tpu.memory_space<vmem>>
      %dma_wait3A_806 = arith.constant 0 : i32
      %dma_wait3A_807 = tpu.memref_slice %arg5[%dma_wait3A_802, %dma_wait3A_806] : memref<200x128xi32, #tpu.memory_space<vmem>> -> memref<1x128xi32, #tpu.memory_space<vmem>>
      %dma_wait3A_808 = tpu.memref_squeeze %dma_wait3A_807 : memref<1x128xi32, #tpu.memory_space<vmem>> -> memref<128xi32, #tpu.memory_space<vmem>>
      %dma_wait3A_809 = arith.constant 0 : i32
      %dma_wait3A_810 = arith.constant 0 : i32
      %dma_wait3A_811 = tpu.memref_slice %arg3[%dma_wait3A_809, %dma_wait3A_810] : memref<1000000x32xf32, #tpu.memory_space<hbm>> -> memref<1000000x32xf32, #tpu.memory_space<hbm>>
      tpu.wait_indirect_dma semaphore(%arg8 : memref<!tpu.dma_semaphore, #tpu.memory_space<semaphore_mem>>) src(%dma_wait3A_811 : memref<1000000x32xf32, #tpu.memory_space<hbm>>) dst(%dma_wait3A_805 : memref<128x32xf32, #tpu.memory_space<vmem>>)
      %add3A_812 = arith.constant 1 : i32
      %add3A_813 = arith.addi %scan3A_730, %add3A_812 : i32
      %lt3A = arith.constant 25 : i32
      %lt3A_814 = arith.cmpi slt, %add3A_813, %lt3A : i32
      %convert_element_type3A = arith.extui %lt3A_814 : i1 to i32
      %cond3A = arith.constant 0 : i32
      %cond3A_815 = arith.cmpi ne, %convert_element_type3A, %cond3A : i32
      scf.if %cond3A_815 {
        %add3A_822 = arith.constant 1 : i32
        %add3A_823 = arith.addi %scan3A_730, %add3A_822 : i32
        %sub3A = arith.constant 1 : i32
        %sub3A_824 = arith.subi %sub3A, %rem3A_731 : i32
        %mul3A_825 = arith.constant 8 : i32
        %mul3A_826 = arith.muli %add3A_823, %mul3A_825 : i32
        %add3A_827 = arith.constant 0 : i32
        %add3A_828 = arith.addi %mul3A_826, %add3A_827 : i32
        %mul3A_829 = arith.constant 8 : i32
        %mul3A_830 = arith.muli %sub3A_824, %mul3A_829 : i32
        %add3A_831 = arith.constant 0 : i32
        %add3A_832 = arith.addi %mul3A_830, %add3A_831 : i32
        %mul3A_833 = arith.constant 128 : i32
        %mul3A_834 = arith.muli %add3A_832, %mul3A_833 : i32
        %dma_start3A_835 = arith.constant 0 : i32
        %dma_start3A_836 = tpu.memref_slice %arg6[%mul3A_834, %dma_start3A_835] : memref<2048x32xf32, #tpu.memory_space<vmem>> -> memref<128x32xf32, #tpu.memory_space<vmem>>
        %dma_start3A_837 = arith.constant 0 : i32
        %dma_start3A_838 = tpu.memref_slice %arg5[%add3A_828, %dma_start3A_837] : memref<200x128xi32, #tpu.memory_space<vmem>> -> memref<1x128xi32, #tpu.memory_space<vmem>>
        %dma_start3A_839 = tpu.memref_squeeze %dma_start3A_838 : memref<1x128xi32, #tpu.memory_space<vmem>> -> memref<128xi32, #tpu.memory_space<vmem>>
        %dma_start3A_840 = arith.constant 0 : i32
        %dma_start3A_841 = arith.constant 0 : i32
        %dma_start3A_842 = tpu.memref_slice %arg3[%dma_start3A_840, %dma_start3A_841] : memref<1000000x32xf32, #tpu.memory_space<hbm>> -> memref<1000000x32xf32, #tpu.memory_space<hbm>>
        tpu.enqueue_indirect_dma source(%dma_start3A_842 : memref<1000000x32xf32, #tpu.memory_space<hbm>>) target(%dma_start3A_836 : memref<128x32xf32, #tpu.memory_space<vmem>>) offsets(%dma_start3A_839 : memref<128xi32, #tpu.memory_space<vmem>>) semaphore(%arg8 : memref<!tpu.dma_semaphore, #tpu.memory_space<semaphore_mem>>)
        %mul3A_843 = arith.constant 8 : i32
        %mul3A_844 = arith.muli %add3A_823, %mul3A_843 : i32
        %add3A_845 = arith.constant 1 : i32
        %add3A_846 = arith.addi %mul3A_844, %add3A_845 : i32
        %mul3A_847 = arith.constant 8 : i32
        %mul3A_848 = arith.muli %sub3A_824, %mul3A_847 : i32
        %add3A_849 = arith.constant 1 : i32
        %add3A_850 = arith.addi %mul3A_848, %add3A_849 : i32
        %mul3A_851 = arith.constant 128 : i32
        %mul3A_852 = arith.muli %add3A_850, %mul3A_851 : i32
        %dma_start3A_853 = arith.constant 0 : i32
        %dma_start3A_854 = tpu.memref_slice %arg6[%mul3A_852, %dma_start3A_853] : memref<2048x32xf32, #tpu.memory_space<vmem>> -> memref<128x32xf32, #tpu.memory_space<vmem>>
        %dma_start3A_855 = arith.constant 0 : i32
        %dma_start3A_856 = tpu.memref_slice %arg5[%add3A_846, %dma_start3A_855] : memref<200x128xi32, #tpu.memory_space<vmem>> -> memref<1x128xi32, #tpu.memory_space<vmem>>
        %dma_start3A_857 = tpu.memref_squeeze %dma_start3A_856 : memref<1x128xi32, #tpu.memory_space<vmem>> -> memref<128xi32, #tpu.memory_space<vmem>>
        %dma_start3A_858 = arith.constant 0 : i32
        %dma_start3A_859 = arith.constant 0 : i32
        %dma_start3A_860 = tpu.memref_slice %arg3[%dma_start3A_858, %dma_start3A_859] : memref<1000000x32xf32, #tpu.memory_space<hbm>> -> memref<1000000x32xf32, #tpu.memory_space<hbm>>
        tpu.enqueue_indirect_dma source(%dma_start3A_860 : memref<1000000x32xf32, #tpu.memory_space<hbm>>) target(%dma_start3A_854 : memref<128x32xf32, #tpu.memory_space<vmem>>) offsets(%dma_start3A_857 : memref<128xi32, #tpu.memory_space<vmem>>) semaphore(%arg8 : memref<!tpu.dma_semaphore, #tpu.memory_space<semaphore_mem>>)
        %mul3A_861 = arith.constant 8 : i32
        %mul3A_862 = arith.muli %add3A_823, %mul3A_861 : i32
        %add3A_863 = arith.constant 2 : i32
        %add3A_864 = arith.addi %mul3A_862, %add3A_863 : i32
        %mul3A_865 = arith.constant 8 : i32
        %mul3A_866 = arith.muli %sub3A_824, %mul3A_865 : i32
        %add3A_867 = arith.constant 2 : i32
        %add3A_868 = arith.addi %mul3A_866, %add3A_867 : i32
        %mul3A_869 = arith.constant 128 : i32
        %mul3A_870 = arith.muli %add3A_868, %mul3A_869 : i32
        %dma_start3A_871 = arith.constant 0 : i32
        %dma_start3A_872 = tpu.memref_slice %arg6[%mul3A_870, %dma_start3A_871] : memref<2048x32xf32, #tpu.memory_space<vmem>> -> memref<128x32xf32, #tpu.memory_space<vmem>>
        %dma_start3A_873 = arith.constant 0 : i32
        %dma_start3A_874 = tpu.memref_slice %arg5[%add3A_864, %dma_start3A_873] : memref<200x128xi32, #tpu.memory_space<vmem>> -> memref<1x128xi32, #tpu.memory_space<vmem>>
        %dma_start3A_875 = tpu.memref_squeeze %dma_start3A_874 : memref<1x128xi32, #tpu.memory_space<vmem>> -> memref<128xi32, #tpu.memory_space<vmem>>
        %dma_start3A_876 = arith.constant 0 : i32
        %dma_start3A_877 = arith.constant 0 : i32
        %dma_start3A_878 = tpu.memref_slice %arg3[%dma_start3A_876, %dma_start3A_877] : memref<1000000x32xf32, #tpu.memory_space<hbm>> -> memref<1000000x32xf32, #tpu.memory_space<hbm>>
        tpu.enqueue_indirect_dma source(%dma_start3A_878 : memref<1000000x32xf32, #tpu.memory_space<hbm>>) target(%dma_start3A_872 : memref<128x32xf32, #tpu.memory_space<vmem>>) offsets(%dma_start3A_875 : memref<128xi32, #tpu.memory_space<vmem>>) semaphore(%arg8 : memref<!tpu.dma_semaphore, #tpu.memory_space<semaphore_mem>>)
        %mul3A_879 = arith.constant 8 : i32
        %mul3A_880 = arith.muli %add3A_823, %mul3A_879 : i32
        %add3A_881 = arith.constant 3 : i32
        %add3A_882 = arith.addi %mul3A_880, %add3A_881 : i32
        %mul3A_883 = arith.constant 8 : i32
        %mul3A_884 = arith.muli %sub3A_824, %mul3A_883 : i32
        %add3A_885 = arith.constant 3 : i32
        %add3A_886 = arith.addi %mul3A_884, %add3A_885 : i32
        %mul3A_887 = arith.constant 128 : i32
        %mul3A_888 = arith.muli %add3A_886, %mul3A_887 : i32
        %dma_start3A_889 = arith.constant 0 : i32
        %dma_start3A_890 = tpu.memref_slice %arg6[%mul3A_888, %dma_start3A_889] : memref<2048x32xf32, #tpu.memory_space<vmem>> -> memref<128x32xf32, #tpu.memory_space<vmem>>
        %dma_start3A_891 = arith.constant 0 : i32
        %dma_start3A_892 = tpu.memref_slice %arg5[%add3A_882, %dma_start3A_891] : memref<200x128xi32, #tpu.memory_space<vmem>> -> memref<1x128xi32, #tpu.memory_space<vmem>>
        %dma_start3A_893 = tpu.memref_squeeze %dma_start3A_892 : memref<1x128xi32, #tpu.memory_space<vmem>> -> memref<128xi32, #tpu.memory_space<vmem>>
        %dma_start3A_894 = arith.constant 0 : i32
        %dma_start3A_895 = arith.constant 0 : i32
        %dma_start3A_896 = tpu.memref_slice %arg3[%dma_start3A_894, %dma_start3A_895] : memref<1000000x32xf32, #tpu.memory_space<hbm>> -> memref<1000000x32xf32, #tpu.memory_space<hbm>>
        tpu.enqueue_indirect_dma source(%dma_start3A_896 : memref<1000000x32xf32, #tpu.memory_space<hbm>>) target(%dma_start3A_890 : memref<128x32xf32, #tpu.memory_space<vmem>>) offsets(%dma_start3A_893 : memref<128xi32, #tpu.memory_space<vmem>>) semaphore(%arg8 : memref<!tpu.dma_semaphore, #tpu.memory_space<semaphore_mem>>)
        %mul3A_897 = arith.constant 8 : i32
        %mul3A_898 = arith.muli %add3A_823, %mul3A_897 : i32
        %add3A_899 = arith.constant 4 : i32
        %add3A_900 = arith.addi %mul3A_898, %add3A_899 : i32
        %mul3A_901 = arith.constant 8 : i32
        %mul3A_902 = arith.muli %sub3A_824, %mul3A_901 : i32
        %add3A_903 = arith.constant 4 : i32
        %add3A_904 = arith.addi %mul3A_902, %add3A_903 : i32
        %mul3A_905 = arith.constant 128 : i32
        %mul3A_906 = arith.muli %add3A_904, %mul3A_905 : i32
        %dma_start3A_907 = arith.constant 0 : i32
        %dma_start3A_908 = tpu.memref_slice %arg6[%mul3A_906, %dma_start3A_907] : memref<2048x32xf32, #tpu.memory_space<vmem>> -> memref<128x32xf32, #tpu.memory_space<vmem>>
        %dma_start3A_909 = arith.constant 0 : i32
        %dma_start3A_910 = tpu.memref_slice %arg5[%add3A_900, %dma_start3A_909] : memref<200x128xi32, #tpu.memory_space<vmem>> -> memref<1x128xi32, #tpu.memory_space<vmem>>
        %dma_start3A_911 = tpu.memref_squeeze %dma_start3A_910 : memref<1x128xi32, #tpu.memory_space<vmem>> -> memref<128xi32, #tpu.memory_space<vmem>>
        %dma_start3A_912 = arith.constant 0 : i32
        %dma_start3A_913 = arith.constant 0 : i32
        %dma_start3A_914 = tpu.memref_slice %arg3[%dma_start3A_912, %dma_start3A_913] : memref<1000000x32xf32, #tpu.memory_space<hbm>> -> memref<1000000x32xf32, #tpu.memory_space<hbm>>
        tpu.enqueue_indirect_dma source(%dma_start3A_914 : memref<1000000x32xf32, #tpu.memory_space<hbm>>) target(%dma_start3A_908 : memref<128x32xf32, #tpu.memory_space<vmem>>) offsets(%dma_start3A_911 : memref<128xi32, #tpu.memory_space<vmem>>) semaphore(%arg8 : memref<!tpu.dma_semaphore, #tpu.memory_space<semaphore_mem>>)
        %mul3A_915 = arith.constant 8 : i32
        %mul3A_916 = arith.muli %add3A_823, %mul3A_915 : i32
        %add3A_917 = arith.constant 5 : i32
        %add3A_918 = arith.addi %mul3A_916, %add3A_917 : i32
        %mul3A_919 = arith.constant 8 : i32
        %mul3A_920 = arith.muli %sub3A_824, %mul3A_919 : i32
        %add3A_921 = arith.constant 5 : i32
        %add3A_922 = arith.addi %mul3A_920, %add3A_921 : i32
        %mul3A_923 = arith.constant 128 : i32
        %mul3A_924 = arith.muli %add3A_922, %mul3A_923 : i32
        %dma_start3A_925 = arith.constant 0 : i32
        %dma_start3A_926 = tpu.memref_slice %arg6[%mul3A_924, %dma_start3A_925] : memref<2048x32xf32, #tpu.memory_space<vmem>> -> memref<128x32xf32, #tpu.memory_space<vmem>>
        %dma_start3A_927 = arith.constant 0 : i32
        %dma_start3A_928 = tpu.memref_slice %arg5[%add3A_918, %dma_start3A_927] : memref<200x128xi32, #tpu.memory_space<vmem>> -> memref<1x128xi32, #tpu.memory_space<vmem>>
        %dma_start3A_929 = tpu.memref_squeeze %dma_start3A_928 : memref<1x128xi32, #tpu.memory_space<vmem>> -> memref<128xi32, #tpu.memory_space<vmem>>
        %dma_start3A_930 = arith.constant 0 : i32
        %dma_start3A_931 = arith.constant 0 : i32
        %dma_start3A_932 = tpu.memref_slice %arg3[%dma_start3A_930, %dma_start3A_931] : memref<1000000x32xf32, #tpu.memory_space<hbm>> -> memref<1000000x32xf32, #tpu.memory_space<hbm>>
        tpu.enqueue_indirect_dma source(%dma_start3A_932 : memref<1000000x32xf32, #tpu.memory_space<hbm>>) target(%dma_start3A_926 : memref<128x32xf32, #tpu.memory_space<vmem>>) offsets(%dma_start3A_929 : memref<128xi32, #tpu.memory_space<vmem>>) semaphore(%arg8 : memref<!tpu.dma_semaphore, #tpu.memory_space<semaphore_mem>>)
        %mul3A_933 = arith.constant 8 : i32
        %mul3A_934 = arith.muli %add3A_823, %mul3A_933 : i32
        %add3A_935 = arith.constant 6 : i32
        %add3A_936 = arith.addi %mul3A_934, %add3A_935 : i32
        %mul3A_937 = arith.constant 8 : i32
        %mul3A_938 = arith.muli %sub3A_824, %mul3A_937 : i32
        %add3A_939 = arith.constant 6 : i32
        %add3A_940 = arith.addi %mul3A_938, %add3A_939 : i32
        %mul3A_941 = arith.constant 128 : i32
        %mul3A_942 = arith.muli %add3A_940, %mul3A_941 : i32
        %dma_start3A_943 = arith.constant 0 : i32
        %dma_start3A_944 = tpu.memref_slice %arg6[%mul3A_942, %dma_start3A_943] : memref<2048x32xf32, #tpu.memory_space<vmem>> -> memref<128x32xf32, #tpu.memory_space<vmem>>
        %dma_start3A_945 = arith.constant 0 : i32
        %dma_start3A_946 = tpu.memref_slice %arg5[%add3A_936, %dma_start3A_945] : memref<200x128xi32, #tpu.memory_space<vmem>> -> memref<1x128xi32, #tpu.memory_space<vmem>>
        %dma_start3A_947 = tpu.memref_squeeze %dma_start3A_946 : memref<1x128xi32, #tpu.memory_space<vmem>> -> memref<128xi32, #tpu.memory_space<vmem>>
        %dma_start3A_948 = arith.constant 0 : i32
        %dma_start3A_949 = arith.constant 0 : i32
        %dma_start3A_950 = tpu.memref_slice %arg3[%dma_start3A_948, %dma_start3A_949] : memref<1000000x32xf32, #tpu.memory_space<hbm>> -> memref<1000000x32xf32, #tpu.memory_space<hbm>>
        tpu.enqueue_indirect_dma source(%dma_start3A_950 : memref<1000000x32xf32, #tpu.memory_space<hbm>>) target(%dma_start3A_944 : memref<128x32xf32, #tpu.memory_space<vmem>>) offsets(%dma_start3A_947 : memref<128xi32, #tpu.memory_space<vmem>>) semaphore(%arg8 : memref<!tpu.dma_semaphore, #tpu.memory_space<semaphore_mem>>)
        %mul3A_951 = arith.constant 8 : i32
        %mul3A_952 = arith.muli %add3A_823, %mul3A_951 : i32
        %add3A_953 = arith.constant 7 : i32
        %add3A_954 = arith.addi %mul3A_952, %add3A_953 : i32
        %mul3A_955 = arith.constant 8 : i32
        %mul3A_956 = arith.muli %sub3A_824, %mul3A_955 : i32
        %add3A_957 = arith.constant 7 : i32
        %add3A_958 = arith.addi %mul3A_956, %add3A_957 : i32
        %mul3A_959 = arith.constant 128 : i32
        %mul3A_960 = arith.muli %add3A_958, %mul3A_959 : i32
        %dma_start3A_961 = arith.constant 0 : i32
        %dma_start3A_962 = tpu.memref_slice %arg6[%mul3A_960, %dma_start3A_961] : memref<2048x32xf32, #tpu.memory_space<vmem>> -> memref<128x32xf32, #tpu.memory_space<vmem>>
        %dma_start3A_963 = arith.constant 0 : i32
        %dma_start3A_964 = tpu.memref_slice %arg5[%add3A_954, %dma_start3A_963] : memref<200x128xi32, #tpu.memory_space<vmem>> -> memref<1x128xi32, #tpu.memory_space<vmem>>
        %dma_start3A_965 = tpu.memref_squeeze %dma_start3A_964 : memref<1x128xi32, #tpu.memory_space<vmem>> -> memref<128xi32, #tpu.memory_space<vmem>>
        %dma_start3A_966 = arith.constant 0 : i32
        %dma_start3A_967 = arith.constant 0 : i32
        %dma_start3A_968 = tpu.memref_slice %arg3[%dma_start3A_966, %dma_start3A_967] : memref<1000000x32xf32, #tpu.memory_space<hbm>> -> memref<1000000x32xf32, #tpu.memory_space<hbm>>
        tpu.enqueue_indirect_dma source(%dma_start3A_968 : memref<1000000x32xf32, #tpu.memory_space<hbm>>) target(%dma_start3A_962 : memref<128x32xf32, #tpu.memory_space<vmem>>) offsets(%dma_start3A_965 : memref<128xi32, #tpu.memory_space<vmem>>) semaphore(%arg8 : memref<!tpu.dma_semaphore, #tpu.memory_space<semaphore_mem>>)
      } else {
      }
      %gt3A = arith.constant 0 : i32
      %gt3A_816 = arith.cmpi sgt, %scan3A_730, %gt3A : i32
      %convert_element_type3A_817 = arith.extui %gt3A_816 : i1 to i32
      %cond3A_818 = arith.constant 0 : i32
      %cond3A_819 = arith.cmpi ne, %convert_element_type3A_817, %cond3A_818 : i32
      scf.if %cond3A_819 {
        %dma_wait3A_822 = arith.constant 0 : i32
        %dma_wait3A_823 = arith.constant 0 : i32
        %dma_wait3A_824 = arith.constant 0 : i32
        %dma_wait3A_825 = arith.constant 0 : i32
        %dma_wait3A_826 = arith.constant 0 : i32
        %dma_wait3A_827 = arith.constant 0 : i32
        %dma_wait3A_828 = tpu.memref_slice %arg7[%dma_wait3A_822, %dma_wait3A_826, %dma_wait3A_827] : memref<32x8x129xf32, #tpu.memory_space<vmem>> -> memref<1x8x128xf32, #tpu.memory_space<vmem>>
        %dma_wait3A_829 = tpu.memref_squeeze %dma_wait3A_828 : memref<1x8x128xf32, #tpu.memory_space<vmem>> -> memref<8x128xf32, #tpu.memory_space<vmem>>
        %dma_wait3A_830 = arith.constant 0 : i32
        %dma_wait3A_831 = arith.constant 0 : i32
        %dma_wait3A_832 = tpu.memref_slice %arg4[%dma_wait3A_823, %dma_wait3A_824, %dma_wait3A_825, %dma_wait3A_830, %dma_wait3A_831] : memref<200x4x32x8x128xf32, #tpu.memory_space<hbm>> -> memref<1x1x1x8x128xf32, #tpu.memory_space<hbm>>
        %dma_wait3A_833 = tpu.memref_squeeze %dma_wait3A_832 : memref<1x1x1x8x128xf32, #tpu.memory_space<hbm>> -> memref<8x128xf32, #tpu.memory_space<hbm>>
        %dma_wait3A_834 = arith.constant 0 : i32
        %dma_wait3A_835 = arith.constant 0 : i32
        %dma_wait3A_836 = tpu.memref_slice %arg4[%dma_wait3A_823, %dma_wait3A_824, %dma_wait3A_825, %dma_wait3A_834, %dma_wait3A_835] : memref<200x4x32x8x128xf32, #tpu.memory_space<hbm>> -> memref<1x1x1x8x128xf32, #tpu.memory_space<hbm>>
        %dma_wait3A_837 = tpu.memref_squeeze %dma_wait3A_836 : memref<1x1x1x8x128xf32, #tpu.memory_space<hbm>> -> memref<8x128xf32, #tpu.memory_space<hbm>>
        %dma_wait3A_838 = arith.constant 0 : i32
        %dma_wait3A_839 = arith.constant 0 : i32
        %dma_wait3A_840 = tpu.memref_slice %arg7[%dma_wait3A_822, %dma_wait3A_838, %dma_wait3A_839] : memref<32x8x129xf32, #tpu.memory_space<vmem>> -> memref<1x8x128xf32, #tpu.memory_space<vmem>>
        %dma_wait3A_841 = tpu.memref_squeeze %dma_wait3A_840 : memref<1x8x128xf32, #tpu.memory_space<vmem>> -> memref<8x128xf32, #tpu.memory_space<vmem>>
        tpu.wait_dma2 semaphore(%arg9 : memref<!tpu.dma_semaphore, #tpu.memory_space<semaphore_mem>>) src(%dma_wait3A_841 : memref<8x128xf32, #tpu.memory_space<vmem>>) dst(%dma_wait3A_837 : memref<8x128xf32, #tpu.memory_space<hbm>>)
        %dma_wait3A_842 = arith.constant 0 : i32
        %dma_wait3A_843 = arith.constant 0 : i32
        %dma_wait3A_844 = arith.constant 0 : i32
        %dma_wait3A_845 = arith.constant 0 : i32
        %dma_wait3A_846 = arith.constant 0 : i32
        %dma_wait3A_847 = arith.constant 0 : i32
        %dma_wait3A_848 = tpu.memref_slice %arg7[%dma_wait3A_842, %dma_wait3A_846, %dma_wait3A_847] : memref<32x8x129xf32, #tpu.memory_space<vmem>> -> memref<1x8x128xf32, #tpu.memory_space<vmem>>
        %dma_wait3A_849 = tpu.memref_squeeze %dma_wait3A_848 : memref<1x8x128xf32, #tpu.memory_space<vmem>> -> memref<8x128xf32, #tpu.memory_space<vmem>>
        %dma_wait3A_850 = arith.constant 0 : i32
        %dma_wait3A_851 = arith.constant 0 : i32
        %dma_wait3A_852 = tpu.memref_slice %arg4[%dma_wait3A_843, %dma_wait3A_844, %dma_wait3A_845, %dma_wait3A_850, %dma_wait3A_851] : memref<200x4x32x8x128xf32, #tpu.memory_space<hbm>> -> memref<1x1x1x8x128xf32, #tpu.memory_space<hbm>>
        %dma_wait3A_853 = tpu.memref_squeeze %dma_wait3A_852 : memref<1x1x1x8x128xf32, #tpu.memory_space<hbm>> -> memref<8x128xf32, #tpu.memory_space<hbm>>
        %dma_wait3A_854 = arith.constant 0 : i32
        %dma_wait3A_855 = arith.constant 0 : i32
        %dma_wait3A_856 = tpu.memref_slice %arg4[%dma_wait3A_843, %dma_wait3A_844, %dma_wait3A_845, %dma_wait3A_854, %dma_wait3A_855] : memref<200x4x32x8x128xf32, #tpu.memory_space<hbm>> -> memref<1x1x1x8x128xf32, #tpu.memory_space<hbm>>
        %dma_wait3A_857 = tpu.memref_squeeze %dma_wait3A_856 : memref<1x1x1x8x128xf32, #tpu.memory_space<hbm>> -> memref<8x128xf32, #tpu.memory_space<hbm>>
        %dma_wait3A_858 = arith.constant 0 : i32
        %dma_wait3A_859 = arith.constant 0 : i32
        %dma_wait3A_860 = tpu.memref_slice %arg7[%dma_wait3A_842, %dma_wait3A_858, %dma_wait3A_859] : memref<32x8x129xf32, #tpu.memory_space<vmem>> -> memref<1x8x128xf32, #tpu.memory_space<vmem>>
        %dma_wait3A_861 = tpu.memref_squeeze %dma_wait3A_860 : memref<1x8x128xf32, #tpu.memory_space<vmem>> -> memref<8x128xf32, #tpu.memory_space<vmem>>
        tpu.wait_dma2 semaphore(%arg9 : memref<!tpu.dma_semaphore, #tpu.memory_space<semaphore_mem>>) src(%dma_wait3A_861 : memref<8x128xf32, #tpu.memory_space<vmem>>) dst(%dma_wait3A_857 : memref<8x128xf32, #tpu.memory_space<hbm>>)
        %dma_wait3A_862 = arith.constant 0 : i32
        %dma_wait3A_863 = arith.constant 0 : i32
        %dma_wait3A_864 = arith.constant 0 : i32
        %dma_wait3A_865 = arith.constant 0 : i32
        %dma_wait3A_866 = arith.constant 0 : i32
        %dma_wait3A_867 = arith.constant 0 : i32
        %dma_wait3A_868 = tpu.memref_slice %arg7[%dma_wait3A_862, %dma_wait3A_866, %dma_wait3A_867] : memref<32x8x129xf32, #tpu.memory_space<vmem>> -> memref<1x8x128xf32, #tpu.memory_space<vmem>>
        %dma_wait3A_869 = tpu.memref_squeeze %dma_wait3A_868 : memref<1x8x128xf32, #tpu.memory_space<vmem>> -> memref<8x128xf32, #tpu.memory_space<vmem>>
        %dma_wait3A_870 = arith.constant 0 : i32
        %dma_wait3A_871 = arith.constant 0 : i32
        %dma_wait3A_872 = tpu.memref_slice %arg4[%dma_wait3A_863, %dma_wait3A_864, %dma_wait3A_865, %dma_wait3A_870, %dma_wait3A_871] : memref<200x4x32x8x128xf32, #tpu.memory_space<hbm>> -> memref<1x1x1x8x128xf32, #tpu.memory_space<hbm>>
        %dma_wait3A_873 = tpu.memref_squeeze %dma_wait3A_872 : memref<1x1x1x8x128xf32, #tpu.memory_space<hbm>> -> memref<8x128xf32, #tpu.memory_space<hbm>>
        %dma_wait3A_874 = arith.constant 0 : i32
        %dma_wait3A_875 = arith.constant 0 : i32
        %dma_wait3A_876 = tpu.memref_slice %arg4[%dma_wait3A_863, %dma_wait3A_864, %dma_wait3A_865, %dma_wait3A_874, %dma_wait3A_875] : memref<200x4x32x8x128xf32, #tpu.memory_space<hbm>> -> memref<1x1x1x8x128xf32, #tpu.memory_space<hbm>>
        %dma_wait3A_877 = tpu.memref_squeeze %dma_wait3A_876 : memref<1x1x1x8x128xf32, #tpu.memory_space<hbm>> -> memref<8x128xf32, #tpu.memory_space<hbm>>
        %dma_wait3A_878 = arith.constant 0 : i32
        %dma_wait3A_879 = arith.constant 0 : i32
        %dma_wait3A_880 = tpu.memref_slice %arg7[%dma_wait3A_862, %dma_wait3A_878, %dma_wait3A_879] : memref<32x8x129xf32, #tpu.memory_space<vmem>> -> memref<1x8x128xf32, #tpu.memory_space<vmem>>
        %dma_wait3A_881 = tpu.memref_squeeze %dma_wait3A_880 : memref<1x8x128xf32, #tpu.memory_space<vmem>> -> memref<8x128xf32, #tpu.memory_space<vmem>>
        tpu.wait_dma2 semaphore(%arg9 : memref<!tpu.dma_semaphore, #tpu.memory_space<semaphore_mem>>) src(%dma_wait3A_881 : memref<8x128xf32, #tpu.memory_space<vmem>>) dst(%dma_wait3A_877 : memref<8x128xf32, #tpu.memory_space<hbm>>)
        %dma_wait3A_882 = arith.constant 0 : i32
        %dma_wait3A_883 = arith.constant 0 : i32
        %dma_wait3A_884 = arith.constant 0 : i32
        %dma_wait3A_885 = arith.constant 0 : i32
        %dma_wait3A_886 = arith.constant 0 : i32
        %dma_wait3A_887 = arith.constant 0 : i32
        %dma_wait3A_888 = tpu.memref_slice %arg7[%dma_wait3A_882, %dma_wait3A_886, %dma_wait3A_887] : memref<32x8x129xf32, #tpu.memory_space<vmem>> -> memref<1x8x128xf32, #tpu.memory_space<vmem>>
        %dma_wait3A_889 = tpu.memref_squeeze %dma_wait3A_888 : memref<1x8x128xf32, #tpu.memory_space<vmem>> -> memref<8x128xf32, #tpu.memory_space<vmem>>
        %dma_wait3A_890 = arith.constant 0 : i32
        %dma_wait3A_891 = arith.constant 0 : i32
        %dma_wait3A_892 = tpu.memref_slice %arg4[%dma_wait3A_883, %dma_wait3A_884, %dma_wait3A_885, %dma_wait3A_890, %dma_wait3A_891] : memref<200x4x32x8x128xf32, #tpu.memory_space<hbm>> -> memref<1x1x1x8x128xf32, #tpu.memory_space<hbm>>
        %dma_wait3A_893 = tpu.memref_squeeze %dma_wait3A_892 : memref<1x1x1x8x128xf32, #tpu.memory_space<hbm>> -> memref<8x128xf32, #tpu.memory_space<hbm>>
        %dma_wait3A_894 = arith.constant 0 : i32
        %dma_wait3A_895 = arith.constant 0 : i32
        %dma_wait3A_896 = tpu.memref_slice %arg4[%dma_wait3A_883, %dma_wait3A_884, %dma_wait3A_885, %dma_wait3A_894, %dma_wait3A_895] : memref<200x4x32x8x128xf32, #tpu.memory_space<hbm>> -> memref<1x1x1x8x128xf32, #tpu.memory_space<hbm>>
        %dma_wait3A_897 = tpu.memref_squeeze %dma_wait3A_896 : memref<1x1x1x8x128xf32, #tpu.memory_space<hbm>> -> memref<8x128xf32, #tpu.memory_space<hbm>>
        %dma_wait3A_898 = arith.constant 0 : i32
        %dma_wait3A_899 = arith.constant 0 : i32
        %dma_wait3A_900 = tpu.memref_slice %arg7[%dma_wait3A_882, %dma_wait3A_898, %dma_wait3A_899] : memref<32x8x129xf32, #tpu.memory_space<vmem>> -> memref<1x8x128xf32, #tpu.memory_space<vmem>>
        %dma_wait3A_901 = tpu.memref_squeeze %dma_wait3A_900 : memref<1x8x128xf32, #tpu.memory_space<vmem>> -> memref<8x128xf32, #tpu.memory_space<vmem>>
        tpu.wait_dma2 semaphore(%arg9 : memref<!tpu.dma_semaphore, #tpu.memory_space<semaphore_mem>>) src(%dma_wait3A_901 : memref<8x128xf32, #tpu.memory_space<vmem>>) dst(%dma_wait3A_897 : memref<8x128xf32, #tpu.memory_space<hbm>>)
        %dma_wait3A_902 = arith.constant 0 : i32
        %dma_wait3A_903 = arith.constant 0 : i32
        %dma_wait3A_904 = arith.constant 0 : i32
        %dma_wait3A_905 = arith.constant 0 : i32
        %dma_wait3A_906 = arith.constant 0 : i32
        %dma_wait3A_907 = arith.constant 0 : i32
        %dma_wait3A_908 = tpu.memref_slice %arg7[%dma_wait3A_902, %dma_wait3A_906, %dma_wait3A_907] : memref<32x8x129xf32, #tpu.memory_space<vmem>> -> memref<1x8x128xf32, #tpu.memory_space<vmem>>
        %dma_wait3A_909 = tpu.memref_squeeze %dma_wait3A_908 : memref<1x8x128xf32, #tpu.memory_space<vmem>> -> memref<8x128xf32, #tpu.memory_space<vmem>>
        %dma_wait3A_910 = arith.constant 0 : i32
        %dma_wait3A_911 = arith.constant 0 : i32
        %dma_wait3A_912 = tpu.memref_slice %arg4[%dma_wait3A_903, %dma_wait3A_904, %dma_wait3A_905, %dma_wait3A_910, %dma_wait3A_911] : memref<200x4x32x8x128xf32, #tpu.memory_space<hbm>> -> memref<1x1x1x8x128xf32, #tpu.memory_space<hbm>>
        %dma_wait3A_913 = tpu.memref_squeeze %dma_wait3A_912 : memref<1x1x1x8x128xf32, #tpu.memory_space<hbm>> -> memref<8x128xf32, #tpu.memory_space<hbm>>
        %dma_wait3A_914 = arith.constant 0 : i32
        %dma_wait3A_915 = arith.constant 0 : i32
        %dma_wait3A_916 = tpu.memref_slice %arg4[%dma_wait3A_903, %dma_wait3A_904, %dma_wait3A_905, %dma_wait3A_914, %dma_wait3A_915] : memref<200x4x32x8x128xf32, #tpu.memory_space<hbm>> -> memref<1x1x1x8x128xf32, #tpu.memory_space<hbm>>
        %dma_wait3A_917 = tpu.memref_squeeze %dma_wait3A_916 : memref<1x1x1x8x128xf32, #tpu.memory_space<hbm>> -> memref<8x128xf32, #tpu.memory_space<hbm>>
        %dma_wait3A_918 = arith.constant 0 : i32
        %dma_wait3A_919 = arith.constant 0 : i32
        %dma_wait3A_920 = tpu.memref_slice %arg7[%dma_wait3A_902, %dma_wait3A_918, %dma_wait3A_919] : memref<32x8x129xf32, #tpu.memory_space<vmem>> -> memref<1x8x128xf32, #tpu.memory_space<vmem>>
        %dma_wait3A_921 = tpu.memref_squeeze %dma_wait3A_920 : memref<1x8x128xf32, #tpu.memory_space<vmem>> -> memref<8x128xf32, #tpu.memory_space<vmem>>
        tpu.wait_dma2 semaphore(%arg9 : memref<!tpu.dma_semaphore, #tpu.memory_space<semaphore_mem>>) src(%dma_wait3A_921 : memref<8x128xf32, #tpu.memory_space<vmem>>) dst(%dma_wait3A_917 : memref<8x128xf32, #tpu.memory_space<hbm>>)
        %dma_wait3A_922 = arith.constant 0 : i32
        %dma_wait3A_923 = arith.constant 0 : i32
        %dma_wait3A_924 = arith.constant 0 : i32
        %dma_wait3A_925 = arith.constant 0 : i32
        %dma_wait3A_926 = arith.constant 0 : i32
        %dma_wait3A_927 = arith.constant 0 : i32
        %dma_wait3A_928 = tpu.memref_slice %arg7[%dma_wait3A_922, %dma_wait3A_926, %dma_wait3A_927] : memref<32x8x129xf32, #tpu.memory_space<vmem>> -> memref<1x8x128xf32, #tpu.memory_space<vmem>>
        %dma_wait3A_929 = tpu.memref_squeeze %dma_wait3A_928 : memref<1x8x128xf32, #tpu.memory_space<vmem>> -> memref<8x128xf32, #tpu.memory_space<vmem>>
        %dma_wait3A_930 = arith.constant 0 : i32
        %dma_wait3A_931 = arith.constant 0 : i32
        %dma_wait3A_932 = tpu.memref_slice %arg4[%dma_wait3A_923, %dma_wait3A_924, %dma_wait3A_925, %dma_wait3A_930, %dma_wait3A_931] : memref<200x4x32x8x128xf32, #tpu.memory_space<hbm>> -> memref<1x1x1x8x128xf32, #tpu.memory_space<hbm>>
        %dma_wait3A_933 = tpu.memref_squeeze %dma_wait3A_932 : memref<1x1x1x8x128xf32, #tpu.memory_space<hbm>> -> memref<8x128xf32, #tpu.memory_space<hbm>>
        %dma_wait3A_934 = arith.constant 0 : i32
        %dma_wait3A_935 = arith.constant 0 : i32
        %dma_wait3A_936 = tpu.memref_slice %arg4[%dma_wait3A_923, %dma_wait3A_924, %dma_wait3A_925, %dma_wait3A_934, %dma_wait3A_935] : memref<200x4x32x8x128xf32, #tpu.memory_space<hbm>> -> memref<1x1x1x8x128xf32, #tpu.memory_space<hbm>>
        %dma_wait3A_937 = tpu.memref_squeeze %dma_wait3A_936 : memref<1x1x1x8x128xf32, #tpu.memory_space<hbm>> -> memref<8x128xf32, #tpu.memory_space<hbm>>
        %dma_wait3A_938 = arith.constant 0 : i32
        %dma_wait3A_939 = arith.constant 0 : i32
        %dma_wait3A_940 = tpu.memref_slice %arg7[%dma_wait3A_922, %dma_wait3A_938, %dma_wait3A_939] : memref<32x8x129xf32, #tpu.memory_space<vmem>> -> memref<1x8x128xf32, #tpu.memory_space<vmem>>
        %dma_wait3A_941 = tpu.memref_squeeze %dma_wait3A_940 : memref<1x8x128xf32, #tpu.memory_space<vmem>> -> memref<8x128xf32, #tpu.memory_space<vmem>>
        tpu.wait_dma2 semaphore(%arg9 : memref<!tpu.dma_semaphore, #tpu.memory_space<semaphore_mem>>) src(%dma_wait3A_941 : memref<8x128xf32, #tpu.memory_space<vmem>>) dst(%dma_wait3A_937 : memref<8x128xf32, #tpu.memory_space<hbm>>)
        %dma_wait3A_942 = arith.constant 0 : i32
        %dma_wait3A_943 = arith.constant 0 : i32
        %dma_wait3A_944 = arith.constant 0 : i32
        %dma_wait3A_945 = arith.constant 0 : i32
        %dma_wait3A_946 = arith.constant 0 : i32
        %dma_wait3A_947 = arith.constant 0 : i32
        %dma_wait3A_948 = tpu.memref_slice %arg7[%dma_wait3A_942, %dma_wait3A_946, %dma_wait3A_947] : memref<32x8x129xf32, #tpu.memory_space<vmem>> -> memref<1x8x128xf32, #tpu.memory_space<vmem>>
        %dma_wait3A_949 = tpu.memref_squeeze %dma_wait3A_948 : memref<1x8x128xf32, #tpu.memory_space<vmem>> -> memref<8x128xf32, #tpu.memory_space<vmem>>
        %dma_wait3A_950 = arith.constant 0 : i32
        %dma_wait3A_951 = arith.constant 0 : i32
        %dma_wait3A_952 = tpu.memref_slice %arg4[%dma_wait3A_943, %dma_wait3A_944, %dma_wait3A_945, %dma_wait3A_950, %dma_wait3A_951] : memref<200x4x32x8x128xf32, #tpu.memory_space<hbm>> -> memref<1x1x1x8x128xf32, #tpu.memory_space<hbm>>
        %dma_wait3A_953 = tpu.memref_squeeze %dma_wait3A_952 : memref<1x1x1x8x128xf32, #tpu.memory_space<hbm>> -> memref<8x128xf32, #tpu.memory_space<hbm>>
        %dma_wait3A_954 = arith.constant 0 : i32
        %dma_wait3A_955 = arith.constant 0 : i32
        %dma_wait3A_956 = tpu.memref_slice %arg4[%dma_wait3A_943, %dma_wait3A_944, %dma_wait3A_945, %dma_wait3A_954, %dma_wait3A_955] : memref<200x4x32x8x128xf32, #tpu.memory_space<hbm>> -> memref<1x1x1x8x128xf32, #tpu.memory_space<hbm>>
        %dma_wait3A_957 = tpu.memref_squeeze %dma_wait3A_956 : memref<1x1x1x8x128xf32, #tpu.memory_space<hbm>> -> memref<8x128xf32, #tpu.memory_space<hbm>>
        %dma_wait3A_958 = arith.constant 0 : i32
        %dma_wait3A_959 = arith.constant 0 : i32
        %dma_wait3A_960 = tpu.memref_slice %arg7[%dma_wait3A_942, %dma_wait3A_958, %dma_wait3A_959] : memref<32x8x129xf32, #tpu.memory_space<vmem>> -> memref<1x8x128xf32, #tpu.memory_space<vmem>>
        %dma_wait3A_961 = tpu.memref_squeeze %dma_wait3A_960 : memref<1x8x128xf32, #tpu.memory_space<vmem>> -> memref<8x128xf32, #tpu.memory_space<vmem>>
        tpu.wait_dma2 semaphore(%arg9 : memref<!tpu.dma_semaphore, #tpu.memory_space<semaphore_mem>>) src(%dma_wait3A_961 : memref<8x128xf32, #tpu.memory_space<vmem>>) dst(%dma_wait3A_957 : memref<8x128xf32, #tpu.memory_space<hbm>>)
        %dma_wait3A_962 = arith.constant 0 : i32
        %dma_wait3A_963 = arith.constant 0 : i32
        %dma_wait3A_964 = arith.constant 0 : i32
        %dma_wait3A_965 = arith.constant 0 : i32
        %dma_wait3A_966 = arith.constant 0 : i32
        %dma_wait3A_967 = arith.constant 0 : i32
        %dma_wait3A_968 = tpu.memref_slice %arg7[%dma_wait3A_962, %dma_wait3A_966, %dma_wait3A_967] : memref<32x8x129xf32, #tpu.memory_space<vmem>> -> memref<1x8x128xf32, #tpu.memory_space<vmem>>
        %dma_wait3A_969 = tpu.memref_squeeze %dma_wait3A_968 : memref<1x8x128xf32, #tpu.memory_space<vmem>> -> memref<8x128xf32, #tpu.memory_space<vmem>>
        %dma_wait3A_970 = arith.constant 0 : i32
        %dma_wait3A_971 = arith.constant 0 : i32
        %dma_wait3A_972 = tpu.memref_slice %arg4[%dma_wait3A_963, %dma_wait3A_964, %dma_wait3A_965, %dma_wait3A_970, %dma_wait3A_971] : memref<200x4x32x8x128xf32, #tpu.memory_space<hbm>> -> memref<1x1x1x8x128xf32, #tpu.memory_space<hbm>>
        %dma_wait3A_973 = tpu.memref_squeeze %dma_wait3A_972 : memref<1x1x1x8x128xf32, #tpu.memory_space<hbm>> -> memref<8x128xf32, #tpu.memory_space<hbm>>
        %dma_wait3A_974 = arith.constant 0 : i32
        %dma_wait3A_975 = arith.constant 0 : i32
        %dma_wait3A_976 = tpu.memref_slice %arg4[%dma_wait3A_963, %dma_wait3A_964, %dma_wait3A_965, %dma_wait3A_974, %dma_wait3A_975] : memref<200x4x32x8x128xf32, #tpu.memory_space<hbm>> -> memref<1x1x1x8x128xf32, #tpu.memory_space<hbm>>
        %dma_wait3A_977 = tpu.memref_squeeze %dma_wait3A_976 : memref<1x1x1x8x128xf32, #tpu.memory_space<hbm>> -> memref<8x128xf32, #tpu.memory_space<hbm>>
        %dma_wait3A_978 = arith.constant 0 : i32
        %dma_wait3A_979 = arith.constant 0 : i32
        %dma_wait3A_980 = tpu.memref_slice %arg7[%dma_wait3A_962, %dma_wait3A_978, %dma_wait3A_979] : memref<32x8x129xf32, #tpu.memory_space<vmem>> -> memref<1x8x128xf32, #tpu.memory_space<vmem>>
        %dma_wait3A_981 = tpu.memref_squeeze %dma_wait3A_980 : memref<1x8x128xf32, #tpu.memory_space<vmem>> -> memref<8x128xf32, #tpu.memory_space<vmem>>
        tpu.wait_dma2 semaphore(%arg9 : memref<!tpu.dma_semaphore, #tpu.memory_space<semaphore_mem>>) src(%dma_wait3A_981 : memref<8x128xf32, #tpu.memory_space<vmem>>) dst(%dma_wait3A_977 : memref<8x128xf32, #tpu.memory_space<hbm>>)
        %dma_wait3A_982 = arith.constant 0 : i32
        %dma_wait3A_983 = arith.constant 0 : i32
        %dma_wait3A_984 = arith.constant 0 : i32
        %dma_wait3A_985 = arith.constant 0 : i32
        %dma_wait3A_986 = arith.constant 0 : i32
        %dma_wait3A_987 = arith.constant 0 : i32
        %dma_wait3A_988 = tpu.memref_slice %arg7[%dma_wait3A_982, %dma_wait3A_986, %dma_wait3A_987] : memref<32x8x129xf32, #tpu.memory_space<vmem>> -> memref<1x8x128xf32, #tpu.memory_space<vmem>>
        %dma_wait3A_989 = tpu.memref_squeeze %dma_wait3A_988 : memref<1x8x128xf32, #tpu.memory_space<vmem>> -> memref<8x128xf32, #tpu.memory_space<vmem>>
        %dma_wait3A_990 = arith.constant 0 : i32
        %dma_wait3A_991 = arith.constant 0 : i32
        %dma_wait3A_992 = tpu.memref_slice %arg4[%dma_wait3A_983, %dma_wait3A_984, %dma_wait3A_985, %dma_wait3A_990, %dma_wait3A_991] : memref<200x4x32x8x128xf32, #tpu.memory_space<hbm>> -> memref<1x1x1x8x128xf32, #tpu.memory_space<hbm>>
        %dma_wait3A_993 = tpu.memref_squeeze %dma_wait3A_992 : memref<1x1x1x8x128xf32, #tpu.memory_space<hbm>> -> memref<8x128xf32, #tpu.memory_space<hbm>>
        %dma_wait3A_994 = arith.constant 0 : i32
        %dma_wait3A_995 = arith.constant 0 : i32
        %dma_wait3A_996 = tpu.memref_slice %arg4[%dma_wait3A_983, %dma_wait3A_984, %dma_wait3A_985, %dma_wait3A_994, %dma_wait3A_995] : memref<200x4x32x8x128xf32, #tpu.memory_space<hbm>> -> memref<1x1x1x8x128xf32, #tpu.memory_space<hbm>>
        %dma_wait3A_997 = tpu.memref_squeeze %dma_wait3A_996 : memref<1x1x1x8x128xf32, #tpu.memory_space<hbm>> -> memref<8x128xf32, #tpu.memory_space<hbm>>
        %dma_wait3A_998 = arith.constant 0 : i32
        %dma_wait3A_999 = arith.constant 0 : i32
        %dma_wait3A_1000 = tpu.memref_slice %arg7[%dma_wait3A_982, %dma_wait3A_998, %dma_wait3A_999] : memref<32x8x129xf32, #tpu.memory_space<vmem>> -> memref<1x8x128xf32, #tpu.memory_space<vmem>>
        %dma_wait3A_1001 = tpu.memref_squeeze %dma_wait3A_1000 : memref<1x8x128xf32, #tpu.memory_space<vmem>> -> memref<8x128xf32, #tpu.memory_space<vmem>>
        tpu.wait_dma2 semaphore(%arg9 : memref<!tpu.dma_semaphore, #tpu.memory_space<semaphore_mem>>) src(%dma_wait3A_1001 : memref<8x128xf32, #tpu.memory_space<vmem>>) dst(%dma_wait3A_997 : memref<8x128xf32, #tpu.memory_space<hbm>>)
        %dma_wait3A_1002 = arith.constant 0 : i32
        %dma_wait3A_1003 = arith.constant 0 : i32
        %dma_wait3A_1004 = arith.constant 0 : i32
        %dma_wait3A_1005 = arith.constant 0 : i32
        %dma_wait3A_1006 = arith.constant 0 : i32
        %dma_wait3A_1007 = arith.constant 0 : i32
        %dma_wait3A_1008 = tpu.memref_slice %arg7[%dma_wait3A_1002, %dma_wait3A_1006, %dma_wait3A_1007] : memref<32x8x129xf32, #tpu.memory_space<vmem>> -> memref<1x8x128xf32, #tpu.memory_space<vmem>>
        %dma_wait3A_1009 = tpu.memref_squeeze %dma_wait3A_1008 : memref<1x8x128xf32, #tpu.memory_space<vmem>> -> memref<8x128xf32, #tpu.memory_space<vmem>>
        %dma_wait3A_1010 = arith.constant 0 : i32
        %dma_wait3A_1011 = arith.constant 0 : i32
        %dma_wait3A_1012 = tpu.memref_slice %arg4[%dma_wait3A_1003, %dma_wait3A_1004, %dma_wait3A_1005, %dma_wait3A_1010, %dma_wait3A_1011] : memref<200x4x32x8x128xf32, #tpu.memory_space<hbm>> -> memref<1x1x1x8x128xf32, #tpu.memory_space<hbm>>
        %dma_wait3A_1013 = tpu.memref_squeeze %dma_wait3A_1012 : memref<1x1x1x8x128xf32, #tpu.memory_space<hbm>> -> memref<8x128xf32, #tpu.memory_space<hbm>>
        %dma_wait3A_1014 = arith.constant 0 : i32
        %dma_wait3A_1015 = arith.constant 0 : i32
        %dma_wait3A_1016 = tpu.memref_slice %arg4[%dma_wait3A_1003, %dma_wait3A_1004, %dma_wait3A_1005, %dma_wait3A_1014, %dma_wait3A_1015] : memref<200x4x32x8x128xf32, #tpu.memory_space<hbm>> -> memref<1x1x1x8x128xf32, #tpu.memory_space<hbm>>
        %dma_wait3A_1017 = tpu.memref_squeeze %dma_wait3A_1016 : memref<1x1x1x8x128xf32, #tpu.memory_space<hbm>> -> memref<8x128xf32, #tpu.memory_space<hbm>>
        %dma_wait3A_1018 = arith.constant 0 : i32
        %dma_wait3A_1019 = arith.constant 0 : i32
        %dma_wait3A_1020 = tpu.memref_slice %arg7[%dma_wait3A_1002, %dma_wait3A_1018, %dma_wait3A_1019] : memref<32x8x129xf32, #tpu.memory_space<vmem>> -> memref<1x8x128xf32, #tpu.memory_space<vmem>>
        %dma_wait3A_1021 = tpu.memref_squeeze %dma_wait3A_1020 : memref<1x8x128xf32, #tpu.memory_space<vmem>> -> memref<8x128xf32, #tpu.memory_space<vmem>>
        tpu.wait_dma2 semaphore(%arg9 : memref<!tpu.dma_semaphore, #tpu.memory_space<semaphore_mem>>) src(%dma_wait3A_1021 : memref<8x128xf32, #tpu.memory_space<vmem>>) dst(%dma_wait3A_1017 : memref<8x128xf32, #tpu.memory_space<hbm>>)
        %dma_wait3A_1022 = arith.constant 0 : i32
        %dma_wait3A_1023 = arith.constant 0 : i32
        %dma_wait3A_1024 = arith.constant 0 : i32
        %dma_wait3A_1025 = arith.constant 0 : i32
        %dma_wait3A_1026 = arith.constant 0 : i32
        %dma_wait3A_1027 = arith.constant 0 : i32
        %dma_wait3A_1028 = tpu.memref_slice %arg7[%dma_wait3A_1022, %dma_wait3A_1026, %dma_wait3A_1027] : memref<32x8x129xf32, #tpu.memory_space<vmem>> -> memref<1x8x128xf32, #tpu.memory_space<vmem>>
        %dma_wait3A_1029 = tpu.memref_squeeze %dma_wait3A_1028 : memref<1x8x128xf32, #tpu.memory_space<vmem>> -> memref<8x128xf32, #tpu.memory_space<vmem>>
        %dma_wait3A_1030 = arith.constant 0 : i32
        %dma_wait3A_1031 = arith.constant 0 : i32
        %dma_wait3A_1032 = tpu.memref_slice %arg4[%dma_wait3A_1023, %dma_wait3A_1024, %dma_wait3A_1025, %dma_wait3A_1030, %dma_wait3A_1031] : memref<200x4x32x8x128xf32, #tpu.memory_space<hbm>> -> memref<1x1x1x8x128xf32, #tpu.memory_space<hbm>>
        %dma_wait3A_1033 = tpu.memref_squeeze %dma_wait3A_1032 : memref<1x1x1x8x128xf32, #tpu.memory_space<hbm>> -> memref<8x128xf32, #tpu.memory_space<hbm>>
        %dma_wait3A_1034 = arith.constant 0 : i32
        %dma_wait3A_1035 = arith.constant 0 : i32
        %dma_wait3A_1036 = tpu.memref_slice %arg4[%dma_wait3A_1023, %dma_wait3A_1024, %dma_wait3A_1025, %dma_wait3A_1034, %dma_wait3A_1035] : memref<200x4x32x8x128xf32, #tpu.memory_space<hbm>> -> memref<1x1x1x8x128xf32, #tpu.memory_space<hbm>>
        %dma_wait3A_1037 = tpu.memref_squeeze %dma_wait3A_1036 : memref<1x1x1x8x128xf32, #tpu.memory_space<hbm>> -> memref<8x128xf32, #tpu.memory_space<hbm>>
        %dma_wait3A_1038 = arith.constant 0 : i32
        %dma_wait3A_1039 = arith.constant 0 : i32
        %dma_wait3A_1040 = tpu.memref_slice %arg7[%dma_wait3A_1022, %dma_wait3A_1038, %dma_wait3A_1039] : memref<32x8x129xf32, #tpu.memory_space<vmem>> -> memref<1x8x128xf32, #tpu.memory_space<vmem>>
        %dma_wait3A_1041 = tpu.memref_squeeze %dma_wait3A_1040 : memref<1x8x128xf32, #tpu.memory_space<vmem>> -> memref<8x128xf32, #tpu.memory_space<vmem>>
        tpu.wait_dma2 semaphore(%arg9 : memref<!tpu.dma_semaphore, #tpu.memory_space<semaphore_mem>>) src(%dma_wait3A_1041 : memref<8x128xf32, #tpu.memory_space<vmem>>) dst(%dma_wait3A_1037 : memref<8x128xf32, #tpu.memory_space<hbm>>)
        %dma_wait3A_1042 = arith.constant 0 : i32
        %dma_wait3A_1043 = arith.constant 0 : i32
        %dma_wait3A_1044 = arith.constant 0 : i32
        %dma_wait3A_1045 = arith.constant 0 : i32
        %dma_wait3A_1046 = arith.constant 0 : i32
        %dma_wait3A_1047 = arith.constant 0 : i32
        %dma_wait3A_1048 = tpu.memref_slice %arg7[%dma_wait3A_1042, %dma_wait3A_1046, %dma_wait3A_1047] : memref<32x8x129xf32, #tpu.memory_space<vmem>> -> memref<1x8x128xf32, #tpu.memory_space<vmem>>
        %dma_wait3A_1049 = tpu.memref_squeeze %dma_wait3A_1048 : memref<1x8x128xf32, #tpu.memory_space<vmem>> -> memref<8x128xf32, #tpu.memory_space<vmem>>
        %dma_wait3A_1050 = arith.constant 0 : i32
        %dma_wait3A_1051 = arith.constant 0 : i32
        %dma_wait3A_1052 = tpu.memref_slice %arg4[%dma_wait3A_1043, %dma_wait3A_1044, %dma_wait3A_1045, %dma_wait3A_1050, %dma_wait3A_1051] : memref<200x4x32x8x128xf32, #tpu.memory_space<hbm>> -> memref<1x1x1x8x128xf32, #tpu.memory_space<hbm>>
        %dma_wait3A_1053 = tpu.memref_squeeze %dma_wait3A_1052 : memref<1x1x1x8x128xf32, #tpu.memory_space<hbm>> -> memref<8x128xf32, #tpu.memory_space<hbm>>
        %dma_wait3A_1054 = arith.constant 0 : i32
        %dma_wait3A_1055 = arith.constant 0 : i32
        %dma_wait3A_1056 = tpu.memref_slice %arg4[%dma_wait3A_1043, %dma_wait3A_1044, %dma_wait3A_1045, %dma_wait3A_1054, %dma_wait3A_1055] : memref<200x4x32x8x128xf32, #tpu.memory_space<hbm>> -> memref<1x1x1x8x128xf32, #tpu.memory_space<hbm>>
        %dma_wait3A_1057 = tpu.memref_squeeze %dma_wait3A_1056 : memref<1x1x1x8x128xf32, #tpu.memory_space<hbm>> -> memref<8x128xf32, #tpu.memory_space<hbm>>
        %dma_wait3A_1058 = arith.constant 0 : i32
        %dma_wait3A_1059 = arith.constant 0 : i32
        %dma_wait3A_1060 = tpu.memref_slice %arg7[%dma_wait3A_1042, %dma_wait3A_1058, %dma_wait3A_1059] : memref<32x8x129xf32, #tpu.memory_space<vmem>> -> memref<1x8x128xf32, #tpu.memory_space<vmem>>
        %dma_wait3A_1061 = tpu.memref_squeeze %dma_wait3A_1060 : memref<1x8x128xf32, #tpu.memory_space<vmem>> -> memref<8x128xf32, #tpu.memory_space<vmem>>
        tpu.wait_dma2 semaphore(%arg9 : memref<!tpu.dma_semaphore, #tpu.memory_space<semaphore_mem>>) src(%dma_wait3A_1061 : memref<8x128xf32, #tpu.memory_space<vmem>>) dst(%dma_wait3A_1057 : memref<8x128xf32, #tpu.memory_space<hbm>>)
        %dma_wait3A_1062 = arith.constant 0 : i32
        %dma_wait3A_1063 = arith.constant 0 : i32
        %dma_wait3A_1064 = arith.constant 0 : i32
        %dma_wait3A_1065 = arith.constant 0 : i32
        %dma_wait3A_1066 = arith.constant 0 : i32
        %dma_wait3A_1067 = arith.constant 0 : i32
        %dma_wait3A_1068 = tpu.memref_slice %arg7[%dma_wait3A_1062, %dma_wait3A_1066, %dma_wait3A_1067] : memref<32x8x129xf32, #tpu.memory_space<vmem>> -> memref<1x8x128xf32, #tpu.memory_space<vmem>>
        %dma_wait3A_1069 = tpu.memref_squeeze %dma_wait3A_1068 : memref<1x8x128xf32, #tpu.memory_space<vmem>> -> memref<8x128xf32, #tpu.memory_space<vmem>>
        %dma_wait3A_1070 = arith.constant 0 : i32
        %dma_wait3A_1071 = arith.constant 0 : i32
        %dma_wait3A_1072 = tpu.memref_slice %arg4[%dma_wait3A_1063, %dma_wait3A_1064, %dma_wait3A_1065, %dma_wait3A_1070, %dma_wait3A_1071] : memref<200x4x32x8x128xf32, #tpu.memory_space<hbm>> -> memref<1x1x1x8x128xf32, #tpu.memory_space<hbm>>
        %dma_wait3A_1073 = tpu.memref_squeeze %dma_wait3A_1072 : memref<1x1x1x8x128xf32, #tpu.memory_space<hbm>> -> memref<8x128xf32, #tpu.memory_space<hbm>>
        %dma_wait3A_1074 = arith.constant 0 : i32
        %dma_wait3A_1075 = arith.constant 0 : i32
        %dma_wait3A_1076 = tpu.memref_slice %arg4[%dma_wait3A_1063, %dma_wait3A_1064, %dma_wait3A_1065, %dma_wait3A_1074, %dma_wait3A_1075] : memref<200x4x32x8x128xf32, #tpu.memory_space<hbm>> -> memref<1x1x1x8x128xf32, #tpu.memory_space<hbm>>
        %dma_wait3A_1077 = tpu.memref_squeeze %dma_wait3A_1076 : memref<1x1x1x8x128xf32, #tpu.memory_space<hbm>> -> memref<8x128xf32, #tpu.memory_space<hbm>>
        %dma_wait3A_1078 = arith.constant 0 : i32
        %dma_wait3A_1079 = arith.constant 0 : i32
        %dma_wait3A_1080 = tpu.memref_slice %arg7[%dma_wait3A_1062, %dma_wait3A_1078, %dma_wait3A_1079] : memref<32x8x129xf32, #tpu.memory_space<vmem>> -> memref<1x8x128xf32, #tpu.memory_space<vmem>>
        %dma_wait3A_1081 = tpu.memref_squeeze %dma_wait3A_1080 : memref<1x8x128xf32, #tpu.memory_space<vmem>> -> memref<8x128xf32, #tpu.memory_space<vmem>>
        tpu.wait_dma2 semaphore(%arg9 : memref<!tpu.dma_semaphore, #tpu.memory_space<semaphore_mem>>) src(%dma_wait3A_1081 : memref<8x128xf32, #tpu.memory_space<vmem>>) dst(%dma_wait3A_1077 : memref<8x128xf32, #tpu.memory_space<hbm>>)
        %dma_wait3A_1082 = arith.constant 0 : i32
        %dma_wait3A_1083 = arith.constant 0 : i32
        %dma_wait3A_1084 = arith.constant 0 : i32
        %dma_wait3A_1085 = arith.constant 0 : i32
        %dma_wait3A_1086 = arith.constant 0 : i32
        %dma_wait3A_1087 = arith.constant 0 : i32
        %dma_wait3A_1088 = tpu.memref_slice %arg7[%dma_wait3A_1082, %dma_wait3A_1086, %dma_wait3A_1087] : memref<32x8x129xf32, #tpu.memory_space<vmem>> -> memref<1x8x128xf32, #tpu.memory_space<vmem>>
        %dma_wait3A_1089 = tpu.memref_squeeze %dma_wait3A_1088 : memref<1x8x128xf32, #tpu.memory_space<vmem>> -> memref<8x128xf32, #tpu.memory_space<vmem>>
        %dma_wait3A_1090 = arith.constant 0 : i32
        %dma_wait3A_1091 = arith.constant 0 : i32
        %dma_wait3A_1092 = tpu.memref_slice %arg4[%dma_wait3A_1083, %dma_wait3A_1084, %dma_wait3A_1085, %dma_wait3A_1090, %dma_wait3A_1091] : memref<200x4x32x8x128xf32, #tpu.memory_space<hbm>> -> memref<1x1x1x8x128xf32, #tpu.memory_space<hbm>>
        %dma_wait3A_1093 = tpu.memref_squeeze %dma_wait3A_1092 : memref<1x1x1x8x128xf32, #tpu.memory_space<hbm>> -> memref<8x128xf32, #tpu.memory_space<hbm>>
        %dma_wait3A_1094 = arith.constant 0 : i32
        %dma_wait3A_1095 = arith.constant 0 : i32
        %dma_wait3A_1096 = tpu.memref_slice %arg4[%dma_wait3A_1083, %dma_wait3A_1084, %dma_wait3A_1085, %dma_wait3A_1094, %dma_wait3A_1095] : memref<200x4x32x8x128xf32, #tpu.memory_space<hbm>> -> memref<1x1x1x8x128xf32, #tpu.memory_space<hbm>>
        %dma_wait3A_1097 = tpu.memref_squeeze %dma_wait3A_1096 : memref<1x1x1x8x128xf32, #tpu.memory_space<hbm>> -> memref<8x128xf32, #tpu.memory_space<hbm>>
        %dma_wait3A_1098 = arith.constant 0 : i32
        %dma_wait3A_1099 = arith.constant 0 : i32
        %dma_wait3A_1100 = tpu.memref_slice %arg7[%dma_wait3A_1082, %dma_wait3A_1098, %dma_wait3A_1099] : memref<32x8x129xf32, #tpu.memory_space<vmem>> -> memref<1x8x128xf32, #tpu.memory_space<vmem>>
        %dma_wait3A_1101 = tpu.memref_squeeze %dma_wait3A_1100 : memref<1x8x128xf32, #tpu.memory_space<vmem>> -> memref<8x128xf32, #tpu.memory_space<vmem>>
        tpu.wait_dma2 semaphore(%arg9 : memref<!tpu.dma_semaphore, #tpu.memory_space<semaphore_mem>>) src(%dma_wait3A_1101 : memref<8x128xf32, #tpu.memory_space<vmem>>) dst(%dma_wait3A_1097 : memref<8x128xf32, #tpu.memory_space<hbm>>)
        %dma_wait3A_1102 = arith.constant 0 : i32
        %dma_wait3A_1103 = arith.constant 0 : i32
        %dma_wait3A_1104 = arith.constant 0 : i32
        %dma_wait3A_1105 = arith.constant 0 : i32
        %dma_wait3A_1106 = arith.constant 0 : i32
        %dma_wait3A_1107 = arith.constant 0 : i32
        %dma_wait3A_1108 = tpu.memref_slice %arg7[%dma_wait3A_1102, %dma_wait3A_1106, %dma_wait3A_1107] : memref<32x8x129xf32, #tpu.memory_space<vmem>> -> memref<1x8x128xf32, #tpu.memory_space<vmem>>
        %dma_wait3A_1109 = tpu.memref_squeeze %dma_wait3A_1108 : memref<1x8x128xf32, #tpu.memory_space<vmem>> -> memref<8x128xf32, #tpu.memory_space<vmem>>
        %dma_wait3A_1110 = arith.constant 0 : i32
        %dma_wait3A_1111 = arith.constant 0 : i32
        %dma_wait3A_1112 = tpu.memref_slice %arg4[%dma_wait3A_1103, %dma_wait3A_1104, %dma_wait3A_1105, %dma_wait3A_1110, %dma_wait3A_1111] : memref<200x4x32x8x128xf32, #tpu.memory_space<hbm>> -> memref<1x1x1x8x128xf32, #tpu.memory_space<hbm>>
        %dma_wait3A_1113 = tpu.memref_squeeze %dma_wait3A_1112 : memref<1x1x1x8x128xf32, #tpu.memory_space<hbm>> -> memref<8x128xf32, #tpu.memory_space<hbm>>
        %dma_wait3A_1114 = arith.constant 0 : i32
        %dma_wait3A_1115 = arith.constant 0 : i32
        %dma_wait3A_1116 = tpu.memref_slice %arg4[%dma_wait3A_1103, %dma_wait3A_1104, %dma_wait3A_1105, %dma_wait3A_1114, %dma_wait3A_1115] : memref<200x4x32x8x128xf32, #tpu.memory_space<hbm>> -> memref<1x1x1x8x128xf32, #tpu.memory_space<hbm>>
        %dma_wait3A_1117 = tpu.memref_squeeze %dma_wait3A_1116 : memref<1x1x1x8x128xf32, #tpu.memory_space<hbm>> -> memref<8x128xf32, #tpu.memory_space<hbm>>
        %dma_wait3A_1118 = arith.constant 0 : i32
        %dma_wait3A_1119 = arith.constant 0 : i32
        %dma_wait3A_1120 = tpu.memref_slice %arg7[%dma_wait3A_1102, %dma_wait3A_1118, %dma_wait3A_1119] : memref<32x8x129xf32, #tpu.memory_space<vmem>> -> memref<1x8x128xf32, #tpu.memory_space<vmem>>
        %dma_wait3A_1121 = tpu.memref_squeeze %dma_wait3A_1120 : memref<1x8x128xf32, #tpu.memory_space<vmem>> -> memref<8x128xf32, #tpu.memory_space<vmem>>
        tpu.wait_dma2 semaphore(%arg9 : memref<!tpu.dma_semaphore, #tpu.memory_space<semaphore_mem>>) src(%dma_wait3A_1121 : memref<8x128xf32, #tpu.memory_space<vmem>>) dst(%dma_wait3A_1117 : memref<8x128xf32, #tpu.memory_space<hbm>>)
        %dma_wait3A_1122 = arith.constant 0 : i32
        %dma_wait3A_1123 = arith.constant 0 : i32
        %dma_wait3A_1124 = arith.constant 0 : i32
        %dma_wait3A_1125 = arith.constant 0 : i32
        %dma_wait3A_1126 = arith.constant 0 : i32
        %dma_wait3A_1127 = arith.constant 0 : i32
        %dma_wait3A_1128 = tpu.memref_slice %arg7[%dma_wait3A_1122, %dma_wait3A_1126, %dma_wait3A_1127] : memref<32x8x129xf32, #tpu.memory_space<vmem>> -> memref<1x8x128xf32, #tpu.memory_space<vmem>>
        %dma_wait3A_1129 = tpu.memref_squeeze %dma_wait3A_1128 : memref<1x8x128xf32, #tpu.memory_space<vmem>> -> memref<8x128xf32, #tpu.memory_space<vmem>>
        %dma_wait3A_1130 = arith.constant 0 : i32
        %dma_wait3A_1131 = arith.constant 0 : i32
        %dma_wait3A_1132 = tpu.memref_slice %arg4[%dma_wait3A_1123, %dma_wait3A_1124, %dma_wait3A_1125, %dma_wait3A_1130, %dma_wait3A_1131] : memref<200x4x32x8x128xf32, #tpu.memory_space<hbm>> -> memref<1x1x1x8x128xf32, #tpu.memory_space<hbm>>
        %dma_wait3A_1133 = tpu.memref_squeeze %dma_wait3A_1132 : memref<1x1x1x8x128xf32, #tpu.memory_space<hbm>> -> memref<8x128xf32, #tpu.memory_space<hbm>>
        %dma_wait3A_1134 = arith.constant 0 : i32
        %dma_wait3A_1135 = arith.constant 0 : i32
        %dma_wait3A_1136 = tpu.memref_slice %arg4[%dma_wait3A_1123, %dma_wait3A_1124, %dma_wait3A_1125, %dma_wait3A_1134, %dma_wait3A_1135] : memref<200x4x32x8x128xf32, #tpu.memory_space<hbm>> -> memref<1x1x1x8x128xf32, #tpu.memory_space<hbm>>
        %dma_wait3A_1137 = tpu.memref_squeeze %dma_wait3A_1136 : memref<1x1x1x8x128xf32, #tpu.memory_space<hbm>> -> memref<8x128xf32, #tpu.memory_space<hbm>>
        %dma_wait3A_1138 = arith.constant 0 : i32
        %dma_wait3A_1139 = arith.constant 0 : i32
        %dma_wait3A_1140 = tpu.memref_slice %arg7[%dma_wait3A_1122, %dma_wait3A_1138, %dma_wait3A_1139] : memref<32x8x129xf32, #tpu.memory_space<vmem>> -> memref<1x8x128xf32, #tpu.memory_space<vmem>>
        %dma_wait3A_1141 = tpu.memref_squeeze %dma_wait3A_1140 : memref<1x8x128xf32, #tpu.memory_space<vmem>> -> memref<8x128xf32, #tpu.memory_space<vmem>>
        tpu.wait_dma2 semaphore(%arg9 : memref<!tpu.dma_semaphore, #tpu.memory_space<semaphore_mem>>) src(%dma_wait3A_1141 : memref<8x128xf32, #tpu.memory_space<vmem>>) dst(%dma_wait3A_1137 : memref<8x128xf32, #tpu.memory_space<hbm>>)
        %dma_wait3A_1142 = arith.constant 0 : i32
        %dma_wait3A_1143 = arith.constant 0 : i32
        %dma_wait3A_1144 = arith.constant 0 : i32
        %dma_wait3A_1145 = arith.constant 0 : i32
        %dma_wait3A_1146 = arith.constant 0 : i32
        %dma_wait3A_1147 = arith.constant 0 : i32
        %dma_wait3A_1148 = tpu.memref_slice %arg7[%dma_wait3A_1142, %dma_wait3A_1146, %dma_wait3A_1147] : memref<32x8x129xf32, #tpu.memory_space<vmem>> -> memref<1x8x128xf32, #tpu.memory_space<vmem>>
        %dma_wait3A_1149 = tpu.memref_squeeze %dma_wait3A_1148 : memref<1x8x128xf32, #tpu.memory_space<vmem>> -> memref<8x128xf32, #tpu.memory_space<vmem>>
        %dma_wait3A_1150 = arith.constant 0 : i32
        %dma_wait3A_1151 = arith.constant 0 : i32
        %dma_wait3A_1152 = tpu.memref_slice %arg4[%dma_wait3A_1143, %dma_wait3A_1144, %dma_wait3A_1145, %dma_wait3A_1150, %dma_wait3A_1151] : memref<200x4x32x8x128xf32, #tpu.memory_space<hbm>> -> memref<1x1x1x8x128xf32, #tpu.memory_space<hbm>>
        %dma_wait3A_1153 = tpu.memref_squeeze %dma_wait3A_1152 : memref<1x1x1x8x128xf32, #tpu.memory_space<hbm>> -> memref<8x128xf32, #tpu.memory_space<hbm>>
        %dma_wait3A_1154 = arith.constant 0 : i32
        %dma_wait3A_1155 = arith.constant 0 : i32
        %dma_wait3A_1156 = tpu.memref_slice %arg4[%dma_wait3A_1143, %dma_wait3A_1144, %dma_wait3A_1145, %dma_wait3A_1154, %dma_wait3A_1155] : memref<200x4x32x8x128xf32, #tpu.memory_space<hbm>> -> memref<1x1x1x8x128xf32, #tpu.memory_space<hbm>>
        %dma_wait3A_1157 = tpu.memref_squeeze %dma_wait3A_1156 : memref<1x1x1x8x128xf32, #tpu.memory_space<hbm>> -> memref<8x128xf32, #tpu.memory_space<hbm>>
        %dma_wait3A_1158 = arith.constant 0 : i32
        %dma_wait3A_1159 = arith.constant 0 : i32
        %dma_wait3A_1160 = tpu.memref_slice %arg7[%dma_wait3A_1142, %dma_wait3A_1158, %dma_wait3A_1159] : memref<32x8x129xf32, #tpu.memory_space<vmem>> -> memref<1x8x128xf32, #tpu.memory_space<vmem>>
        %dma_wait3A_1161 = tpu.memref_squeeze %dma_wait3A_1160 : memref<1x8x128xf32, #tpu.memory_space<vmem>> -> memref<8x128xf32, #tpu.memory_space<vmem>>
        tpu.wait_dma2 semaphore(%arg9 : memref<!tpu.dma_semaphore, #tpu.memory_space<semaphore_mem>>) src(%dma_wait3A_1161 : memref<8x128xf32, #tpu.memory_space<vmem>>) dst(%dma_wait3A_1157 : memref<8x128xf32, #tpu.memory_space<hbm>>)
        %dma_wait3A_1162 = arith.constant 0 : i32
        %dma_wait3A_1163 = arith.constant 0 : i32
        %dma_wait3A_1164 = arith.constant 0 : i32
        %dma_wait3A_1165 = arith.constant 0 : i32
        %dma_wait3A_1166 = arith.constant 0 : i32
        %dma_wait3A_1167 = arith.constant 0 : i32
        %dma_wait3A_1168 = tpu.memref_slice %arg7[%dma_wait3A_1162, %dma_wait3A_1166, %dma_wait3A_1167] : memref<32x8x129xf32, #tpu.memory_space<vmem>> -> memref<1x8x128xf32, #tpu.memory_space<vmem>>
        %dma_wait3A_1169 = tpu.memref_squeeze %dma_wait3A_1168 : memref<1x8x128xf32, #tpu.memory_space<vmem>> -> memref<8x128xf32, #tpu.memory_space<vmem>>
        %dma_wait3A_1170 = arith.constant 0 : i32
        %dma_wait3A_1171 = arith.constant 0 : i32
        %dma_wait3A_1172 = tpu.memref_slice %arg4[%dma_wait3A_1163, %dma_wait3A_1164, %dma_wait3A_1165, %dma_wait3A_1170, %dma_wait3A_1171] : memref<200x4x32x8x128xf32, #tpu.memory_space<hbm>> -> memref<1x1x1x8x128xf32, #tpu.memory_space<hbm>>
        %dma_wait3A_1173 = tpu.memref_squeeze %dma_wait3A_1172 : memref<1x1x1x8x128xf32, #tpu.memory_space<hbm>> -> memref<8x128xf32, #tpu.memory_space<hbm>>
        %dma_wait3A_1174 = arith.constant 0 : i32
        %dma_wait3A_1175 = arith.constant 0 : i32
        %dma_wait3A_1176 = tpu.memref_slice %arg4[%dma_wait3A_1163, %dma_wait3A_1164, %dma_wait3A_1165, %dma_wait3A_1174, %dma_wait3A_1175] : memref<200x4x32x8x128xf32, #tpu.memory_space<hbm>> -> memref<1x1x1x8x128xf32, #tpu.memory_space<hbm>>
        %dma_wait3A_1177 = tpu.memref_squeeze %dma_wait3A_1176 : memref<1x1x1x8x128xf32, #tpu.memory_space<hbm>> -> memref<8x128xf32, #tpu.memory_space<hbm>>
        %dma_wait3A_1178 = arith.constant 0 : i32
        %dma_wait3A_1179 = arith.constant 0 : i32
        %dma_wait3A_1180 = tpu.memref_slice %arg7[%dma_wait3A_1162, %dma_wait3A_1178, %dma_wait3A_1179] : memref<32x8x129xf32, #tpu.memory_space<vmem>> -> memref<1x8x128xf32, #tpu.memory_space<vmem>>
        %dma_wait3A_1181 = tpu.memref_squeeze %dma_wait3A_1180 : memref<1x8x128xf32, #tpu.memory_space<vmem>> -> memref<8x128xf32, #tpu.memory_space<vmem>>
        tpu.wait_dma2 semaphore(%arg9 : memref<!tpu.dma_semaphore, #tpu.memory_space<semaphore_mem>>) src(%dma_wait3A_1181 : memref<8x128xf32, #tpu.memory_space<vmem>>) dst(%dma_wait3A_1177 : memref<8x128xf32, #tpu.memory_space<hbm>>)
        %dma_wait3A_1182 = arith.constant 0 : i32
        %dma_wait3A_1183 = arith.constant 0 : i32
        %dma_wait3A_1184 = arith.constant 0 : i32
        %dma_wait3A_1185 = arith.constant 0 : i32
        %dma_wait3A_1186 = arith.constant 0 : i32
        %dma_wait3A_1187 = arith.constant 0 : i32
        %dma_wait3A_1188 = tpu.memref_slice %arg7[%dma_wait3A_1182, %dma_wait3A_1186, %dma_wait3A_1187] : memref<32x8x129xf32, #tpu.memory_space<vmem>> -> memref<1x8x128xf32, #tpu.memory_space<vmem>>
        %dma_wait3A_1189 = tpu.memref_squeeze %dma_wait3A_1188 : memref<1x8x128xf32, #tpu.memory_space<vmem>> -> memref<8x128xf32, #tpu.memory_space<vmem>>
        %dma_wait3A_1190 = arith.constant 0 : i32
        %dma_wait3A_1191 = arith.constant 0 : i32
        %dma_wait3A_1192 = tpu.memref_slice %arg4[%dma_wait3A_1183, %dma_wait3A_1184, %dma_wait3A_1185, %dma_wait3A_1190, %dma_wait3A_1191] : memref<200x4x32x8x128xf32, #tpu.memory_space<hbm>> -> memref<1x1x1x8x128xf32, #tpu.memory_space<hbm>>
        %dma_wait3A_1193 = tpu.memref_squeeze %dma_wait3A_1192 : memref<1x1x1x8x128xf32, #tpu.memory_space<hbm>> -> memref<8x128xf32, #tpu.memory_space<hbm>>
        %dma_wait3A_1194 = arith.constant 0 : i32
        %dma_wait3A_1195 = arith.constant 0 : i32
        %dma_wait3A_1196 = tpu.memref_slice %arg4[%dma_wait3A_1183, %dma_wait3A_1184, %dma_wait3A_1185, %dma_wait3A_1194, %dma_wait3A_1195] : memref<200x4x32x8x128xf32, #tpu.memory_space<hbm>> -> memref<1x1x1x8x128xf32, #tpu.memory_space<hbm>>
        %dma_wait3A_1197 = tpu.memref_squeeze %dma_wait3A_1196 : memref<1x1x1x8x128xf32, #tpu.memory_space<hbm>> -> memref<8x128xf32, #tpu.memory_space<hbm>>
        %dma_wait3A_1198 = arith.constant 0 : i32
        %dma_wait3A_1199 = arith.constant 0 : i32
        %dma_wait3A_1200 = tpu.memref_slice %arg7[%dma_wait3A_1182, %dma_wait3A_1198, %dma_wait3A_1199] : memref<32x8x129xf32, #tpu.memory_space<vmem>> -> memref<1x8x128xf32, #tpu.memory_space<vmem>>
        %dma_wait3A_1201 = tpu.memref_squeeze %dma_wait3A_1200 : memref<1x8x128xf32, #tpu.memory_space<vmem>> -> memref<8x128xf32, #tpu.memory_space<vmem>>
        tpu.wait_dma2 semaphore(%arg9 : memref<!tpu.dma_semaphore, #tpu.memory_space<semaphore_mem>>) src(%dma_wait3A_1201 : memref<8x128xf32, #tpu.memory_space<vmem>>) dst(%dma_wait3A_1197 : memref<8x128xf32, #tpu.memory_space<hbm>>)
        %dma_wait3A_1202 = arith.constant 0 : i32
        %dma_wait3A_1203 = arith.constant 0 : i32
        %dma_wait3A_1204 = arith.constant 0 : i32
        %dma_wait3A_1205 = arith.constant 0 : i32
        %dma_wait3A_1206 = arith.constant 0 : i32
        %dma_wait3A_1207 = arith.constant 0 : i32
        %dma_wait3A_1208 = tpu.memref_slice %arg7[%dma_wait3A_1202, %dma_wait3A_1206, %dma_wait3A_1207] : memref<32x8x129xf32, #tpu.memory_space<vmem>> -> memref<1x8x128xf32, #tpu.memory_space<vmem>>
        %dma_wait3A_1209 = tpu.memref_squeeze %dma_wait3A_1208 : memref<1x8x128xf32, #tpu.memory_space<vmem>> -> memref<8x128xf32, #tpu.memory_space<vmem>>
        %dma_wait3A_1210 = arith.constant 0 : i32
        %dma_wait3A_1211 = arith.constant 0 : i32
        %dma_wait3A_1212 = tpu.memref_slice %arg4[%dma_wait3A_1203, %dma_wait3A_1204, %dma_wait3A_1205, %dma_wait3A_1210, %dma_wait3A_1211] : memref<200x4x32x8x128xf32, #tpu.memory_space<hbm>> -> memref<1x1x1x8x128xf32, #tpu.memory_space<hbm>>
        %dma_wait3A_1213 = tpu.memref_squeeze %dma_wait3A_1212 : memref<1x1x1x8x128xf32, #tpu.memory_space<hbm>> -> memref<8x128xf32, #tpu.memory_space<hbm>>
        %dma_wait3A_1214 = arith.constant 0 : i32
        %dma_wait3A_1215 = arith.constant 0 : i32
        %dma_wait3A_1216 = tpu.memref_slice %arg4[%dma_wait3A_1203, %dma_wait3A_1204, %dma_wait3A_1205, %dma_wait3A_1214, %dma_wait3A_1215] : memref<200x4x32x8x128xf32, #tpu.memory_space<hbm>> -> memref<1x1x1x8x128xf32, #tpu.memory_space<hbm>>
        %dma_wait3A_1217 = tpu.memref_squeeze %dma_wait3A_1216 : memref<1x1x1x8x128xf32, #tpu.memory_space<hbm>> -> memref<8x128xf32, #tpu.memory_space<hbm>>
        %dma_wait3A_1218 = arith.constant 0 : i32
        %dma_wait3A_1219 = arith.constant 0 : i32
        %dma_wait3A_1220 = tpu.memref_slice %arg7[%dma_wait3A_1202, %dma_wait3A_1218, %dma_wait3A_1219] : memref<32x8x129xf32, #tpu.memory_space<vmem>> -> memref<1x8x128xf32, #tpu.memory_space<vmem>>
        %dma_wait3A_1221 = tpu.memref_squeeze %dma_wait3A_1220 : memref<1x8x128xf32, #tpu.memory_space<vmem>> -> memref<8x128xf32, #tpu.memory_space<vmem>>
        tpu.wait_dma2 semaphore(%arg9 : memref<!tpu.dma_semaphore, #tpu.memory_space<semaphore_mem>>) src(%dma_wait3A_1221 : memref<8x128xf32, #tpu.memory_space<vmem>>) dst(%dma_wait3A_1217 : memref<8x128xf32, #tpu.memory_space<hbm>>)
        %dma_wait3A_1222 = arith.constant 0 : i32
        %dma_wait3A_1223 = arith.constant 0 : i32
        %dma_wait3A_1224 = arith.constant 0 : i32
        %dma_wait3A_1225 = arith.constant 0 : i32
        %dma_wait3A_1226 = arith.constant 0 : i32
        %dma_wait3A_1227 = arith.constant 0 : i32
        %dma_wait3A_1228 = tpu.memref_slice %arg7[%dma_wait3A_1222, %dma_wait3A_1226, %dma_wait3A_1227] : memref<32x8x129xf32, #tpu.memory_space<vmem>> -> memref<1x8x128xf32, #tpu.memory_space<vmem>>
        %dma_wait3A_1229 = tpu.memref_squeeze %dma_wait3A_1228 : memref<1x8x128xf32, #tpu.memory_space<vmem>> -> memref<8x128xf32, #tpu.memory_space<vmem>>
        %dma_wait3A_1230 = arith.constant 0 : i32
        %dma_wait3A_1231 = arith.constant 0 : i32
        %dma_wait3A_1232 = tpu.memref_slice %arg4[%dma_wait3A_1223, %dma_wait3A_1224, %dma_wait3A_1225, %dma_wait3A_1230, %dma_wait3A_1231] : memref<200x4x32x8x128xf32, #tpu.memory_space<hbm>> -> memref<1x1x1x8x128xf32, #tpu.memory_space<hbm>>
        %dma_wait3A_1233 = tpu.memref_squeeze %dma_wait3A_1232 : memref<1x1x1x8x128xf32, #tpu.memory_space<hbm>> -> memref<8x128xf32, #tpu.memory_space<hbm>>
        %dma_wait3A_1234 = arith.constant 0 : i32
        %dma_wait3A_1235 = arith.constant 0 : i32
        %dma_wait3A_1236 = tpu.memref_slice %arg4[%dma_wait3A_1223, %dma_wait3A_1224, %dma_wait3A_1225, %dma_wait3A_1234, %dma_wait3A_1235] : memref<200x4x32x8x128xf32, #tpu.memory_space<hbm>> -> memref<1x1x1x8x128xf32, #tpu.memory_space<hbm>>
        %dma_wait3A_1237 = tpu.memref_squeeze %dma_wait3A_1236 : memref<1x1x1x8x128xf32, #tpu.memory_space<hbm>> -> memref<8x128xf32, #tpu.memory_space<hbm>>
        %dma_wait3A_1238 = arith.constant 0 : i32
        %dma_wait3A_1239 = arith.constant 0 : i32
        %dma_wait3A_1240 = tpu.memref_slice %arg7[%dma_wait3A_1222, %dma_wait3A_1238, %dma_wait3A_1239] : memref<32x8x129xf32, #tpu.memory_space<vmem>> -> memref<1x8x128xf32, #tpu.memory_space<vmem>>
        %dma_wait3A_1241 = tpu.memref_squeeze %dma_wait3A_1240 : memref<1x8x128xf32, #tpu.memory_space<vmem>> -> memref<8x128xf32, #tpu.memory_space<vmem>>
        tpu.wait_dma2 semaphore(%arg9 : memref<!tpu.dma_semaphore, #tpu.memory_space<semaphore_mem>>) src(%dma_wait3A_1241 : memref<8x128xf32, #tpu.memory_space<vmem>>) dst(%dma_wait3A_1237 : memref<8x128xf32, #tpu.memory_space<hbm>>)
        %dma_wait3A_1242 = arith.constant 0 : i32
        %dma_wait3A_1243 = arith.constant 0 : i32
        %dma_wait3A_1244 = arith.constant 0 : i32
        %dma_wait3A_1245 = arith.constant 0 : i32
        %dma_wait3A_1246 = arith.constant 0 : i32
        %dma_wait3A_1247 = arith.constant 0 : i32
        %dma_wait3A_1248 = tpu.memref_slice %arg7[%dma_wait3A_1242, %dma_wait3A_1246, %dma_wait3A_1247] : memref<32x8x129xf32, #tpu.memory_space<vmem>> -> memref<1x8x128xf32, #tpu.memory_space<vmem>>
        %dma_wait3A_1249 = tpu.memref_squeeze %dma_wait3A_1248 : memref<1x8x128xf32, #tpu.memory_space<vmem>> -> memref<8x128xf32, #tpu.memory_space<vmem>>
        %dma_wait3A_1250 = arith.constant 0 : i32
        %dma_wait3A_1251 = arith.constant 0 : i32
        %dma_wait3A_1252 = tpu.memref_slice %arg4[%dma_wait3A_1243, %dma_wait3A_1244, %dma_wait3A_1245, %dma_wait3A_1250, %dma_wait3A_1251] : memref<200x4x32x8x128xf32, #tpu.memory_space<hbm>> -> memref<1x1x1x8x128xf32, #tpu.memory_space<hbm>>
        %dma_wait3A_1253 = tpu.memref_squeeze %dma_wait3A_1252 : memref<1x1x1x8x128xf32, #tpu.memory_space<hbm>> -> memref<8x128xf32, #tpu.memory_space<hbm>>
        %dma_wait3A_1254 = arith.constant 0 : i32
        %dma_wait3A_1255 = arith.constant 0 : i32
        %dma_wait3A_1256 = tpu.memref_slice %arg4[%dma_wait3A_1243, %dma_wait3A_1244, %dma_wait3A_1245, %dma_wait3A_1254, %dma_wait3A_1255] : memref<200x4x32x8x128xf32, #tpu.memory_space<hbm>> -> memref<1x1x1x8x128xf32, #tpu.memory_space<hbm>>
        %dma_wait3A_1257 = tpu.memref_squeeze %dma_wait3A_1256 : memref<1x1x1x8x128xf32, #tpu.memory_space<hbm>> -> memref<8x128xf32, #tpu.memory_space<hbm>>
        %dma_wait3A_1258 = arith.constant 0 : i32
        %dma_wait3A_1259 = arith.constant 0 : i32
        %dma_wait3A_1260 = tpu.memref_slice %arg7[%dma_wait3A_1242, %dma_wait3A_1258, %dma_wait3A_1259] : memref<32x8x129xf32, #tpu.memory_space<vmem>> -> memref<1x8x128xf32, #tpu.memory_space<vmem>>
        %dma_wait3A_1261 = tpu.memref_squeeze %dma_wait3A_1260 : memref<1x8x128xf32, #tpu.memory_space<vmem>> -> memref<8x128xf32, #tpu.memory_space<vmem>>
        tpu.wait_dma2 semaphore(%arg9 : memref<!tpu.dma_semaphore, #tpu.memory_space<semaphore_mem>>) src(%dma_wait3A_1261 : memref<8x128xf32, #tpu.memory_space<vmem>>) dst(%dma_wait3A_1257 : memref<8x128xf32, #tpu.memory_space<hbm>>)
        %dma_wait3A_1262 = arith.constant 0 : i32
        %dma_wait3A_1263 = arith.constant 0 : i32
        %dma_wait3A_1264 = arith.constant 0 : i32
        %dma_wait3A_1265 = arith.constant 0 : i32
        %dma_wait3A_1266 = arith.constant 0 : i32
        %dma_wait3A_1267 = arith.constant 0 : i32
        %dma_wait3A_1268 = tpu.memref_slice %arg7[%dma_wait3A_1262, %dma_wait3A_1266, %dma_wait3A_1267] : memref<32x8x129xf32, #tpu.memory_space<vmem>> -> memref<1x8x128xf32, #tpu.memory_space<vmem>>
        %dma_wait3A_1269 = tpu.memref_squeeze %dma_wait3A_1268 : memref<1x8x128xf32, #tpu.memory_space<vmem>> -> memref<8x128xf32, #tpu.memory_space<vmem>>
        %dma_wait3A_1270 = arith.constant 0 : i32
        %dma_wait3A_1271 = arith.constant 0 : i32
        %dma_wait3A_1272 = tpu.memref_slice %arg4[%dma_wait3A_1263, %dma_wait3A_1264, %dma_wait3A_1265, %dma_wait3A_1270, %dma_wait3A_1271] : memref<200x4x32x8x128xf32, #tpu.memory_space<hbm>> -> memref<1x1x1x8x128xf32, #tpu.memory_space<hbm>>
        %dma_wait3A_1273 = tpu.memref_squeeze %dma_wait3A_1272 : memref<1x1x1x8x128xf32, #tpu.memory_space<hbm>> -> memref<8x128xf32, #tpu.memory_space<hbm>>
        %dma_wait3A_1274 = arith.constant 0 : i32
        %dma_wait3A_1275 = arith.constant 0 : i32
        %dma_wait3A_1276 = tpu.memref_slice %arg4[%dma_wait3A_1263, %dma_wait3A_1264, %dma_wait3A_1265, %dma_wait3A_1274, %dma_wait3A_1275] : memref<200x4x32x8x128xf32, #tpu.memory_space<hbm>> -> memref<1x1x1x8x128xf32, #tpu.memory_space<hbm>>
        %dma_wait3A_1277 = tpu.memref_squeeze %dma_wait3A_1276 : memref<1x1x1x8x128xf32, #tpu.memory_space<hbm>> -> memref<8x128xf32, #tpu.memory_space<hbm>>
        %dma_wait3A_1278 = arith.constant 0 : i32
        %dma_wait3A_1279 = arith.constant 0 : i32
        %dma_wait3A_1280 = tpu.memref_slice %arg7[%dma_wait3A_1262, %dma_wait3A_1278, %dma_wait3A_1279] : memref<32x8x129xf32, #tpu.memory_space<vmem>> -> memref<1x8x128xf32, #tpu.memory_space<vmem>>
        %dma_wait3A_1281 = tpu.memref_squeeze %dma_wait3A_1280 : memref<1x8x128xf32, #tpu.memory_space<vmem>> -> memref<8x128xf32, #tpu.memory_space<vmem>>
        tpu.wait_dma2 semaphore(%arg9 : memref<!tpu.dma_semaphore, #tpu.memory_space<semaphore_mem>>) src(%dma_wait3A_1281 : memref<8x128xf32, #tpu.memory_space<vmem>>) dst(%dma_wait3A_1277 : memref<8x128xf32, #tpu.memory_space<hbm>>)
        %dma_wait3A_1282 = arith.constant 0 : i32
        %dma_wait3A_1283 = arith.constant 0 : i32
        %dma_wait3A_1284 = arith.constant 0 : i32
        %dma_wait3A_1285 = arith.constant 0 : i32
        %dma_wait3A_1286 = arith.constant 0 : i32
        %dma_wait3A_1287 = arith.constant 0 : i32
        %dma_wait3A_1288 = tpu.memref_slice %arg7[%dma_wait3A_1282, %dma_wait3A_1286, %dma_wait3A_1287] : memref<32x8x129xf32, #tpu.memory_space<vmem>> -> memref<1x8x128xf32, #tpu.memory_space<vmem>>
        %dma_wait3A_1289 = tpu.memref_squeeze %dma_wait3A_1288 : memref<1x8x128xf32, #tpu.memory_space<vmem>> -> memref<8x128xf32, #tpu.memory_space<vmem>>
        %dma_wait3A_1290 = arith.constant 0 : i32
        %dma_wait3A_1291 = arith.constant 0 : i32
        %dma_wait3A_1292 = tpu.memref_slice %arg4[%dma_wait3A_1283, %dma_wait3A_1284, %dma_wait3A_1285, %dma_wait3A_1290, %dma_wait3A_1291] : memref<200x4x32x8x128xf32, #tpu.memory_space<hbm>> -> memref<1x1x1x8x128xf32, #tpu.memory_space<hbm>>
        %dma_wait3A_1293 = tpu.memref_squeeze %dma_wait3A_1292 : memref<1x1x1x8x128xf32, #tpu.memory_space<hbm>> -> memref<8x128xf32, #tpu.memory_space<hbm>>
        %dma_wait3A_1294 = arith.constant 0 : i32
        %dma_wait3A_1295 = arith.constant 0 : i32
        %dma_wait3A_1296 = tpu.memref_slice %arg4[%dma_wait3A_1283, %dma_wait3A_1284, %dma_wait3A_1285, %dma_wait3A_1294, %dma_wait3A_1295] : memref<200x4x32x8x128xf32, #tpu.memory_space<hbm>> -> memref<1x1x1x8x128xf32, #tpu.memory_space<hbm>>
        %dma_wait3A_1297 = tpu.memref_squeeze %dma_wait3A_1296 : memref<1x1x1x8x128xf32, #tpu.memory_space<hbm>> -> memref<8x128xf32, #tpu.memory_space<hbm>>
        %dma_wait3A_1298 = arith.constant 0 : i32
        %dma_wait3A_1299 = arith.constant 0 : i32
        %dma_wait3A_1300 = tpu.memref_slice %arg7[%dma_wait3A_1282, %dma_wait3A_1298, %dma_wait3A_1299] : memref<32x8x129xf32, #tpu.memory_space<vmem>> -> memref<1x8x128xf32, #tpu.memory_space<vmem>>
        %dma_wait3A_1301 = tpu.memref_squeeze %dma_wait3A_1300 : memref<1x8x128xf32, #tpu.memory_space<vmem>> -> memref<8x128xf32, #tpu.memory_space<vmem>>
        tpu.wait_dma2 semaphore(%arg9 : memref<!tpu.dma_semaphore, #tpu.memory_space<semaphore_mem>>) src(%dma_wait3A_1301 : memref<8x128xf32, #tpu.memory_space<vmem>>) dst(%dma_wait3A_1297 : memref<8x128xf32, #tpu.memory_space<hbm>>)
        %dma_wait3A_1302 = arith.constant 0 : i32
        %dma_wait3A_1303 = arith.constant 0 : i32
        %dma_wait3A_1304 = arith.constant 0 : i32
        %dma_wait3A_1305 = arith.constant 0 : i32
        %dma_wait3A_1306 = arith.constant 0 : i32
        %dma_wait3A_1307 = arith.constant 0 : i32
        %dma_wait3A_1308 = tpu.memref_slice %arg7[%dma_wait3A_1302, %dma_wait3A_1306, %dma_wait3A_1307] : memref<32x8x129xf32, #tpu.memory_space<vmem>> -> memref<1x8x128xf32, #tpu.memory_space<vmem>>
        %dma_wait3A_1309 = tpu.memref_squeeze %dma_wait3A_1308 : memref<1x8x128xf32, #tpu.memory_space<vmem>> -> memref<8x128xf32, #tpu.memory_space<vmem>>
        %dma_wait3A_1310 = arith.constant 0 : i32
        %dma_wait3A_1311 = arith.constant 0 : i32
        %dma_wait3A_1312 = tpu.memref_slice %arg4[%dma_wait3A_1303, %dma_wait3A_1304, %dma_wait3A_1305, %dma_wait3A_1310, %dma_wait3A_1311] : memref<200x4x32x8x128xf32, #tpu.memory_space<hbm>> -> memref<1x1x1x8x128xf32, #tpu.memory_space<hbm>>
        %dma_wait3A_1313 = tpu.memref_squeeze %dma_wait3A_1312 : memref<1x1x1x8x128xf32, #tpu.memory_space<hbm>> -> memref<8x128xf32, #tpu.memory_space<hbm>>
        %dma_wait3A_1314 = arith.constant 0 : i32
        %dma_wait3A_1315 = arith.constant 0 : i32
        %dma_wait3A_1316 = tpu.memref_slice %arg4[%dma_wait3A_1303, %dma_wait3A_1304, %dma_wait3A_1305, %dma_wait3A_1314, %dma_wait3A_1315] : memref<200x4x32x8x128xf32, #tpu.memory_space<hbm>> -> memref<1x1x1x8x128xf32, #tpu.memory_space<hbm>>
        %dma_wait3A_1317 = tpu.memref_squeeze %dma_wait3A_1316 : memref<1x1x1x8x128xf32, #tpu.memory_space<hbm>> -> memref<8x128xf32, #tpu.memory_space<hbm>>
        %dma_wait3A_1318 = arith.constant 0 : i32
        %dma_wait3A_1319 = arith.constant 0 : i32
        %dma_wait3A_1320 = tpu.memref_slice %arg7[%dma_wait3A_1302, %dma_wait3A_1318, %dma_wait3A_1319] : memref<32x8x129xf32, #tpu.memory_space<vmem>> -> memref<1x8x128xf32, #tpu.memory_space<vmem>>
        %dma_wait3A_1321 = tpu.memref_squeeze %dma_wait3A_1320 : memref<1x8x128xf32, #tpu.memory_space<vmem>> -> memref<8x128xf32, #tpu.memory_space<vmem>>
        tpu.wait_dma2 semaphore(%arg9 : memref<!tpu.dma_semaphore, #tpu.memory_space<semaphore_mem>>) src(%dma_wait3A_1321 : memref<8x128xf32, #tpu.memory_space<vmem>>) dst(%dma_wait3A_1317 : memref<8x128xf32, #tpu.memory_space<hbm>>)
        %dma_wait3A_1322 = arith.constant 0 : i32
        %dma_wait3A_1323 = arith.constant 0 : i32
        %dma_wait3A_1324 = arith.constant 0 : i32
        %dma_wait3A_1325 = arith.constant 0 : i32
        %dma_wait3A_1326 = arith.constant 0 : i32
        %dma_wait3A_1327 = arith.constant 0 : i32
        %dma_wait3A_1328 = tpu.memref_slice %arg7[%dma_wait3A_1322, %dma_wait3A_1326, %dma_wait3A_1327] : memref<32x8x129xf32, #tpu.memory_space<vmem>> -> memref<1x8x128xf32, #tpu.memory_space<vmem>>
        %dma_wait3A_1329 = tpu.memref_squeeze %dma_wait3A_1328 : memref<1x8x128xf32, #tpu.memory_space<vmem>> -> memref<8x128xf32, #tpu.memory_space<vmem>>
        %dma_wait3A_1330 = arith.constant 0 : i32
        %dma_wait3A_1331 = arith.constant 0 : i32
        %dma_wait3A_1332 = tpu.memref_slice %arg4[%dma_wait3A_1323, %dma_wait3A_1324, %dma_wait3A_1325, %dma_wait3A_1330, %dma_wait3A_1331] : memref<200x4x32x8x128xf32, #tpu.memory_space<hbm>> -> memref<1x1x1x8x128xf32, #tpu.memory_space<hbm>>
        %dma_wait3A_1333 = tpu.memref_squeeze %dma_wait3A_1332 : memref<1x1x1x8x128xf32, #tpu.memory_space<hbm>> -> memref<8x128xf32, #tpu.memory_space<hbm>>
        %dma_wait3A_1334 = arith.constant 0 : i32
        %dma_wait3A_1335 = arith.constant 0 : i32
        %dma_wait3A_1336 = tpu.memref_slice %arg4[%dma_wait3A_1323, %dma_wait3A_1324, %dma_wait3A_1325, %dma_wait3A_1334, %dma_wait3A_1335] : memref<200x4x32x8x128xf32, #tpu.memory_space<hbm>> -> memref<1x1x1x8x128xf32, #tpu.memory_space<hbm>>
        %dma_wait3A_1337 = tpu.memref_squeeze %dma_wait3A_1336 : memref<1x1x1x8x128xf32, #tpu.memory_space<hbm>> -> memref<8x128xf32, #tpu.memory_space<hbm>>
        %dma_wait3A_1338 = arith.constant 0 : i32
        %dma_wait3A_1339 = arith.constant 0 : i32
        %dma_wait3A_1340 = tpu.memref_slice %arg7[%dma_wait3A_1322, %dma_wait3A_1338, %dma_wait3A_1339] : memref<32x8x129xf32, #tpu.memory_space<vmem>> -> memref<1x8x128xf32, #tpu.memory_space<vmem>>
        %dma_wait3A_1341 = tpu.memref_squeeze %dma_wait3A_1340 : memref<1x8x128xf32, #tpu.memory_space<vmem>> -> memref<8x128xf32, #tpu.memory_space<vmem>>
        tpu.wait_dma2 semaphore(%arg9 : memref<!tpu.dma_semaphore, #tpu.memory_space<semaphore_mem>>) src(%dma_wait3A_1341 : memref<8x128xf32, #tpu.memory_space<vmem>>) dst(%dma_wait3A_1337 : memref<8x128xf32, #tpu.memory_space<hbm>>)
        %dma_wait3A_1342 = arith.constant 0 : i32
        %dma_wait3A_1343 = arith.constant 0 : i32
        %dma_wait3A_1344 = arith.constant 0 : i32
        %dma_wait3A_1345 = arith.constant 0 : i32
        %dma_wait3A_1346 = arith.constant 0 : i32
        %dma_wait3A_1347 = arith.constant 0 : i32
        %dma_wait3A_1348 = tpu.memref_slice %arg7[%dma_wait3A_1342, %dma_wait3A_1346, %dma_wait3A_1347] : memref<32x8x129xf32, #tpu.memory_space<vmem>> -> memref<1x8x128xf32, #tpu.memory_space<vmem>>
        %dma_wait3A_1349 = tpu.memref_squeeze %dma_wait3A_1348 : memref<1x8x128xf32, #tpu.memory_space<vmem>> -> memref<8x128xf32, #tpu.memory_space<vmem>>
        %dma_wait3A_1350 = arith.constant 0 : i32
        %dma_wait3A_1351 = arith.constant 0 : i32
        %dma_wait3A_1352 = tpu.memref_slice %arg4[%dma_wait3A_1343, %dma_wait3A_1344, %dma_wait3A_1345, %dma_wait3A_1350, %dma_wait3A_1351] : memref<200x4x32x8x128xf32, #tpu.memory_space<hbm>> -> memref<1x1x1x8x128xf32, #tpu.memory_space<hbm>>
        %dma_wait3A_1353 = tpu.memref_squeeze %dma_wait3A_1352 : memref<1x1x1x8x128xf32, #tpu.memory_space<hbm>> -> memref<8x128xf32, #tpu.memory_space<hbm>>
        %dma_wait3A_1354 = arith.constant 0 : i32
        %dma_wait3A_1355 = arith.constant 0 : i32
        %dma_wait3A_1356 = tpu.memref_slice %arg4[%dma_wait3A_1343, %dma_wait3A_1344, %dma_wait3A_1345, %dma_wait3A_1354, %dma_wait3A_1355] : memref<200x4x32x8x128xf32, #tpu.memory_space<hbm>> -> memref<1x1x1x8x128xf32, #tpu.memory_space<hbm>>
        %dma_wait3A_1357 = tpu.memref_squeeze %dma_wait3A_1356 : memref<1x1x1x8x128xf32, #tpu.memory_space<hbm>> -> memref<8x128xf32, #tpu.memory_space<hbm>>
        %dma_wait3A_1358 = arith.constant 0 : i32
        %dma_wait3A_1359 = arith.constant 0 : i32
        %dma_wait3A_1360 = tpu.memref_slice %arg7[%dma_wait3A_1342, %dma_wait3A_1358, %dma_wait3A_1359] : memref<32x8x129xf32, #tpu.memory_space<vmem>> -> memref<1x8x128xf32, #tpu.memory_space<vmem>>
        %dma_wait3A_1361 = tpu.memref_squeeze %dma_wait3A_1360 : memref<1x8x128xf32, #tpu.memory_space<vmem>> -> memref<8x128xf32, #tpu.memory_space<vmem>>
        tpu.wait_dma2 semaphore(%arg9 : memref<!tpu.dma_semaphore, #tpu.memory_space<semaphore_mem>>) src(%dma_wait3A_1361 : memref<8x128xf32, #tpu.memory_space<vmem>>) dst(%dma_wait3A_1357 : memref<8x128xf32, #tpu.memory_space<hbm>>)
        %dma_wait3A_1362 = arith.constant 0 : i32
        %dma_wait3A_1363 = arith.constant 0 : i32
        %dma_wait3A_1364 = arith.constant 0 : i32
        %dma_wait3A_1365 = arith.constant 0 : i32
        %dma_wait3A_1366 = arith.constant 0 : i32
        %dma_wait3A_1367 = arith.constant 0 : i32
        %dma_wait3A_1368 = tpu.memref_slice %arg7[%dma_wait3A_1362, %dma_wait3A_1366, %dma_wait3A_1367] : memref<32x8x129xf32, #tpu.memory_space<vmem>> -> memref<1x8x128xf32, #tpu.memory_space<vmem>>
        %dma_wait3A_1369 = tpu.memref_squeeze %dma_wait3A_1368 : memref<1x8x128xf32, #tpu.memory_space<vmem>> -> memref<8x128xf32, #tpu.memory_space<vmem>>
        %dma_wait3A_1370 = arith.constant 0 : i32
        %dma_wait3A_1371 = arith.constant 0 : i32
        %dma_wait3A_1372 = tpu.memref_slice %arg4[%dma_wait3A_1363, %dma_wait3A_1364, %dma_wait3A_1365, %dma_wait3A_1370, %dma_wait3A_1371] : memref<200x4x32x8x128xf32, #tpu.memory_space<hbm>> -> memref<1x1x1x8x128xf32, #tpu.memory_space<hbm>>
        %dma_wait3A_1373 = tpu.memref_squeeze %dma_wait3A_1372 : memref<1x1x1x8x128xf32, #tpu.memory_space<hbm>> -> memref<8x128xf32, #tpu.memory_space<hbm>>
        %dma_wait3A_1374 = arith.constant 0 : i32
        %dma_wait3A_1375 = arith.constant 0 : i32
        %dma_wait3A_1376 = tpu.memref_slice %arg4[%dma_wait3A_1363, %dma_wait3A_1364, %dma_wait3A_1365, %dma_wait3A_1374, %dma_wait3A_1375] : memref<200x4x32x8x128xf32, #tpu.memory_space<hbm>> -> memref<1x1x1x8x128xf32, #tpu.memory_space<hbm>>
        %dma_wait3A_1377 = tpu.memref_squeeze %dma_wait3A_1376 : memref<1x1x1x8x128xf32, #tpu.memory_space<hbm>> -> memref<8x128xf32, #tpu.memory_space<hbm>>
        %dma_wait3A_1378 = arith.constant 0 : i32
        %dma_wait3A_1379 = arith.constant 0 : i32
        %dma_wait3A_1380 = tpu.memref_slice %arg7[%dma_wait3A_1362, %dma_wait3A_1378, %dma_wait3A_1379] : memref<32x8x129xf32, #tpu.memory_space<vmem>> -> memref<1x8x128xf32, #tpu.memory_space<vmem>>
        %dma_wait3A_1381 = tpu.memref_squeeze %dma_wait3A_1380 : memref<1x8x128xf32, #tpu.memory_space<vmem>> -> memref<8x128xf32, #tpu.memory_space<vmem>>
        tpu.wait_dma2 semaphore(%arg9 : memref<!tpu.dma_semaphore, #tpu.memory_space<semaphore_mem>>) src(%dma_wait3A_1381 : memref<8x128xf32, #tpu.memory_space<vmem>>) dst(%dma_wait3A_1377 : memref<8x128xf32, #tpu.memory_space<hbm>>)
        %dma_wait3A_1382 = arith.constant 0 : i32
        %dma_wait3A_1383 = arith.constant 0 : i32
        %dma_wait3A_1384 = arith.constant 0 : i32
        %dma_wait3A_1385 = arith.constant 0 : i32
        %dma_wait3A_1386 = arith.constant 0 : i32
        %dma_wait3A_1387 = arith.constant 0 : i32
        %dma_wait3A_1388 = tpu.memref_slice %arg7[%dma_wait3A_1382, %dma_wait3A_1386, %dma_wait3A_1387] : memref<32x8x129xf32, #tpu.memory_space<vmem>> -> memref<1x8x128xf32, #tpu.memory_space<vmem>>
        %dma_wait3A_1389 = tpu.memref_squeeze %dma_wait3A_1388 : memref<1x8x128xf32, #tpu.memory_space<vmem>> -> memref<8x128xf32, #tpu.memory_space<vmem>>
        %dma_wait3A_1390 = arith.constant 0 : i32
        %dma_wait3A_1391 = arith.constant 0 : i32
        %dma_wait3A_1392 = tpu.memref_slice %arg4[%dma_wait3A_1383, %dma_wait3A_1384, %dma_wait3A_1385, %dma_wait3A_1390, %dma_wait3A_1391] : memref<200x4x32x8x128xf32, #tpu.memory_space<hbm>> -> memref<1x1x1x8x128xf32, #tpu.memory_space<hbm>>
        %dma_wait3A_1393 = tpu.memref_squeeze %dma_wait3A_1392 : memref<1x1x1x8x128xf32, #tpu.memory_space<hbm>> -> memref<8x128xf32, #tpu.memory_space<hbm>>
        %dma_wait3A_1394 = arith.constant 0 : i32
        %dma_wait3A_1395 = arith.constant 0 : i32
        %dma_wait3A_1396 = tpu.memref_slice %arg4[%dma_wait3A_1383, %dma_wait3A_1384, %dma_wait3A_1385, %dma_wait3A_1394, %dma_wait3A_1395] : memref<200x4x32x8x128xf32, #tpu.memory_space<hbm>> -> memref<1x1x1x8x128xf32, #tpu.memory_space<hbm>>
        %dma_wait3A_1397 = tpu.memref_squeeze %dma_wait3A_1396 : memref<1x1x1x8x128xf32, #tpu.memory_space<hbm>> -> memref<8x128xf32, #tpu.memory_space<hbm>>
        %dma_wait3A_1398 = arith.constant 0 : i32
        %dma_wait3A_1399 = arith.constant 0 : i32
        %dma_wait3A_1400 = tpu.memref_slice %arg7[%dma_wait3A_1382, %dma_wait3A_1398, %dma_wait3A_1399] : memref<32x8x129xf32, #tpu.memory_space<vmem>> -> memref<1x8x128xf32, #tpu.memory_space<vmem>>
        %dma_wait3A_1401 = tpu.memref_squeeze %dma_wait3A_1400 : memref<1x8x128xf32, #tpu.memory_space<vmem>> -> memref<8x128xf32, #tpu.memory_space<vmem>>
        tpu.wait_dma2 semaphore(%arg9 : memref<!tpu.dma_semaphore, #tpu.memory_space<semaphore_mem>>) src(%dma_wait3A_1401 : memref<8x128xf32, #tpu.memory_space<vmem>>) dst(%dma_wait3A_1397 : memref<8x128xf32, #tpu.memory_space<hbm>>)
        %dma_wait3A_1402 = arith.constant 0 : i32
        %dma_wait3A_1403 = arith.constant 0 : i32
        %dma_wait3A_1404 = arith.constant 0 : i32
        %dma_wait3A_1405 = arith.constant 0 : i32
        %dma_wait3A_1406 = arith.constant 0 : i32
        %dma_wait3A_1407 = arith.constant 0 : i32
        %dma_wait3A_1408 = tpu.memref_slice %arg7[%dma_wait3A_1402, %dma_wait3A_1406, %dma_wait3A_1407] : memref<32x8x129xf32, #tpu.memory_space<vmem>> -> memref<1x8x128xf32, #tpu.memory_space<vmem>>
        %dma_wait3A_1409 = tpu.memref_squeeze %dma_wait3A_1408 : memref<1x8x128xf32, #tpu.memory_space<vmem>> -> memref<8x128xf32, #tpu.memory_space<vmem>>
        %dma_wait3A_1410 = arith.constant 0 : i32
        %dma_wait3A_1411 = arith.constant 0 : i32
        %dma_wait3A_1412 = tpu.memref_slice %arg4[%dma_wait3A_1403, %dma_wait3A_1404, %dma_wait3A_1405, %dma_wait3A_1410, %dma_wait3A_1411] : memref<200x4x32x8x128xf32, #tpu.memory_space<hbm>> -> memref<1x1x1x8x128xf32, #tpu.memory_space<hbm>>
        %dma_wait3A_1413 = tpu.memref_squeeze %dma_wait3A_1412 : memref<1x1x1x8x128xf32, #tpu.memory_space<hbm>> -> memref<8x128xf32, #tpu.memory_space<hbm>>
        %dma_wait3A_1414 = arith.constant 0 : i32
        %dma_wait3A_1415 = arith.constant 0 : i32
        %dma_wait3A_1416 = tpu.memref_slice %arg4[%dma_wait3A_1403, %dma_wait3A_1404, %dma_wait3A_1405, %dma_wait3A_1414, %dma_wait3A_1415] : memref<200x4x32x8x128xf32, #tpu.memory_space<hbm>> -> memref<1x1x1x8x128xf32, #tpu.memory_space<hbm>>
        %dma_wait3A_1417 = tpu.memref_squeeze %dma_wait3A_1416 : memref<1x1x1x8x128xf32, #tpu.memory_space<hbm>> -> memref<8x128xf32, #tpu.memory_space<hbm>>
        %dma_wait3A_1418 = arith.constant 0 : i32
        %dma_wait3A_1419 = arith.constant 0 : i32
        %dma_wait3A_1420 = tpu.memref_slice %arg7[%dma_wait3A_1402, %dma_wait3A_1418, %dma_wait3A_1419] : memref<32x8x129xf32, #tpu.memory_space<vmem>> -> memref<1x8x128xf32, #tpu.memory_space<vmem>>
        %dma_wait3A_1421 = tpu.memref_squeeze %dma_wait3A_1420 : memref<1x8x128xf32, #tpu.memory_space<vmem>> -> memref<8x128xf32, #tpu.memory_space<vmem>>
        tpu.wait_dma2 semaphore(%arg9 : memref<!tpu.dma_semaphore, #tpu.memory_space<semaphore_mem>>) src(%dma_wait3A_1421 : memref<8x128xf32, #tpu.memory_space<vmem>>) dst(%dma_wait3A_1417 : memref<8x128xf32, #tpu.memory_space<hbm>>)
        %dma_wait3A_1422 = arith.constant 0 : i32
        %dma_wait3A_1423 = arith.constant 0 : i32
        %dma_wait3A_1424 = arith.constant 0 : i32
        %dma_wait3A_1425 = arith.constant 0 : i32
        %dma_wait3A_1426 = arith.constant 0 : i32
        %dma_wait3A_1427 = arith.constant 0 : i32
        %dma_wait3A_1428 = tpu.memref_slice %arg7[%dma_wait3A_1422, %dma_wait3A_1426, %dma_wait3A_1427] : memref<32x8x129xf32, #tpu.memory_space<vmem>> -> memref<1x8x128xf32, #tpu.memory_space<vmem>>
        %dma_wait3A_1429 = tpu.memref_squeeze %dma_wait3A_1428 : memref<1x8x128xf32, #tpu.memory_space<vmem>> -> memref<8x128xf32, #tpu.memory_space<vmem>>
        %dma_wait3A_1430 = arith.constant 0 : i32
        %dma_wait3A_1431 = arith.constant 0 : i32
        %dma_wait3A_1432 = tpu.memref_slice %arg4[%dma_wait3A_1423, %dma_wait3A_1424, %dma_wait3A_1425, %dma_wait3A_1430, %dma_wait3A_1431] : memref<200x4x32x8x128xf32, #tpu.memory_space<hbm>> -> memref<1x1x1x8x128xf32, #tpu.memory_space<hbm>>
        %dma_wait3A_1433 = tpu.memref_squeeze %dma_wait3A_1432 : memref<1x1x1x8x128xf32, #tpu.memory_space<hbm>> -> memref<8x128xf32, #tpu.memory_space<hbm>>
        %dma_wait3A_1434 = arith.constant 0 : i32
        %dma_wait3A_1435 = arith.constant 0 : i32
        %dma_wait3A_1436 = tpu.memref_slice %arg4[%dma_wait3A_1423, %dma_wait3A_1424, %dma_wait3A_1425, %dma_wait3A_1434, %dma_wait3A_1435] : memref<200x4x32x8x128xf32, #tpu.memory_space<hbm>> -> memref<1x1x1x8x128xf32, #tpu.memory_space<hbm>>
        %dma_wait3A_1437 = tpu.memref_squeeze %dma_wait3A_1436 : memref<1x1x1x8x128xf32, #tpu.memory_space<hbm>> -> memref<8x128xf32, #tpu.memory_space<hbm>>
        %dma_wait3A_1438 = arith.constant 0 : i32
        %dma_wait3A_1439 = arith.constant 0 : i32
        %dma_wait3A_1440 = tpu.memref_slice %arg7[%dma_wait3A_1422, %dma_wait3A_1438, %dma_wait3A_1439] : memref<32x8x129xf32, #tpu.memory_space<vmem>> -> memref<1x8x128xf32, #tpu.memory_space<vmem>>
        %dma_wait3A_1441 = tpu.memref_squeeze %dma_wait3A_1440 : memref<1x8x128xf32, #tpu.memory_space<vmem>> -> memref<8x128xf32, #tpu.memory_space<vmem>>
        tpu.wait_dma2 semaphore(%arg9 : memref<!tpu.dma_semaphore, #tpu.memory_space<semaphore_mem>>) src(%dma_wait3A_1441 : memref<8x128xf32, #tpu.memory_space<vmem>>) dst(%dma_wait3A_1437 : memref<8x128xf32, #tpu.memory_space<hbm>>)
        %dma_wait3A_1442 = arith.constant 0 : i32
        %dma_wait3A_1443 = arith.constant 0 : i32
        %dma_wait3A_1444 = arith.constant 0 : i32
        %dma_wait3A_1445 = arith.constant 0 : i32
        %dma_wait3A_1446 = arith.constant 0 : i32
        %dma_wait3A_1447 = arith.constant 0 : i32
        %dma_wait3A_1448 = tpu.memref_slice %arg7[%dma_wait3A_1442, %dma_wait3A_1446, %dma_wait3A_1447] : memref<32x8x129xf32, #tpu.memory_space<vmem>> -> memref<1x8x128xf32, #tpu.memory_space<vmem>>
        %dma_wait3A_1449 = tpu.memref_squeeze %dma_wait3A_1448 : memref<1x8x128xf32, #tpu.memory_space<vmem>> -> memref<8x128xf32, #tpu.memory_space<vmem>>
        %dma_wait3A_1450 = arith.constant 0 : i32
        %dma_wait3A_1451 = arith.constant 0 : i32
        %dma_wait3A_1452 = tpu.memref_slice %arg4[%dma_wait3A_1443, %dma_wait3A_1444, %dma_wait3A_1445, %dma_wait3A_1450, %dma_wait3A_1451] : memref<200x4x32x8x128xf32, #tpu.memory_space<hbm>> -> memref<1x1x1x8x128xf32, #tpu.memory_space<hbm>>
        %dma_wait3A_1453 = tpu.memref_squeeze %dma_wait3A_1452 : memref<1x1x1x8x128xf32, #tpu.memory_space<hbm>> -> memref<8x128xf32, #tpu.memory_space<hbm>>
        %dma_wait3A_1454 = arith.constant 0 : i32
        %dma_wait3A_1455 = arith.constant 0 : i32
        %dma_wait3A_1456 = tpu.memref_slice %arg4[%dma_wait3A_1443, %dma_wait3A_1444, %dma_wait3A_1445, %dma_wait3A_1454, %dma_wait3A_1455] : memref<200x4x32x8x128xf32, #tpu.memory_space<hbm>> -> memref<1x1x1x8x128xf32, #tpu.memory_space<hbm>>
        %dma_wait3A_1457 = tpu.memref_squeeze %dma_wait3A_1456 : memref<1x1x1x8x128xf32, #tpu.memory_space<hbm>> -> memref<8x128xf32, #tpu.memory_space<hbm>>
        %dma_wait3A_1458 = arith.constant 0 : i32
        %dma_wait3A_1459 = arith.constant 0 : i32
        %dma_wait3A_1460 = tpu.memref_slice %arg7[%dma_wait3A_1442, %dma_wait3A_1458, %dma_wait3A_1459] : memref<32x8x129xf32, #tpu.memory_space<vmem>> -> memref<1x8x128xf32, #tpu.memory_space<vmem>>
        %dma_wait3A_1461 = tpu.memref_squeeze %dma_wait3A_1460 : memref<1x8x128xf32, #tpu.memory_space<vmem>> -> memref<8x128xf32, #tpu.memory_space<vmem>>
        tpu.wait_dma2 semaphore(%arg9 : memref<!tpu.dma_semaphore, #tpu.memory_space<semaphore_mem>>) src(%dma_wait3A_1461 : memref<8x128xf32, #tpu.memory_space<vmem>>) dst(%dma_wait3A_1457 : memref<8x128xf32, #tpu.memory_space<hbm>>)
      } else {
      }
      %parallel_loop3A = arith.constant 0 : i32
      %parallel_loop3A_820 = arith.constant 8 : i32
      %parallel_loop3A_821 = arith.constant 1 : i32
      scf.for %parallel_loop3A_822 = %parallel_loop3A to %parallel_loop3A_820 step %parallel_loop3A_821  : i32 {
        %parallel_loop3A_823 = arith.constant 8 : i32
        %parallel_loop3A_824 = arith.muli %scan3A_730, %parallel_loop3A_823 : i32
        %parallel_loop3A_825 = arith.addi %parallel_loop3A_824, %parallel_loop3A_822 : i32
        %parallel_loop3A_826 = arith.constant 8 : i32
        %parallel_loop3A_827 = arith.muli %rem3A_731, %parallel_loop3A_826 : i32
        %parallel_loop3A_828 = arith.addi %parallel_loop3A_827, %parallel_loop3A_822 : i32
        %parallel_loop3A_829 = arith.constant 128 : i32
        %parallel_loop3A_830 = arith.muli %parallel_loop3A_828, %parallel_loop3A_829 : i32
        %parallel_loop3A_831 = arith.constant 4 : i32
        %parallel_loop3A_832 = arith.muli %parallel_loop3A_822, %parallel_loop3A_831 : i32
        %parallel_loop3A_833 = vector.broadcast %parallel_loop3A_832 : i32 to vector<16xi32>
        %parallel_loop3A_834 = arith.addi %parallel_loop3A_833, %shift_right_arithmetic3A_6 : vector<16xi32>
        %parallel_loop3A_835 = arith.constant 2 : i32
        %parallel_loop3A_836 = vector.broadcast %parallel_loop3A_835 : i32 to vector<16xi32>
        %parallel_loop3A_837 = arith.addi %parallel_loop3A_834, %parallel_loop3A_836 : vector<16xi32>
        %parallel_loop3A_838 = arith.constant 0 : i32
        %parallel_loop3A_839 = arith.constant 128 : i32
        %parallel_loop3A_840 = arith.constant 8 : i32
        scf.for %parallel_loop3A_925 = %parallel_loop3A_838 to %parallel_loop3A_839 step %parallel_loop3A_840  : i32 {
          %parallel_loop3A_926 = vector.broadcast %parallel_loop3A_925 : i32 to vector<16xi32>
          %parallel_loop3A_927 = arith.constant 0 : i32
          %parallel_loop3A_928 = vector.broadcast %parallel_loop3A_927 : i32 to vector<16xi32>
          %parallel_loop3A_929 = arith.addi %parallel_loop3A_926, %parallel_loop3A_928 : vector<16xi32>
          %parallel_loop3A_930 = arith.addi %parallel_loop3A_830, %parallel_loop3A_925 : i32
          %parallel_loop3A_931 = arith.constant 0 : i32
          %parallel_loop3A_932 = arith.addi %parallel_loop3A_930, %parallel_loop3A_931 : i32
          %parallel_loop3A_933 = arith.index_cast %parallel_loop3A_932 : i32 to index
          %parallel_loop3A_934 = arith.constant 0 : index
          %parallel_loop3A_935 = tpu.vector_load %arg6[%parallel_loop3A_933, %parallel_loop3A_934] {strides = array<i32>} : memref<2048x32xf32, #tpu.memory_space<vmem>>, vector<16xf32>,
          tpu.vector_store_idx %arg7[%parallel_loop3A_834, %and3A_4, %parallel_loop3A_929], %parallel_loop3A_935 : memref<32x8x129xf32, #tpu.memory_space<vmem>>[vector<16xi32>, vector<16xi32>, vector<16xi32>], vector<16xf32>,
          %parallel_loop3A_936 = arith.addi %parallel_loop3A_830, %parallel_loop3A_925 : i32
          %parallel_loop3A_937 = arith.constant 0 : i32
          %parallel_loop3A_938 = arith.addi %parallel_loop3A_936, %parallel_loop3A_937 : i32
          %parallel_loop3A_939 = arith.index_cast %parallel_loop3A_938 : i32 to index
          %parallel_loop3A_940 = arith.constant 16 : index
          %parallel_loop3A_941 = tpu.vector_load %arg6[%parallel_loop3A_939, %parallel_loop3A_940] {strides = array<i32>} : memref<2048x32xf32, #tpu.memory_space<vmem>>, vector<16xf32>,
          tpu.vector_store_idx %arg7[%parallel_loop3A_837, %and3A_4, %parallel_loop3A_929], %parallel_loop3A_941 : memref<32x8x129xf32, #tpu.memory_space<vmem>>[vector<16xi32>, vector<16xi32>, vector<16xi32>], vector<16xf32>,
          %parallel_loop3A_942 = arith.constant 1 : i32
          %parallel_loop3A_943 = vector.broadcast %parallel_loop3A_942 : i32 to vector<16xi32>
          %parallel_loop3A_944 = arith.addi %parallel_loop3A_926, %parallel_loop3A_943 : vector<16xi32>
          %parallel_loop3A_945 = arith.addi %parallel_loop3A_830, %parallel_loop3A_925 : i32
          %parallel_loop3A_946 = arith.constant 1 : i32
          %parallel_loop3A_947 = arith.addi %parallel_loop3A_945, %parallel_loop3A_946 : i32
          %parallel_loop3A_948 = arith.index_cast %parallel_loop3A_947 : i32 to index
          %parallel_loop3A_949 = arith.constant 0 : index
          %parallel_loop3A_950 = tpu.vector_load %arg6[%parallel_loop3A_948, %parallel_loop3A_949] {strides = array<i32>} : memref<2048x32xf32, #tpu.memory_space<vmem>>, vector<16xf32>,
          tpu.vector_store_idx %arg7[%parallel_loop3A_834, %and3A_4, %parallel_loop3A_944], %parallel_loop3A_950 : memref<32x8x129xf32, #tpu.memory_space<vmem>>[vector<16xi32>, vector<16xi32>, vector<16xi32>], vector<16xf32>,
          %parallel_loop3A_951 = arith.addi %parallel_loop3A_830, %parallel_loop3A_925 : i32
          %parallel_loop3A_952 = arith.constant 1 : i32
          %parallel_loop3A_953 = arith.addi %parallel_loop3A_951, %parallel_loop3A_952 : i32
          %parallel_loop3A_954 = arith.index_cast %parallel_loop3A_953 : i32 to index
          %parallel_loop3A_955 = arith.constant 16 : index
          %parallel_loop3A_956 = tpu.vector_load %arg6[%parallel_loop3A_954, %parallel_loop3A_955] {strides = array<i32>} : memref<2048x32xf32, #tpu.memory_space<vmem>>, vector<16xf32>,
          tpu.vector_store_idx %arg7[%parallel_loop3A_837, %and3A_4, %parallel_loop3A_944], %parallel_loop3A_956 : memref<32x8x129xf32, #tpu.memory_space<vmem>>[vector<16xi32>, vector<16xi32>, vector<16xi32>], vector<16xf32>,
          %parallel_loop3A_957 = arith.constant 2 : i32
          %parallel_loop3A_958 = vector.broadcast %parallel_loop3A_957 : i32 to vector<16xi32>
          %parallel_loop3A_959 = arith.addi %parallel_loop3A_926, %parallel_loop3A_958 : vector<16xi32>
          %parallel_loop3A_960 = arith.addi %parallel_loop3A_830, %parallel_loop3A_925 : i32
          %parallel_loop3A_961 = arith.constant 2 : i32
          %parallel_loop3A_962 = arith.addi %parallel_loop3A_960, %parallel_loop3A_961 : i32
          %parallel_loop3A_963 = arith.index_cast %parallel_loop3A_962 : i32 to index
          %parallel_loop3A_964 = arith.constant 0 : index
          %parallel_loop3A_965 = tpu.vector_load %arg6[%parallel_loop3A_963, %parallel_loop3A_964] {strides = array<i32>} : memref<2048x32xf32, #tpu.memory_space<vmem>>, vector<16xf32>,
          tpu.vector_store_idx %arg7[%parallel_loop3A_834, %and3A_4, %parallel_loop3A_959], %parallel_loop3A_965 : memref<32x8x129xf32, #tpu.memory_space<vmem>>[vector<16xi32>, vector<16xi32>, vector<16xi32>], vector<16xf32>,
          %parallel_loop3A_966 = arith.addi %parallel_loop3A_830, %parallel_loop3A_925 : i32
          %parallel_loop3A_967 = arith.constant 2 : i32
          %parallel_loop3A_968 = arith.addi %parallel_loop3A_966, %parallel_loop3A_967 : i32
          %parallel_loop3A_969 = arith.index_cast %parallel_loop3A_968 : i32 to index
          %parallel_loop3A_970 = arith.constant 16 : index
          %parallel_loop3A_971 = tpu.vector_load %arg6[%parallel_loop3A_969, %parallel_loop3A_970] {strides = array<i32>} : memref<2048x32xf32, #tpu.memory_space<vmem>>, vector<16xf32>,
          tpu.vector_store_idx %arg7[%parallel_loop3A_837, %and3A_4, %parallel_loop3A_959], %parallel_loop3A_971 : memref<32x8x129xf32, #tpu.memory_space<vmem>>[vector<16xi32>, vector<16xi32>, vector<16xi32>], vector<16xf32>,
          %parallel_loop3A_972 = arith.constant 3 : i32
          %parallel_loop3A_973 = vector.broadcast %parallel_loop3A_972 : i32 to vector<16xi32>
          %parallel_loop3A_974 = arith.addi %parallel_loop3A_926, %parallel_loop3A_973 : vector<16xi32>
          %parallel_loop3A_975 = arith.addi %parallel_loop3A_830, %parallel_loop3A_925 : i32
          %parallel_loop3A_976 = arith.constant 3 : i32
          %parallel_loop3A_977 = arith.addi %parallel_loop3A_975, %parallel_loop3A_976 : i32
          %parallel_loop3A_978 = arith.index_cast %parallel_loop3A_977 : i32 to index
          %parallel_loop3A_979 = arith.constant 0 : index
          %parallel_loop3A_980 = tpu.vector_load %arg6[%parallel_loop3A_978, %parallel_loop3A_979] {strides = array<i32>} : memref<2048x32xf32, #tpu.memory_space<vmem>>, vector<16xf32>,
          tpu.vector_store_idx %arg7[%parallel_loop3A_834, %and3A_4, %parallel_loop3A_974], %parallel_loop3A_980 : memref<32x8x129xf32, #tpu.memory_space<vmem>>[vector<16xi32>, vector<16xi32>, vector<16xi32>], vector<16xf32>,
          %parallel_loop3A_981 = arith.addi %parallel_loop3A_830, %parallel_loop3A_925 : i32
          %parallel_loop3A_982 = arith.constant 3 : i32
          %parallel_loop3A_983 = arith.addi %parallel_loop3A_981, %parallel_loop3A_982 : i32
          %parallel_loop3A_984 = arith.index_cast %parallel_loop3A_983 : i32 to index
          %parallel_loop3A_985 = arith.constant 16 : index
          %parallel_loop3A_986 = tpu.vector_load %arg6[%parallel_loop3A_984, %parallel_loop3A_985] {strides = array<i32>} : memref<2048x32xf32, #tpu.memory_space<vmem>>, vector<16xf32>,
          tpu.vector_store_idx %arg7[%parallel_loop3A_837, %and3A_4, %parallel_loop3A_974], %parallel_loop3A_986 : memref<32x8x129xf32, #tpu.memory_space<vmem>>[vector<16xi32>, vector<16xi32>, vector<16xi32>], vector<16xf32>,
          %parallel_loop3A_987 = arith.constant 4 : i32
          %parallel_loop3A_988 = vector.broadcast %parallel_loop3A_987 : i32 to vector<16xi32>
          %parallel_loop3A_989 = arith.addi %parallel_loop3A_926, %parallel_loop3A_988 : vector<16xi32>
          %parallel_loop3A_990 = arith.addi %parallel_loop3A_830, %parallel_loop3A_925 : i32
          %parallel_loop3A_991 = arith.constant 4 : i32
          %parallel_loop3A_992 = arith.addi %parallel_loop3A_990, %parallel_loop3A_991 : i32
          %parallel_loop3A_993 = arith.index_cast %parallel_loop3A_992 : i32 to index
          %parallel_loop3A_994 = arith.constant 0 : index
          %parallel_loop3A_995 = tpu.vector_load %arg6[%parallel_loop3A_993, %parallel_loop3A_994] {strides = array<i32>} : memref<2048x32xf32, #tpu.memory_space<vmem>>, vector<16xf32>,
          tpu.vector_store_idx %arg7[%parallel_loop3A_834, %and3A_4, %parallel_loop3A_989], %parallel_loop3A_995 : memref<32x8x129xf32, #tpu.memory_space<vmem>>[vector<16xi32>, vector<16xi32>, vector<16xi32>], vector<16xf32>,
          %parallel_loop3A_996 = arith.addi %parallel_loop3A_830, %parallel_loop3A_925 : i32
          %parallel_loop3A_997 = arith.constant 4 : i32
          %parallel_loop3A_998 = arith.addi %parallel_loop3A_996, %parallel_loop3A_997 : i32
          %parallel_loop3A_999 = arith.index_cast %parallel_loop3A_998 : i32 to index
          %parallel_loop3A_1000 = arith.constant 16 : index
          %parallel_loop3A_1001 = tpu.vector_load %arg6[%parallel_loop3A_999, %parallel_loop3A_1000] {strides = array<i32>} : memref<2048x32xf32, #tpu.memory_space<vmem>>, vector<16xf32>,
          tpu.vector_store_idx %arg7[%parallel_loop3A_837, %and3A_4, %parallel_loop3A_989], %parallel_loop3A_1001 : memref<32x8x129xf32, #tpu.memory_space<vmem>>[vector<16xi32>, vector<16xi32>, vector<16xi32>], vector<16xf32>,
          %parallel_loop3A_1002 = arith.constant 5 : i32
          %parallel_loop3A_1003 = vector.broadcast %parallel_loop3A_1002 : i32 to vector<16xi32>
          %parallel_loop3A_1004 = arith.addi %parallel_loop3A_926, %parallel_loop3A_1003 : vector<16xi32>
          %parallel_loop3A_1005 = arith.addi %parallel_loop3A_830, %parallel_loop3A_925 : i32
          %parallel_loop3A_1006 = arith.constant 5 : i32
          %parallel_loop3A_1007 = arith.addi %parallel_loop3A_1005, %parallel_loop3A_1006 : i32
          %parallel_loop3A_1008 = arith.index_cast %parallel_loop3A_1007 : i32 to index
          %parallel_loop3A_1009 = arith.constant 0 : index
          %parallel_loop3A_1010 = tpu.vector_load %arg6[%parallel_loop3A_1008, %parallel_loop3A_1009] {strides = array<i32>} : memref<2048x32xf32, #tpu.memory_space<vmem>>, vector<16xf32>,
          tpu.vector_store_idx %arg7[%parallel_loop3A_834, %and3A_4, %parallel_loop3A_1004], %parallel_loop3A_1010 : memref<32x8x129xf32, #tpu.memory_space<vmem>>[vector<16xi32>, vector<16xi32>, vector<16xi32>], vector<16xf32>,
          %parallel_loop3A_1011 = arith.addi %parallel_loop3A_830, %parallel_loop3A_925 : i32
          %parallel_loop3A_1012 = arith.constant 5 : i32
          %parallel_loop3A_1013 = arith.addi %parallel_loop3A_1011, %parallel_loop3A_1012 : i32
          %parallel_loop3A_1014 = arith.index_cast %parallel_loop3A_1013 : i32 to index
          %parallel_loop3A_1015 = arith.constant 16 : index
          %parallel_loop3A_1016 = tpu.vector_load %arg6[%parallel_loop3A_1014, %parallel_loop3A_1015] {strides = array<i32>} : memref<2048x32xf32, #tpu.memory_space<vmem>>, vector<16xf32>,
          tpu.vector_store_idx %arg7[%parallel_loop3A_837, %and3A_4, %parallel_loop3A_1004], %parallel_loop3A_1016 : memref<32x8x129xf32, #tpu.memory_space<vmem>>[vector<16xi32>, vector<16xi32>, vector<16xi32>], vector<16xf32>,
          %parallel_loop3A_1017 = arith.constant 6 : i32
          %parallel_loop3A_1018 = vector.broadcast %parallel_loop3A_1017 : i32 to vector<16xi32>
          %parallel_loop3A_1019 = arith.addi %parallel_loop3A_926, %parallel_loop3A_1018 : vector<16xi32>
          %parallel_loop3A_1020 = arith.addi %parallel_loop3A_830, %parallel_loop3A_925 : i32
          %parallel_loop3A_1021 = arith.constant 6 : i32
          %parallel_loop3A_1022 = arith.addi %parallel_loop3A_1020, %parallel_loop3A_1021 : i32
          %parallel_loop3A_1023 = arith.index_cast %parallel_loop3A_1022 : i32 to index
          %parallel_loop3A_1024 = arith.constant 0 : index
          %parallel_loop3A_1025 = tpu.vector_load %arg6[%parallel_loop3A_1023, %parallel_loop3A_1024] {strides = array<i32>} : memref<2048x32xf32, #tpu.memory_space<vmem>>, vector<16xf32>,
          tpu.vector_store_idx %arg7[%parallel_loop3A_834, %and3A_4, %parallel_loop3A_1019], %parallel_loop3A_1025 : memref<32x8x129xf32, #tpu.memory_space<vmem>>[vector<16xi32>, vector<16xi32>, vector<16xi32>], vector<16xf32>,
          %parallel_loop3A_1026 = arith.addi %parallel_loop3A_830, %parallel_loop3A_925 : i32
          %parallel_loop3A_1027 = arith.constant 6 : i32
          %parallel_loop3A_1028 = arith.addi %parallel_loop3A_1026, %parallel_loop3A_1027 : i32
          %parallel_loop3A_1029 = arith.index_cast %parallel_loop3A_1028 : i32 to index
          %parallel_loop3A_1030 = arith.constant 16 : index
          %parallel_loop3A_1031 = tpu.vector_load %arg6[%parallel_loop3A_1029, %parallel_loop3A_1030] {strides = array<i32>} : memref<2048x32xf32, #tpu.memory_space<vmem>>, vector<16xf32>,
          tpu.vector_store_idx %arg7[%parallel_loop3A_837, %and3A_4, %parallel_loop3A_1019], %parallel_loop3A_1031 : memref<32x8x129xf32, #tpu.memory_space<vmem>>[vector<16xi32>, vector<16xi32>, vector<16xi32>], vector<16xf32>,
          %parallel_loop3A_1032 = arith.constant 7 : i32
          %parallel_loop3A_1033 = vector.broadcast %parallel_loop3A_1032 : i32 to vector<16xi32>
          %parallel_loop3A_1034 = arith.addi %parallel_loop3A_926, %parallel_loop3A_1033 : vector<16xi32>
          %parallel_loop3A_1035 = arith.addi %parallel_loop3A_830, %parallel_loop3A_925 : i32
          %parallel_loop3A_1036 = arith.constant 7 : i32
          %parallel_loop3A_1037 = arith.addi %parallel_loop3A_1035, %parallel_loop3A_1036 : i32
          %parallel_loop3A_1038 = arith.index_cast %parallel_loop3A_1037 : i32 to index
          %parallel_loop3A_1039 = arith.constant 0 : index
          %parallel_loop3A_1040 = tpu.vector_load %arg6[%parallel_loop3A_1038, %parallel_loop3A_1039] {strides = array<i32>} : memref<2048x32xf32, #tpu.memory_space<vmem>>, vector<16xf32>,
          tpu.vector_store_idx %arg7[%parallel_loop3A_834, %and3A_4, %parallel_loop3A_1034], %parallel_loop3A_1040 : memref<32x8x129xf32, #tpu.memory_space<vmem>>[vector<16xi32>, vector<16xi32>, vector<16xi32>], vector<16xf32>,
          %parallel_loop3A_1041 = arith.addi %parallel_loop3A_830, %parallel_loop3A_925 : i32
          %parallel_loop3A_1042 = arith.constant 7 : i32
          %parallel_loop3A_1043 = arith.addi %parallel_loop3A_1041, %parallel_loop3A_1042 : i32
          %parallel_loop3A_1044 = arith.index_cast %parallel_loop3A_1043 : i32 to index
          %parallel_loop3A_1045 = arith.constant 16 : index
          %parallel_loop3A_1046 = tpu.vector_load %arg6[%parallel_loop3A_1044, %parallel_loop3A_1045] {strides = array<i32>} : memref<2048x32xf32, #tpu.memory_space<vmem>>, vector<16xf32>,
          tpu.vector_store_idx %arg7[%parallel_loop3A_837, %and3A_4, %parallel_loop3A_1034], %parallel_loop3A_1046 : memref<32x8x129xf32, #tpu.memory_space<vmem>>[vector<16xi32>, vector<16xi32>, vector<16xi32>], vector<16xf32>,
        } {sc.loop_unroll_factor = 2 : i64, sc.parallel_access}
        %parallel_loop3A_841 = arith.constant 4 : i32
        %parallel_loop3A_842 = arith.muli %parallel_loop3A_822, %parallel_loop3A_841 : i32
        %parallel_loop3A_843 = arith.constant 0 : i32
        %parallel_loop3A_844 = arith.addi %parallel_loop3A_842, %parallel_loop3A_843 : i32
        %parallel_loop3A_845 = arith.constant 0 : i32
        %parallel_loop3A_846 = arith.constant 0 : i32
        %parallel_loop3A_847 = arith.constant 0 : i32
        %parallel_loop3A_848 = tpu.memref_slice %arg7[%parallel_loop3A_844, %parallel_loop3A_846, %parallel_loop3A_847] : memref<32x8x129xf32, #tpu.memory_space<vmem>> -> memref<1x8x128xf32, #tpu.memory_space<vmem>>
        %parallel_loop3A_849 = tpu.memref_squeeze %parallel_loop3A_848 : memref<1x8x128xf32, #tpu.memory_space<vmem>> -> memref<8x128xf32, #tpu.memory_space<vmem>>
        %parallel_loop3A_850 = arith.constant 0 : i32
        %parallel_loop3A_851 = arith.constant 0 : i32
        %parallel_loop3A_852 = tpu.memref_slice %arg4[%parallel_loop3A_825, %parallel_loop3A_845, %add3A, %parallel_loop3A_850, %parallel_loop3A_851] : memref<200x4x32x8x128xf32, #tpu.memory_space<hbm>> -> memref<1x1x1x8x128xf32, #tpu.memory_space<hbm>>
        %parallel_loop3A_853 = tpu.memref_squeeze %parallel_loop3A_852 : memref<1x1x1x8x128xf32, #tpu.memory_space<hbm>> -> memref<8x128xf32, #tpu.memory_space<hbm>>
        %parallel_loop3A_854 = arith.constant 0 : i32
        %parallel_loop3A_855 = arith.constant 0 : i32
        %parallel_loop3A_856 = tpu.memref_slice %arg4[%parallel_loop3A_825, %parallel_loop3A_845, %add3A, %parallel_loop3A_854, %parallel_loop3A_855] : memref<200x4x32x8x128xf32, #tpu.memory_space<hbm>> -> memref<1x1x1x8x128xf32, #tpu.memory_space<hbm>>
        %parallel_loop3A_857 = tpu.memref_squeeze %parallel_loop3A_856 : memref<1x1x1x8x128xf32, #tpu.memory_space<hbm>> -> memref<8x128xf32, #tpu.memory_space<hbm>>
        %parallel_loop3A_858 = arith.constant 0 : i32
        %parallel_loop3A_859 = arith.constant 0 : i32
        %parallel_loop3A_860 = tpu.memref_slice %arg7[%parallel_loop3A_844, %parallel_loop3A_858, %parallel_loop3A_859] : memref<32x8x129xf32, #tpu.memory_space<vmem>> -> memref<1x8x128xf32, #tpu.memory_space<vmem>>
        %parallel_loop3A_861 = tpu.memref_squeeze %parallel_loop3A_860 : memref<1x8x128xf32, #tpu.memory_space<vmem>> -> memref<8x128xf32, #tpu.memory_space<vmem>>
        tpu.enqueue_dma source(%parallel_loop3A_861 : memref<8x128xf32, #tpu.memory_space<vmem>>) target(%parallel_loop3A_857 : memref<8x128xf32, #tpu.memory_space<hbm>>) target_semaphore(%arg9 : memref<!tpu.dma_semaphore, #tpu.memory_space<semaphore_mem>>)
        %parallel_loop3A_862 = arith.constant 4 : i32
        %parallel_loop3A_863 = arith.muli %parallel_loop3A_822, %parallel_loop3A_862 : i32
        %parallel_loop3A_864 = arith.constant 1 : i32
        %parallel_loop3A_865 = arith.addi %parallel_loop3A_863, %parallel_loop3A_864 : i32
        %parallel_loop3A_866 = arith.constant 1 : i32
        %parallel_loop3A_867 = arith.constant 0 : i32
        %parallel_loop3A_868 = arith.constant 0 : i32
        %parallel_loop3A_869 = tpu.memref_slice %arg7[%parallel_loop3A_865, %parallel_loop3A_867, %parallel_loop3A_868] : memref<32x8x129xf32, #tpu.memory_space<vmem>> -> memref<1x8x128xf32, #tpu.memory_space<vmem>>
        %parallel_loop3A_870 = tpu.memref_squeeze %parallel_loop3A_869 : memref<1x8x128xf32, #tpu.memory_space<vmem>> -> memref<8x128xf32, #tpu.memory_space<vmem>>
        %parallel_loop3A_871 = arith.constant 0 : i32
        %parallel_loop3A_872 = arith.constant 0 : i32
        %parallel_loop3A_873 = tpu.memref_slice %arg4[%parallel_loop3A_825, %parallel_loop3A_866, %add3A, %parallel_loop3A_871, %parallel_loop3A_872] : memref<200x4x32x8x128xf32, #tpu.memory_space<hbm>> -> memref<1x1x1x8x128xf32, #tpu.memory_space<hbm>>
        %parallel_loop3A_874 = tpu.memref_squeeze %parallel_loop3A_873 : memref<1x1x1x8x128xf32, #tpu.memory_space<hbm>> -> memref<8x128xf32, #tpu.memory_space<hbm>>
        %parallel_loop3A_875 = arith.constant 0 : i32
        %parallel_loop3A_876 = arith.constant 0 : i32
        %parallel_loop3A_877 = tpu.memref_slice %arg4[%parallel_loop3A_825, %parallel_loop3A_866, %add3A, %parallel_loop3A_875, %parallel_loop3A_876] : memref<200x4x32x8x128xf32, #tpu.memory_space<hbm>> -> memref<1x1x1x8x128xf32, #tpu.memory_space<hbm>>
        %parallel_loop3A_878 = tpu.memref_squeeze %parallel_loop3A_877 : memref<1x1x1x8x128xf32, #tpu.memory_space<hbm>> -> memref<8x128xf32, #tpu.memory_space<hbm>>
        %parallel_loop3A_879 = arith.constant 0 : i32
        %parallel_loop3A_880 = arith.constant 0 : i32
        %parallel_loop3A_881 = tpu.memref_slice %arg7[%parallel_loop3A_865, %parallel_loop3A_879, %parallel_loop3A_880] : memref<32x8x129xf32, #tpu.memory_space<vmem>> -> memref<1x8x128xf32, #tpu.memory_space<vmem>>
        %parallel_loop3A_882 = tpu.memref_squeeze %parallel_loop3A_881 : memref<1x8x128xf32, #tpu.memory_space<vmem>> -> memref<8x128xf32, #tpu.memory_space<vmem>>
        tpu.enqueue_dma source(%parallel_loop3A_882 : memref<8x128xf32, #tpu.memory_space<vmem>>) target(%parallel_loop3A_878 : memref<8x128xf32, #tpu.memory_space<hbm>>) target_semaphore(%arg9 : memref<!tpu.dma_semaphore, #tpu.memory_space<semaphore_mem>>)
        %parallel_loop3A_883 = arith.constant 4 : i32
        %parallel_loop3A_884 = arith.muli %parallel_loop3A_822, %parallel_loop3A_883 : i32
        %parallel_loop3A_885 = arith.constant 2 : i32
        %parallel_loop3A_886 = arith.addi %parallel_loop3A_884, %parallel_loop3A_885 : i32
        %parallel_loop3A_887 = arith.constant 2 : i32
        %parallel_loop3A_888 = arith.constant 0 : i32
        %parallel_loop3A_889 = arith.constant 0 : i32
        %parallel_loop3A_890 = tpu.memref_slice %arg7[%parallel_loop3A_886, %parallel_loop3A_888, %parallel_loop3A_889] : memref<32x8x129xf32, #tpu.memory_space<vmem>> -> memref<1x8x128xf32, #tpu.memory_space<vmem>>
        %parallel_loop3A_891 = tpu.memref_squeeze %parallel_loop3A_890 : memref<1x8x128xf32, #tpu.memory_space<vmem>> -> memref<8x128xf32, #tpu.memory_space<vmem>>
        %parallel_loop3A_892 = arith.constant 0 : i32
        %parallel_loop3A_893 = arith.constant 0 : i32
        %parallel_loop3A_894 = tpu.memref_slice %arg4[%parallel_loop3A_825, %parallel_loop3A_887, %add3A, %parallel_loop3A_892, %parallel_loop3A_893] : memref<200x4x32x8x128xf32, #tpu.memory_space<hbm>> -> memref<1x1x1x8x128xf32, #tpu.memory_space<hbm>>
        %parallel_loop3A_895 = tpu.memref_squeeze %parallel_loop3A_894 : memref<1x1x1x8x128xf32, #tpu.memory_space<hbm>> -> memref<8x128xf32, #tpu.memory_space<hbm>>
        %parallel_loop3A_896 = arith.constant 0 : i32
        %parallel_loop3A_897 = arith.constant 0 : i32
        %parallel_loop3A_898 = tpu.memref_slice %arg4[%parallel_loop3A_825, %parallel_loop3A_887, %add3A, %parallel_loop3A_896, %parallel_loop3A_897] : memref<200x4x32x8x128xf32, #tpu.memory_space<hbm>> -> memref<1x1x1x8x128xf32, #tpu.memory_space<hbm>>
        %parallel_loop3A_899 = tpu.memref_squeeze %parallel_loop3A_898 : memref<1x1x1x8x128xf32, #tpu.memory_space<hbm>> -> memref<8x128xf32, #tpu.memory_space<hbm>>
        %parallel_loop3A_900 = arith.constant 0 : i32
        %parallel_loop3A_901 = arith.constant 0 : i32
        %parallel_loop3A_902 = tpu.memref_slice %arg7[%parallel_loop3A_886, %parallel_loop3A_900, %parallel_loop3A_901] : memref<32x8x129xf32, #tpu.memory_space<vmem>> -> memref<1x8x128xf32, #tpu.memory_space<vmem>>
        %parallel_loop3A_903 = tpu.memref_squeeze %parallel_loop3A_902 : memref<1x8x128xf32, #tpu.memory_space<vmem>> -> memref<8x128xf32, #tpu.memory_space<vmem>>
        tpu.enqueue_dma source(%parallel_loop3A_903 : memref<8x128xf32, #tpu.memory_space<vmem>>) target(%parallel_loop3A_899 : memref<8x128xf32, #tpu.memory_space<hbm>>) target_semaphore(%arg9 : memref<!tpu.dma_semaphore, #tpu.memory_space<semaphore_mem>>)
        %parallel_loop3A_904 = arith.constant 4 : i32
        %parallel_loop3A_905 = arith.muli %parallel_loop3A_822, %parallel_loop3A_904 : i32
        %parallel_loop3A_906 = arith.constant 3 : i32
        %parallel_loop3A_907 = arith.addi %parallel_loop3A_905, %parallel_loop3A_906 : i32
        %parallel_loop3A_908 = arith.constant 3 : i32
        %parallel_loop3A_909 = arith.constant 0 : i32
        %parallel_loop3A_910 = arith.constant 0 : i32
        %parallel_loop3A_911 = tpu.memref_slice %arg7[%parallel_loop3A_907, %parallel_loop3A_909, %parallel_loop3A_910] : memref<32x8x129xf32, #tpu.memory_space<vmem>> -> memref<1x8x128xf32, #tpu.memory_space<vmem>>
        %parallel_loop3A_912 = tpu.memref_squeeze %parallel_loop3A_911 : memref<1x8x128xf32, #tpu.memory_space<vmem>> -> memref<8x128xf32, #tpu.memory_space<vmem>>
        %parallel_loop3A_913 = arith.constant 0 : i32
        %parallel_loop3A_914 = arith.constant 0 : i32
        %parallel_loop3A_915 = tpu.memref_slice %arg4[%parallel_loop3A_825, %parallel_loop3A_908, %add3A, %parallel_loop3A_913, %parallel_loop3A_914] : memref<200x4x32x8x128xf32, #tpu.memory_space<hbm>> -> memref<1x1x1x8x128xf32, #tpu.memory_space<hbm>>
        %parallel_loop3A_916 = tpu.memref_squeeze %parallel_loop3A_915 : memref<1x1x1x8x128xf32, #tpu.memory_space<hbm>> -> memref<8x128xf32, #tpu.memory_space<hbm>>
        %parallel_loop3A_917 = arith.constant 0 : i32
        %parallel_loop3A_918 = arith.constant 0 : i32
        %parallel_loop3A_919 = tpu.memref_slice %arg4[%parallel_loop3A_825, %parallel_loop3A_908, %add3A, %parallel_loop3A_917, %parallel_loop3A_918] : memref<200x4x32x8x128xf32, #tpu.memory_space<hbm>> -> memref<1x1x1x8x128xf32, #tpu.memory_space<hbm>>
        %parallel_loop3A_920 = tpu.memref_squeeze %parallel_loop3A_919 : memref<1x1x1x8x128xf32, #tpu.memory_space<hbm>> -> memref<8x128xf32, #tpu.memory_space<hbm>>
        %parallel_loop3A_921 = arith.constant 0 : i32
        %parallel_loop3A_922 = arith.constant 0 : i32
        %parallel_loop3A_923 = tpu.memref_slice %arg7[%parallel_loop3A_907, %parallel_loop3A_921, %parallel_loop3A_922] : memref<32x8x129xf32, #tpu.memory_space<vmem>> -> memref<1x8x128xf32, #tpu.memory_space<vmem>>
        %parallel_loop3A_924 = tpu.memref_squeeze %parallel_loop3A_923 : memref<1x8x128xf32, #tpu.memory_space<vmem>> -> memref<8x128xf32, #tpu.memory_space<vmem>>
        tpu.enqueue_dma source(%parallel_loop3A_924 : memref<8x128xf32, #tpu.memory_space<vmem>>) target(%parallel_loop3A_920 : memref<8x128xf32, #tpu.memory_space<hbm>>) target_semaphore(%arg9 : memref<!tpu.dma_semaphore, #tpu.memory_space<semaphore_mem>>)
      } {sc.loop_unroll_factor = 1 : i64, sc.parallel_access}
    }
    %scan3A_90 = arith.constant 25 : i32
    %dma_wait3A = arith.constant 0 : i32
    %dma_wait3A_91 = arith.constant 0 : i32
    %dma_wait3A_92 = arith.constant 0 : i32
    %dma_wait3A_93 = arith.constant 0 : i32
    %dma_wait3A_94 = arith.constant 0 : i32
    %dma_wait3A_95 = arith.constant 0 : i32
    %dma_wait3A_96 = tpu.memref_slice %arg7[%dma_wait3A, %dma_wait3A_94, %dma_wait3A_95] : memref<32x8x129xf32, #tpu.memory_space<vmem>> -> memref<1x8x128xf32, #tpu.memory_space<vmem>>
    %dma_wait3A_97 = tpu.memref_squeeze %dma_wait3A_96 : memref<1x8x128xf32, #tpu.memory_space<vmem>> -> memref<8x128xf32, #tpu.memory_space<vmem>>
    %dma_wait3A_98 = arith.constant 0 : i32
    %dma_wait3A_99 = arith.constant 0 : i32
    %dma_wait3A_100 = tpu.memref_slice %arg4[%dma_wait3A_91, %dma_wait3A_92, %dma_wait3A_93, %dma_wait3A_98, %dma_wait3A_99] : memref<200x4x32x8x128xf32, #tpu.memory_space<hbm>> -> memref<1x1x1x8x128xf32, #tpu.memory_space<hbm>>
    %dma_wait3A_101 = tpu.memref_squeeze %dma_wait3A_100 : memref<1x1x1x8x128xf32, #tpu.memory_space<hbm>> -> memref<8x128xf32, #tpu.memory_space<hbm>>
    %dma_wait3A_102 = arith.constant 0 : i32
    %dma_wait3A_103 = arith.constant 0 : i32
    %dma_wait3A_104 = tpu.memref_slice %arg4[%dma_wait3A_91, %dma_wait3A_92, %dma_wait3A_93, %dma_wait3A_102, %dma_wait3A_103] : memref<200x4x32x8x128xf32, #tpu.memory_space<hbm>> -> memref<1x1x1x8x128xf32, #tpu.memory_space<hbm>>
    %dma_wait3A_105 = tpu.memref_squeeze %dma_wait3A_104 : memref<1x1x1x8x128xf32, #tpu.memory_space<hbm>> -> memref<8x128xf32, #tpu.memory_space<hbm>>
    %dma_wait3A_106 = arith.constant 0 : i32
    %dma_wait3A_107 = arith.constant 0 : i32
    %dma_wait3A_108 = tpu.memref_slice %arg7[%dma_wait3A, %dma_wait3A_106, %dma_wait3A_107] : memref<32x8x129xf32, #tpu.memory_space<vmem>> -> memref<1x8x128xf32, #tpu.memory_space<vmem>>
    %dma_wait3A_109 = tpu.memref_squeeze %dma_wait3A_108 : memref<1x8x128xf32, #tpu.memory_space<vmem>> -> memref<8x128xf32, #tpu.memory_space<vmem>>
    tpu.wait_dma2 semaphore(%arg9 : memref<!tpu.dma_semaphore, #tpu.memory_space<semaphore_mem>>) src(%dma_wait3A_109 : memref<8x128xf32, #tpu.memory_space<vmem>>) dst(%dma_wait3A_105 : memref<8x128xf32, #tpu.memory_space<hbm>>)
    %dma_wait3A_110 = arith.constant 0 : i32
    %dma_wait3A_111 = arith.constant 0 : i32
    %dma_wait3A_112 = arith.constant 0 : i32
    %dma_wait3A_113 = arith.constant 0 : i32
    %dma_wait3A_114 = arith.constant 0 : i32
    %dma_wait3A_115 = arith.constant 0 : i32
    %dma_wait3A_116 = tpu.memref_slice %arg7[%dma_wait3A_110, %dma_wait3A_114, %dma_wait3A_115] : memref<32x8x129xf32, #tpu.memory_space<vmem>> -> memref<1x8x128xf32, #tpu.memory_space<vmem>>
    %dma_wait3A_117 = tpu.memref_squeeze %dma_wait3A_116 : memref<1x8x128xf32, #tpu.memory_space<vmem>> -> memref<8x128xf32, #tpu.memory_space<vmem>>
    %dma_wait3A_118 = arith.constant 0 : i32
    %dma_wait3A_119 = arith.constant 0 : i32
    %dma_wait3A_120 = tpu.memref_slice %arg4[%dma_wait3A_111, %dma_wait3A_112, %dma_wait3A_113, %dma_wait3A_118, %dma_wait3A_119] : memref<200x4x32x8x128xf32, #tpu.memory_space<hbm>> -> memref<1x1x1x8x128xf32, #tpu.memory_space<hbm>>
    %dma_wait3A_121 = tpu.memref_squeeze %dma_wait3A_120 : memref<1x1x1x8x128xf32, #tpu.memory_space<hbm>> -> memref<8x128xf32, #tpu.memory_space<hbm>>
    %dma_wait3A_122 = arith.constant 0 : i32
    %dma_wait3A_123 = arith.constant 0 : i32
    %dma_wait3A_124 = tpu.memref_slice %arg4[%dma_wait3A_111, %dma_wait3A_112, %dma_wait3A_113, %dma_wait3A_122, %dma_wait3A_123] : memref<200x4x32x8x128xf32, #tpu.memory_space<hbm>> -> memref<1x1x1x8x128xf32, #tpu.memory_space<hbm>>
    %dma_wait3A_125 = tpu.memref_squeeze %dma_wait3A_124 : memref<1x1x1x8x128xf32, #tpu.memory_space<hbm>> -> memref<8x128xf32, #tpu.memory_space<hbm>>
    %dma_wait3A_126 = arith.constant 0 : i32
    %dma_wait3A_127 = arith.constant 0 : i32
    %dma_wait3A_128 = tpu.memref_slice %arg7[%dma_wait3A_110, %dma_wait3A_126, %dma_wait3A_127] : memref<32x8x129xf32, #tpu.memory_space<vmem>> -> memref<1x8x128xf32, #tpu.memory_space<vmem>>
    %dma_wait3A_129 = tpu.memref_squeeze %dma_wait3A_128 : memref<1x8x128xf32, #tpu.memory_space<vmem>> -> memref<8x128xf32, #tpu.memory_space<vmem>>
    tpu.wait_dma2 semaphore(%arg9 : memref<!tpu.dma_semaphore, #tpu.memory_space<semaphore_mem>>) src(%dma_wait3A_129 : memref<8x128xf32, #tpu.memory_space<vmem>>) dst(%dma_wait3A_125 : memref<8x128xf32, #tpu.memory_space<hbm>>)
    %dma_wait3A_130 = arith.constant 0 : i32
    %dma_wait3A_131 = arith.constant 0 : i32
    %dma_wait3A_132 = arith.constant 0 : i32
    %dma_wait3A_133 = arith.constant 0 : i32
    %dma_wait3A_134 = arith.constant 0 : i32
    %dma_wait3A_135 = arith.constant 0 : i32
    %dma_wait3A_136 = tpu.memref_slice %arg7[%dma_wait3A_130, %dma_wait3A_134, %dma_wait3A_135] : memref<32x8x129xf32, #tpu.memory_space<vmem>> -> memref<1x8x128xf32, #tpu.memory_space<vmem>>
    %dma_wait3A_137 = tpu.memref_squeeze %dma_wait3A_136 : memref<1x8x128xf32, #tpu.memory_space<vmem>> -> memref<8x128xf32, #tpu.memory_space<vmem>>
    %dma_wait3A_138 = arith.constant 0 : i32
    %dma_wait3A_139 = arith.constant 0 : i32
    %dma_wait3A_140 = tpu.memref_slice %arg4[%dma_wait3A_131, %dma_wait3A_132, %dma_wait3A_133, %dma_wait3A_138, %dma_wait3A_139] : memref<200x4x32x8x128xf32, #tpu.memory_space<hbm>> -> memref<1x1x1x8x128xf32, #tpu.memory_space<hbm>>
    %dma_wait3A_141 = tpu.memref_squeeze %dma_wait3A_140 : memref<1x1x1x8x128xf32, #tpu.memory_space<hbm>> -> memref<8x128xf32, #tpu.memory_space<hbm>>
    %dma_wait3A_142 = arith.constant 0 : i32
    %dma_wait3A_143 = arith.constant 0 : i32
    %dma_wait3A_144 = tpu.memref_slice %arg4[%dma_wait3A_131, %dma_wait3A_132, %dma_wait3A_133, %dma_wait3A_142, %dma_wait3A_143] : memref<200x4x32x8x128xf32, #tpu.memory_space<hbm>> -> memref<1x1x1x8x128xf32, #tpu.memory_space<hbm>>
    %dma_wait3A_145 = tpu.memref_squeeze %dma_wait3A_144 : memref<1x1x1x8x128xf32, #tpu.memory_space<hbm>> -> memref<8x128xf32, #tpu.memory_space<hbm>>
    %dma_wait3A_146 = arith.constant 0 : i32
    %dma_wait3A_147 = arith.constant 0 : i32
    %dma_wait3A_148 = tpu.memref_slice %arg7[%dma_wait3A_130, %dma_wait3A_146, %dma_wait3A_147] : memref<32x8x129xf32, #tpu.memory_space<vmem>> -> memref<1x8x128xf32, #tpu.memory_space<vmem>>
    %dma_wait3A_149 = tpu.memref_squeeze %dma_wait3A_148 : memref<1x8x128xf32, #tpu.memory_space<vmem>> -> memref<8x128xf32, #tpu.memory_space<vmem>>
    tpu.wait_dma2 semaphore(%arg9 : memref<!tpu.dma_semaphore, #tpu.memory_space<semaphore_mem>>) src(%dma_wait3A_149 : memref<8x128xf32, #tpu.memory_space<vmem>>) dst(%dma_wait3A_145 : memref<8x128xf32, #tpu.memory_space<hbm>>)
    %dma_wait3A_150 = arith.constant 0 : i32
    %dma_wait3A_151 = arith.constant 0 : i32
    %dma_wait3A_152 = arith.constant 0 : i32
    %dma_wait3A_153 = arith.constant 0 : i32
    %dma_wait3A_154 = arith.constant 0 : i32
    %dma_wait3A_155 = arith.constant 0 : i32
    %dma_wait3A_156 = tpu.memref_slice %arg7[%dma_wait3A_150, %dma_wait3A_154, %dma_wait3A_155] : memref<32x8x129xf32, #tpu.memory_space<vmem>> -> memref<1x8x128xf32, #tpu.memory_space<vmem>>
    %dma_wait3A_157 = tpu.memref_squeeze %dma_wait3A_156 : memref<1x8x128xf32, #tpu.memory_space<vmem>> -> memref<8x128xf32, #tpu.memory_space<vmem>>
    %dma_wait3A_158 = arith.constant 0 : i32
    %dma_wait3A_159 = arith.constant 0 : i32
    %dma_wait3A_160 = tpu.memref_slice %arg4[%dma_wait3A_151, %dma_wait3A_152, %dma_wait3A_153, %dma_wait3A_158, %dma_wait3A_159] : memref<200x4x32x8x128xf32, #tpu.memory_space<hbm>> -> memref<1x1x1x8x128xf32, #tpu.memory_space<hbm>>
    %dma_wait3A_161 = tpu.memref_squeeze %dma_wait3A_160 : memref<1x1x1x8x128xf32, #tpu.memory_space<hbm>> -> memref<8x128xf32, #tpu.memory_space<hbm>>
    %dma_wait3A_162 = arith.constant 0 : i32
    %dma_wait3A_163 = arith.constant 0 : i32
    %dma_wait3A_164 = tpu.memref_slice %arg4[%dma_wait3A_151, %dma_wait3A_152, %dma_wait3A_153, %dma_wait3A_162, %dma_wait3A_163] : memref<200x4x32x8x128xf32, #tpu.memory_space<hbm>> -> memref<1x1x1x8x128xf32, #tpu.memory_space<hbm>>
    %dma_wait3A_165 = tpu.memref_squeeze %dma_wait3A_164 : memref<1x1x1x8x128xf32, #tpu.memory_space<hbm>> -> memref<8x128xf32, #tpu.memory_space<hbm>>
    %dma_wait3A_166 = arith.constant 0 : i32
    %dma_wait3A_167 = arith.constant 0 : i32
    %dma_wait3A_168 = tpu.memref_slice %arg7[%dma_wait3A_150, %dma_wait3A_166, %dma_wait3A_167] : memref<32x8x129xf32, #tpu.memory_space<vmem>> -> memref<1x8x128xf32, #tpu.memory_space<vmem>>
    %dma_wait3A_169 = tpu.memref_squeeze %dma_wait3A_168 : memref<1x8x128xf32, #tpu.memory_space<vmem>> -> memref<8x128xf32, #tpu.memory_space<vmem>>
    tpu.wait_dma2 semaphore(%arg9 : memref<!tpu.dma_semaphore, #tpu.memory_space<semaphore_mem>>) src(%dma_wait3A_169 : memref<8x128xf32, #tpu.memory_space<vmem>>) dst(%dma_wait3A_165 : memref<8x128xf32, #tpu.memory_space<hbm>>)
    %dma_wait3A_170 = arith.constant 0 : i32
    %dma_wait3A_171 = arith.constant 0 : i32
    %dma_wait3A_172 = arith.constant 0 : i32
    %dma_wait3A_173 = arith.constant 0 : i32
    %dma_wait3A_174 = arith.constant 0 : i32
    %dma_wait3A_175 = arith.constant 0 : i32
    %dma_wait3A_176 = tpu.memref_slice %arg7[%dma_wait3A_170, %dma_wait3A_174, %dma_wait3A_175] : memref<32x8x129xf32, #tpu.memory_space<vmem>> -> memref<1x8x128xf32, #tpu.memory_space<vmem>>
    %dma_wait3A_177 = tpu.memref_squeeze %dma_wait3A_176 : memref<1x8x128xf32, #tpu.memory_space<vmem>> -> memref<8x128xf32, #tpu.memory_space<vmem>>
    %dma_wait3A_178 = arith.constant 0 : i32
    %dma_wait3A_179 = arith.constant 0 : i32
    %dma_wait3A_180 = tpu.memref_slice %arg4[%dma_wait3A_171, %dma_wait3A_172, %dma_wait3A_173, %dma_wait3A_178, %dma_wait3A_179] : memref<200x4x32x8x128xf32, #tpu.memory_space<hbm>> -> memref<1x1x1x8x128xf32, #tpu.memory_space<hbm>>
    %dma_wait3A_181 = tpu.memref_squeeze %dma_wait3A_180 : memref<1x1x1x8x128xf32, #tpu.memory_space<hbm>> -> memref<8x128xf32, #tpu.memory_space<hbm>>
    %dma_wait3A_182 = arith.constant 0 : i32
    %dma_wait3A_183 = arith.constant 0 : i32
    %dma_wait3A_184 = tpu.memref_slice %arg4[%dma_wait3A_171, %dma_wait3A_172, %dma_wait3A_173, %dma_wait3A_182, %dma_wait3A_183] : memref<200x4x32x8x128xf32, #tpu.memory_space<hbm>> -> memref<1x1x1x8x128xf32, #tpu.memory_space<hbm>>
    %dma_wait3A_185 = tpu.memref_squeeze %dma_wait3A_184 : memref<1x1x1x8x128xf32, #tpu.memory_space<hbm>> -> memref<8x128xf32, #tpu.memory_space<hbm>>
    %dma_wait3A_186 = arith.constant 0 : i32
    %dma_wait3A_187 = arith.constant 0 : i32
    %dma_wait3A_188 = tpu.memref_slice %arg7[%dma_wait3A_170, %dma_wait3A_186, %dma_wait3A_187] : memref<32x8x129xf32, #tpu.memory_space<vmem>> -> memref<1x8x128xf32, #tpu.memory_space<vmem>>
    %dma_wait3A_189 = tpu.memref_squeeze %dma_wait3A_188 : memref<1x8x128xf32, #tpu.memory_space<vmem>> -> memref<8x128xf32, #tpu.memory_space<vmem>>
    tpu.wait_dma2 semaphore(%arg9 : memref<!tpu.dma_semaphore, #tpu.memory_space<semaphore_mem>>) src(%dma_wait3A_189 : memref<8x128xf32, #tpu.memory_space<vmem>>) dst(%dma_wait3A_185 : memref<8x128xf32, #tpu.memory_space<hbm>>)
    %dma_wait3A_190 = arith.constant 0 : i32
    %dma_wait3A_191 = arith.constant 0 : i32
    %dma_wait3A_192 = arith.constant 0 : i32
    %dma_wait3A_193 = arith.constant 0 : i32
    %dma_wait3A_194 = arith.constant 0 : i32
    %dma_wait3A_195 = arith.constant 0 : i32
    %dma_wait3A_196 = tpu.memref_slice %arg7[%dma_wait3A_190, %dma_wait3A_194, %dma_wait3A_195] : memref<32x8x129xf32, #tpu.memory_space<vmem>> -> memref<1x8x128xf32, #tpu.memory_space<vmem>>
    %dma_wait3A_197 = tpu.memref_squeeze %dma_wait3A_196 : memref<1x8x128xf32, #tpu.memory_space<vmem>> -> memref<8x128xf32, #tpu.memory_space<vmem>>
    %dma_wait3A_198 = arith.constant 0 : i32
    %dma_wait3A_199 = arith.constant 0 : i32
    %dma_wait3A_200 = tpu.memref_slice %arg4[%dma_wait3A_191, %dma_wait3A_192, %dma_wait3A_193, %dma_wait3A_198, %dma_wait3A_199] : memref<200x4x32x8x128xf32, #tpu.memory_space<hbm>> -> memref<1x1x1x8x128xf32, #tpu.memory_space<hbm>>
    %dma_wait3A_201 = tpu.memref_squeeze %dma_wait3A_200 : memref<1x1x1x8x128xf32, #tpu.memory_space<hbm>> -> memref<8x128xf32, #tpu.memory_space<hbm>>
    %dma_wait3A_202 = arith.constant 0 : i32
    %dma_wait3A_203 = arith.constant 0 : i32
    %dma_wait3A_204 = tpu.memref_slice %arg4[%dma_wait3A_191, %dma_wait3A_192, %dma_wait3A_193, %dma_wait3A_202, %dma_wait3A_203] : memref<200x4x32x8x128xf32, #tpu.memory_space<hbm>> -> memref<1x1x1x8x128xf32, #tpu.memory_space<hbm>>
    %dma_wait3A_205 = tpu.memref_squeeze %dma_wait3A_204 : memref<1x1x1x8x128xf32, #tpu.memory_space<hbm>> -> memref<8x128xf32, #tpu.memory_space<hbm>>
    %dma_wait3A_206 = arith.constant 0 : i32
    %dma_wait3A_207 = arith.constant 0 : i32
    %dma_wait3A_208 = tpu.memref_slice %arg7[%dma_wait3A_190, %dma_wait3A_206, %dma_wait3A_207] : memref<32x8x129xf32, #tpu.memory_space<vmem>> -> memref<1x8x128xf32, #tpu.memory_space<vmem>>
    %dma_wait3A_209 = tpu.memref_squeeze %dma_wait3A_208 : memref<1x8x128xf32, #tpu.memory_space<vmem>> -> memref<8x128xf32, #tpu.memory_space<vmem>>
    tpu.wait_dma2 semaphore(%arg9 : memref<!tpu.dma_semaphore, #tpu.memory_space<semaphore_mem>>) src(%dma_wait3A_209 : memref<8x128xf32, #tpu.memory_space<vmem>>) dst(%dma_wait3A_205 : memref<8x128xf32, #tpu.memory_space<hbm>>)
    %dma_wait3A_210 = arith.constant 0 : i32
    %dma_wait3A_211 = arith.constant 0 : i32
    %dma_wait3A_212 = arith.constant 0 : i32
    %dma_wait3A_213 = arith.constant 0 : i32
    %dma_wait3A_214 = arith.constant 0 : i32
    %dma_wait3A_215 = arith.constant 0 : i32
    %dma_wait3A_216 = tpu.memref_slice %arg7[%dma_wait3A_210, %dma_wait3A_214, %dma_wait3A_215] : memref<32x8x129xf32, #tpu.memory_space<vmem>> -> memref<1x8x128xf32, #tpu.memory_space<vmem>>
    %dma_wait3A_217 = tpu.memref_squeeze %dma_wait3A_216 : memref<1x8x128xf32, #tpu.memory_space<vmem>> -> memref<8x128xf32, #tpu.memory_space<vmem>>
    %dma_wait3A_218 = arith.constant 0 : i32
    %dma_wait3A_219 = arith.constant 0 : i32
    %dma_wait3A_220 = tpu.memref_slice %arg4[%dma_wait3A_211, %dma_wait3A_212, %dma_wait3A_213, %dma_wait3A_218, %dma_wait3A_219] : memref<200x4x32x8x128xf32, #tpu.memory_space<hbm>> -> memref<1x1x1x8x128xf32, #tpu.memory_space<hbm>>
    %dma_wait3A_221 = tpu.memref_squeeze %dma_wait3A_220 : memref<1x1x1x8x128xf32, #tpu.memory_space<hbm>> -> memref<8x128xf32, #tpu.memory_space<hbm>>
    %dma_wait3A_222 = arith.constant 0 : i32
    %dma_wait3A_223 = arith.constant 0 : i32
    %dma_wait3A_224 = tpu.memref_slice %arg4[%dma_wait3A_211, %dma_wait3A_212, %dma_wait3A_213, %dma_wait3A_222, %dma_wait3A_223] : memref<200x4x32x8x128xf32, #tpu.memory_space<hbm>> -> memref<1x1x1x8x128xf32, #tpu.memory_space<hbm>>
    %dma_wait3A_225 = tpu.memref_squeeze %dma_wait3A_224 : memref<1x1x1x8x128xf32, #tpu.memory_space<hbm>> -> memref<8x128xf32, #tpu.memory_space<hbm>>
    %dma_wait3A_226 = arith.constant 0 : i32
    %dma_wait3A_227 = arith.constant 0 : i32
    %dma_wait3A_228 = tpu.memref_slice %arg7[%dma_wait3A_210, %dma_wait3A_226, %dma_wait3A_227] : memref<32x8x129xf32, #tpu.memory_space<vmem>> -> memref<1x8x128xf32, #tpu.memory_space<vmem>>
    %dma_wait3A_229 = tpu.memref_squeeze %dma_wait3A_228 : memref<1x8x128xf32, #tpu.memory_space<vmem>> -> memref<8x128xf32, #tpu.memory_space<vmem>>
    tpu.wait_dma2 semaphore(%arg9 : memref<!tpu.dma_semaphore, #tpu.memory_space<semaphore_mem>>) src(%dma_wait3A_229 : memref<8x128xf32, #tpu.memory_space<vmem>>) dst(%dma_wait3A_225 : memref<8x128xf32, #tpu.memory_space<hbm>>)
    %dma_wait3A_230 = arith.constant 0 : i32
    %dma_wait3A_231 = arith.constant 0 : i32
    %dma_wait3A_232 = arith.constant 0 : i32
    %dma_wait3A_233 = arith.constant 0 : i32
    %dma_wait3A_234 = arith.constant 0 : i32
    %dma_wait3A_235 = arith.constant 0 : i32
    %dma_wait3A_236 = tpu.memref_slice %arg7[%dma_wait3A_230, %dma_wait3A_234, %dma_wait3A_235] : memref<32x8x129xf32, #tpu.memory_space<vmem>> -> memref<1x8x128xf32, #tpu.memory_space<vmem>>
    %dma_wait3A_237 = tpu.memref_squeeze %dma_wait3A_236 : memref<1x8x128xf32, #tpu.memory_space<vmem>> -> memref<8x128xf32, #tpu.memory_space<vmem>>
    %dma_wait3A_238 = arith.constant 0 : i32
    %dma_wait3A_239 = arith.constant 0 : i32
    %dma_wait3A_240 = tpu.memref_slice %arg4[%dma_wait3A_231, %dma_wait3A_232, %dma_wait3A_233, %dma_wait3A_238, %dma_wait3A_239] : memref<200x4x32x8x128xf32, #tpu.memory_space<hbm>> -> memref<1x1x1x8x128xf32, #tpu.memory_space<hbm>>
    %dma_wait3A_241 = tpu.memref_squeeze %dma_wait3A_240 : memref<1x1x1x8x128xf32, #tpu.memory_space<hbm>> -> memref<8x128xf32, #tpu.memory_space<hbm>>
    %dma_wait3A_242 = arith.constant 0 : i32
    %dma_wait3A_243 = arith.constant 0 : i32
    %dma_wait3A_244 = tpu.memref_slice %arg4[%dma_wait3A_231, %dma_wait3A_232, %dma_wait3A_233, %dma_wait3A_242, %dma_wait3A_243] : memref<200x4x32x8x128xf32, #tpu.memory_space<hbm>> -> memref<1x1x1x8x128xf32, #tpu.memory_space<hbm>>
    %dma_wait3A_245 = tpu.memref_squeeze %dma_wait3A_244 : memref<1x1x1x8x128xf32, #tpu.memory_space<hbm>> -> memref<8x128xf32, #tpu.memory_space<hbm>>
    %dma_wait3A_246 = arith.constant 0 : i32
    %dma_wait3A_247 = arith.constant 0 : i32
    %dma_wait3A_248 = tpu.memref_slice %arg7[%dma_wait3A_230, %dma_wait3A_246, %dma_wait3A_247] : memref<32x8x129xf32, #tpu.memory_space<vmem>> -> memref<1x8x128xf32, #tpu.memory_space<vmem>>
    %dma_wait3A_249 = tpu.memref_squeeze %dma_wait3A_248 : memref<1x8x128xf32, #tpu.memory_space<vmem>> -> memref<8x128xf32, #tpu.memory_space<vmem>>
    tpu.wait_dma2 semaphore(%arg9 : memref<!tpu.dma_semaphore, #tpu.memory_space<semaphore_mem>>) src(%dma_wait3A_249 : memref<8x128xf32, #tpu.memory_space<vmem>>) dst(%dma_wait3A_245 : memref<8x128xf32, #tpu.memory_space<hbm>>)
    %dma_wait3A_250 = arith.constant 0 : i32
    %dma_wait3A_251 = arith.constant 0 : i32
    %dma_wait3A_252 = arith.constant 0 : i32
    %dma_wait3A_253 = arith.constant 0 : i32
    %dma_wait3A_254 = arith.constant 0 : i32
    %dma_wait3A_255 = arith.constant 0 : i32
    %dma_wait3A_256 = tpu.memref_slice %arg7[%dma_wait3A_250, %dma_wait3A_254, %dma_wait3A_255] : memref<32x8x129xf32, #tpu.memory_space<vmem>> -> memref<1x8x128xf32, #tpu.memory_space<vmem>>
    %dma_wait3A_257 = tpu.memref_squeeze %dma_wait3A_256 : memref<1x8x128xf32, #tpu.memory_space<vmem>> -> memref<8x128xf32, #tpu.memory_space<vmem>>
    %dma_wait3A_258 = arith.constant 0 : i32
    %dma_wait3A_259 = arith.constant 0 : i32
    %dma_wait3A_260 = tpu.memref_slice %arg4[%dma_wait3A_251, %dma_wait3A_252, %dma_wait3A_253, %dma_wait3A_258, %dma_wait3A_259] : memref<200x4x32x8x128xf32, #tpu.memory_space<hbm>> -> memref<1x1x1x8x128xf32, #tpu.memory_space<hbm>>
    %dma_wait3A_261 = tpu.memref_squeeze %dma_wait3A_260 : memref<1x1x1x8x128xf32, #tpu.memory_space<hbm>> -> memref<8x128xf32, #tpu.memory_space<hbm>>
    %dma_wait3A_262 = arith.constant 0 : i32
    %dma_wait3A_263 = arith.constant 0 : i32
    %dma_wait3A_264 = tpu.memref_slice %arg4[%dma_wait3A_251, %dma_wait3A_252, %dma_wait3A_253, %dma_wait3A_262, %dma_wait3A_263] : memref<200x4x32x8x128xf32, #tpu.memory_space<hbm>> -> memref<1x1x1x8x128xf32, #tpu.memory_space<hbm>>
    %dma_wait3A_265 = tpu.memref_squeeze %dma_wait3A_264 : memref<1x1x1x8x128xf32, #tpu.memory_space<hbm>> -> memref<8x128xf32, #tpu.memory_space<hbm>>
    %dma_wait3A_266 = arith.constant 0 : i32
    %dma_wait3A_267 = arith.constant 0 : i32
    %dma_wait3A_268 = tpu.memref_slice %arg7[%dma_wait3A_250, %dma_wait3A_266, %dma_wait3A_267] : memref<32x8x129xf32, #tpu.memory_space<vmem>> -> memref<1x8x128xf32, #tpu.memory_space<vmem>>
    %dma_wait3A_269 = tpu.memref_squeeze %dma_wait3A_268 : memref<1x8x128xf32, #tpu.memory_space<vmem>> -> memref<8x128xf32, #tpu.memory_space<vmem>>
    tpu.wait_dma2 semaphore(%arg9 : memref<!tpu.dma_semaphore, #tpu.memory_space<semaphore_mem>>) src(%dma_wait3A_269 : memref<8x128xf32, #tpu.memory_space<vmem>>) dst(%dma_wait3A_265 : memref<8x128xf32, #tpu.memory_space<hbm>>)
    %dma_wait3A_270 = arith.constant 0 : i32
    %dma_wait3A_271 = arith.constant 0 : i32
    %dma_wait3A_272 = arith.constant 0 : i32
    %dma_wait3A_273 = arith.constant 0 : i32
    %dma_wait3A_274 = arith.constant 0 : i32
    %dma_wait3A_275 = arith.constant 0 : i32
    %dma_wait3A_276 = tpu.memref_slice %arg7[%dma_wait3A_270, %dma_wait3A_274, %dma_wait3A_275] : memref<32x8x129xf32, #tpu.memory_space<vmem>> -> memref<1x8x128xf32, #tpu.memory_space<vmem>>
    %dma_wait3A_277 = tpu.memref_squeeze %dma_wait3A_276 : memref<1x8x128xf32, #tpu.memory_space<vmem>> -> memref<8x128xf32, #tpu.memory_space<vmem>>
    %dma_wait3A_278 = arith.constant 0 : i32
    %dma_wait3A_279 = arith.constant 0 : i32
    %dma_wait3A_280 = tpu.memref_slice %arg4[%dma_wait3A_271, %dma_wait3A_272, %dma_wait3A_273, %dma_wait3A_278, %dma_wait3A_279] : memref<200x4x32x8x128xf32, #tpu.memory_space<hbm>> -> memref<1x1x1x8x128xf32, #tpu.memory_space<hbm>>
    %dma_wait3A_281 = tpu.memref_squeeze %dma_wait3A_280 : memref<1x1x1x8x128xf32, #tpu.memory_space<hbm>> -> memref<8x128xf32, #tpu.memory_space<hbm>>
    %dma_wait3A_282 = arith.constant 0 : i32
    %dma_wait3A_283 = arith.constant 0 : i32
    %dma_wait3A_284 = tpu.memref_slice %arg4[%dma_wait3A_271, %dma_wait3A_272, %dma_wait3A_273, %dma_wait3A_282, %dma_wait3A_283] : memref<200x4x32x8x128xf32, #tpu.memory_space<hbm>> -> memref<1x1x1x8x128xf32, #tpu.memory_space<hbm>>
    %dma_wait3A_285 = tpu.memref_squeeze %dma_wait3A_284 : memref<1x1x1x8x128xf32, #tpu.memory_space<hbm>> -> memref<8x128xf32, #tpu.memory_space<hbm>>
    %dma_wait3A_286 = arith.constant 0 : i32
    %dma_wait3A_287 = arith.constant 0 : i32
    %dma_wait3A_288 = tpu.memref_slice %arg7[%dma_wait3A_270, %dma_wait3A_286, %dma_wait3A_287] : memref<32x8x129xf32, #tpu.memory_space<vmem>> -> memref<1x8x128xf32, #tpu.memory_space<vmem>>
    %dma_wait3A_289 = tpu.memref_squeeze %dma_wait3A_288 : memref<1x8x128xf32, #tpu.memory_space<vmem>> -> memref<8x128xf32, #tpu.memory_space<vmem>>
    tpu.wait_dma2 semaphore(%arg9 : memref<!tpu.dma_semaphore, #tpu.memory_space<semaphore_mem>>) src(%dma_wait3A_289 : memref<8x128xf32, #tpu.memory_space<vmem>>) dst(%dma_wait3A_285 : memref<8x128xf32, #tpu.memory_space<hbm>>)
    %dma_wait3A_290 = arith.constant 0 : i32
    %dma_wait3A_291 = arith.constant 0 : i32
    %dma_wait3A_292 = arith.constant 0 : i32
    %dma_wait3A_293 = arith.constant 0 : i32
    %dma_wait3A_294 = arith.constant 0 : i32
    %dma_wait3A_295 = arith.constant 0 : i32
    %dma_wait3A_296 = tpu.memref_slice %arg7[%dma_wait3A_290, %dma_wait3A_294, %dma_wait3A_295] : memref<32x8x129xf32, #tpu.memory_space<vmem>> -> memref<1x8x128xf32, #tpu.memory_space<vmem>>
    %dma_wait3A_297 = tpu.memref_squeeze %dma_wait3A_296 : memref<1x8x128xf32, #tpu.memory_space<vmem>> -> memref<8x128xf32, #tpu.memory_space<vmem>>
    %dma_wait3A_298 = arith.constant 0 : i32
    %dma_wait3A_299 = arith.constant 0 : i32
    %dma_wait3A_300 = tpu.memref_slice %arg4[%dma_wait3A_291, %dma_wait3A_292, %dma_wait3A_293, %dma_wait3A_298, %dma_wait3A_299] : memref<200x4x32x8x128xf32, #tpu.memory_space<hbm>> -> memref<1x1x1x8x128xf32, #tpu.memory_space<hbm>>
    %dma_wait3A_301 = tpu.memref_squeeze %dma_wait3A_300 : memref<1x1x1x8x128xf32, #tpu.memory_space<hbm>> -> memref<8x128xf32, #tpu.memory_space<hbm>>
    %dma_wait3A_302 = arith.constant 0 : i32
    %dma_wait3A_303 = arith.constant 0 : i32
    %dma_wait3A_304 = tpu.memref_slice %arg4[%dma_wait3A_291, %dma_wait3A_292, %dma_wait3A_293, %dma_wait3A_302, %dma_wait3A_303] : memref<200x4x32x8x128xf32, #tpu.memory_space<hbm>> -> memref<1x1x1x8x128xf32, #tpu.memory_space<hbm>>
    %dma_wait3A_305 = tpu.memref_squeeze %dma_wait3A_304 : memref<1x1x1x8x128xf32, #tpu.memory_space<hbm>> -> memref<8x128xf32, #tpu.memory_space<hbm>>
    %dma_wait3A_306 = arith.constant 0 : i32
    %dma_wait3A_307 = arith.constant 0 : i32
    %dma_wait3A_308 = tpu.memref_slice %arg7[%dma_wait3A_290, %dma_wait3A_306, %dma_wait3A_307] : memref<32x8x129xf32, #tpu.memory_space<vmem>> -> memref<1x8x128xf32, #tpu.memory_space<vmem>>
    %dma_wait3A_309 = tpu.memref_squeeze %dma_wait3A_308 : memref<1x8x128xf32, #tpu.memory_space<vmem>> -> memref<8x128xf32, #tpu.memory_space<vmem>>
    tpu.wait_dma2 semaphore(%arg9 : memref<!tpu.dma_semaphore, #tpu.memory_space<semaphore_mem>>) src(%dma_wait3A_309 : memref<8x128xf32, #tpu.memory_space<vmem>>) dst(%dma_wait3A_305 : memref<8x128xf32, #tpu.memory_space<hbm>>)
    %dma_wait3A_310 = arith.constant 0 : i32
    %dma_wait3A_311 = arith.constant 0 : i32
    %dma_wait3A_312 = arith.constant 0 : i32
    %dma_wait3A_313 = arith.constant 0 : i32
    %dma_wait3A_314 = arith.constant 0 : i32
    %dma_wait3A_315 = arith.constant 0 : i32
    %dma_wait3A_316 = tpu.memref_slice %arg7[%dma_wait3A_310, %dma_wait3A_314, %dma_wait3A_315] : memref<32x8x129xf32, #tpu.memory_space<vmem>> -> memref<1x8x128xf32, #tpu.memory_space<vmem>>
    %dma_wait3A_317 = tpu.memref_squeeze %dma_wait3A_316 : memref<1x8x128xf32, #tpu.memory_space<vmem>> -> memref<8x128xf32, #tpu.memory_space<vmem>>
    %dma_wait3A_318 = arith.constant 0 : i32
    %dma_wait3A_319 = arith.constant 0 : i32
    %dma_wait3A_320 = tpu.memref_slice %arg4[%dma_wait3A_311, %dma_wait3A_312, %dma_wait3A_313, %dma_wait3A_318, %dma_wait3A_319] : memref<200x4x32x8x128xf32, #tpu.memory_space<hbm>> -> memref<1x1x1x8x128xf32, #tpu.memory_space<hbm>>
    %dma_wait3A_321 = tpu.memref_squeeze %dma_wait3A_320 : memref<1x1x1x8x128xf32, #tpu.memory_space<hbm>> -> memref<8x128xf32, #tpu.memory_space<hbm>>
    %dma_wait3A_322 = arith.constant 0 : i32
    %dma_wait3A_323 = arith.constant 0 : i32
    %dma_wait3A_324 = tpu.memref_slice %arg4[%dma_wait3A_311, %dma_wait3A_312, %dma_wait3A_313, %dma_wait3A_322, %dma_wait3A_323] : memref<200x4x32x8x128xf32, #tpu.memory_space<hbm>> -> memref<1x1x1x8x128xf32, #tpu.memory_space<hbm>>
    %dma_wait3A_325 = tpu.memref_squeeze %dma_wait3A_324 : memref<1x1x1x8x128xf32, #tpu.memory_space<hbm>> -> memref<8x128xf32, #tpu.memory_space<hbm>>
    %dma_wait3A_326 = arith.constant 0 : i32
    %dma_wait3A_327 = arith.constant 0 : i32
    %dma_wait3A_328 = tpu.memref_slice %arg7[%dma_wait3A_310, %dma_wait3A_326, %dma_wait3A_327] : memref<32x8x129xf32, #tpu.memory_space<vmem>> -> memref<1x8x128xf32, #tpu.memory_space<vmem>>
    %dma_wait3A_329 = tpu.memref_squeeze %dma_wait3A_328 : memref<1x8x128xf32, #tpu.memory_space<vmem>> -> memref<8x128xf32, #tpu.memory_space<vmem>>
    tpu.wait_dma2 semaphore(%arg9 : memref<!tpu.dma_semaphore, #tpu.memory_space<semaphore_mem>>) src(%dma_wait3A_329 : memref<8x128xf32, #tpu.memory_space<vmem>>) dst(%dma_wait3A_325 : memref<8x128xf32, #tpu.memory_space<hbm>>)
    %dma_wait3A_330 = arith.constant 0 : i32
    %dma_wait3A_331 = arith.constant 0 : i32
    %dma_wait3A_332 = arith.constant 0 : i32
    %dma_wait3A_333 = arith.constant 0 : i32
    %dma_wait3A_334 = arith.constant 0 : i32
    %dma_wait3A_335 = arith.constant 0 : i32
    %dma_wait3A_336 = tpu.memref_slice %arg7[%dma_wait3A_330, %dma_wait3A_334, %dma_wait3A_335] : memref<32x8x129xf32, #tpu.memory_space<vmem>> -> memref<1x8x128xf32, #tpu.memory_space<vmem>>
    %dma_wait3A_337 = tpu.memref_squeeze %dma_wait3A_336 : memref<1x8x128xf32, #tpu.memory_space<vmem>> -> memref<8x128xf32, #tpu.memory_space<vmem>>
    %dma_wait3A_338 = arith.constant 0 : i32
    %dma_wait3A_339 = arith.constant 0 : i32
    %dma_wait3A_340 = tpu.memref_slice %arg4[%dma_wait3A_331, %dma_wait3A_332, %dma_wait3A_333, %dma_wait3A_338, %dma_wait3A_339] : memref<200x4x32x8x128xf32, #tpu.memory_space<hbm>> -> memref<1x1x1x8x128xf32, #tpu.memory_space<hbm>>
    %dma_wait3A_341 = tpu.memref_squeeze %dma_wait3A_340 : memref<1x1x1x8x128xf32, #tpu.memory_space<hbm>> -> memref<8x128xf32, #tpu.memory_space<hbm>>
    %dma_wait3A_342 = arith.constant 0 : i32
    %dma_wait3A_343 = arith.constant 0 : i32
    %dma_wait3A_344 = tpu.memref_slice %arg4[%dma_wait3A_331, %dma_wait3A_332, %dma_wait3A_333, %dma_wait3A_342, %dma_wait3A_343] : memref<200x4x32x8x128xf32, #tpu.memory_space<hbm>> -> memref<1x1x1x8x128xf32, #tpu.memory_space<hbm>>
    %dma_wait3A_345 = tpu.memref_squeeze %dma_wait3A_344 : memref<1x1x1x8x128xf32, #tpu.memory_space<hbm>> -> memref<8x128xf32, #tpu.memory_space<hbm>>
    %dma_wait3A_346 = arith.constant 0 : i32
    %dma_wait3A_347 = arith.constant 0 : i32
    %dma_wait3A_348 = tpu.memref_slice %arg7[%dma_wait3A_330, %dma_wait3A_346, %dma_wait3A_347] : memref<32x8x129xf32, #tpu.memory_space<vmem>> -> memref<1x8x128xf32, #tpu.memory_space<vmem>>
    %dma_wait3A_349 = tpu.memref_squeeze %dma_wait3A_348 : memref<1x8x128xf32, #tpu.memory_space<vmem>> -> memref<8x128xf32, #tpu.memory_space<vmem>>
    tpu.wait_dma2 semaphore(%arg9 : memref<!tpu.dma_semaphore, #tpu.memory_space<semaphore_mem>>) src(%dma_wait3A_349 : memref<8x128xf32, #tpu.memory_space<vmem>>) dst(%dma_wait3A_345 : memref<8x128xf32, #tpu.memory_space<hbm>>)
    %dma_wait3A_350 = arith.constant 0 : i32
    %dma_wait3A_351 = arith.constant 0 : i32
    %dma_wait3A_352 = arith.constant 0 : i32
    %dma_wait3A_353 = arith.constant 0 : i32
    %dma_wait3A_354 = arith.constant 0 : i32
    %dma_wait3A_355 = arith.constant 0 : i32
    %dma_wait3A_356 = tpu.memref_slice %arg7[%dma_wait3A_350, %dma_wait3A_354, %dma_wait3A_355] : memref<32x8x129xf32, #tpu.memory_space<vmem>> -> memref<1x8x128xf32, #tpu.memory_space<vmem>>
    %dma_wait3A_357 = tpu.memref_squeeze %dma_wait3A_356 : memref<1x8x128xf32, #tpu.memory_space<vmem>> -> memref<8x128xf32, #tpu.memory_space<vmem>>
    %dma_wait3A_358 = arith.constant 0 : i32
    %dma_wait3A_359 = arith.constant 0 : i32
    %dma_wait3A_360 = tpu.memref_slice %arg4[%dma_wait3A_351, %dma_wait3A_352, %dma_wait3A_353, %dma_wait3A_358, %dma_wait3A_359] : memref<200x4x32x8x128xf32, #tpu.memory_space<hbm>> -> memref<1x1x1x8x128xf32, #tpu.memory_space<hbm>>
    %dma_wait3A_361 = tpu.memref_squeeze %dma_wait3A_360 : memref<1x1x1x8x128xf32, #tpu.memory_space<hbm>> -> memref<8x128xf32, #tpu.memory_space<hbm>>
    %dma_wait3A_362 = arith.constant 0 : i32
    %dma_wait3A_363 = arith.constant 0 : i32
    %dma_wait3A_364 = tpu.memref_slice %arg4[%dma_wait3A_351, %dma_wait3A_352, %dma_wait3A_353, %dma_wait3A_362, %dma_wait3A_363] : memref<200x4x32x8x128xf32, #tpu.memory_space<hbm>> -> memref<1x1x1x8x128xf32, #tpu.memory_space<hbm>>
    %dma_wait3A_365 = tpu.memref_squeeze %dma_wait3A_364 : memref<1x1x1x8x128xf32, #tpu.memory_space<hbm>> -> memref<8x128xf32, #tpu.memory_space<hbm>>
    %dma_wait3A_366 = arith.constant 0 : i32
    %dma_wait3A_367 = arith.constant 0 : i32
    %dma_wait3A_368 = tpu.memref_slice %arg7[%dma_wait3A_350, %dma_wait3A_366, %dma_wait3A_367] : memref<32x8x129xf32, #tpu.memory_space<vmem>> -> memref<1x8x128xf32, #tpu.memory_space<vmem>>
    %dma_wait3A_369 = tpu.memref_squeeze %dma_wait3A_368 : memref<1x8x128xf32, #tpu.memory_space<vmem>> -> memref<8x128xf32, #tpu.memory_space<vmem>>
    tpu.wait_dma2 semaphore(%arg9 : memref<!tpu.dma_semaphore, #tpu.memory_space<semaphore_mem>>) src(%dma_wait3A_369 : memref<8x128xf32, #tpu.memory_space<vmem>>) dst(%dma_wait3A_365 : memref<8x128xf32, #tpu.memory_space<hbm>>)
    %dma_wait3A_370 = arith.constant 0 : i32
    %dma_wait3A_371 = arith.constant 0 : i32
    %dma_wait3A_372 = arith.constant 0 : i32
    %dma_wait3A_373 = arith.constant 0 : i32
    %dma_wait3A_374 = arith.constant 0 : i32
    %dma_wait3A_375 = arith.constant 0 : i32
    %dma_wait3A_376 = tpu.memref_slice %arg7[%dma_wait3A_370, %dma_wait3A_374, %dma_wait3A_375] : memref<32x8x129xf32, #tpu.memory_space<vmem>> -> memref<1x8x128xf32, #tpu.memory_space<vmem>>
    %dma_wait3A_377 = tpu.memref_squeeze %dma_wait3A_376 : memref<1x8x128xf32, #tpu.memory_space<vmem>> -> memref<8x128xf32, #tpu.memory_space<vmem>>
    %dma_wait3A_378 = arith.constant 0 : i32
    %dma_wait3A_379 = arith.constant 0 : i32
    %dma_wait3A_380 = tpu.memref_slice %arg4[%dma_wait3A_371, %dma_wait3A_372, %dma_wait3A_373, %dma_wait3A_378, %dma_wait3A_379] : memref<200x4x32x8x128xf32, #tpu.memory_space<hbm>> -> memref<1x1x1x8x128xf32, #tpu.memory_space<hbm>>
    %dma_wait3A_381 = tpu.memref_squeeze %dma_wait3A_380 : memref<1x1x1x8x128xf32, #tpu.memory_space<hbm>> -> memref<8x128xf32, #tpu.memory_space<hbm>>
    %dma_wait3A_382 = arith.constant 0 : i32
    %dma_wait3A_383 = arith.constant 0 : i32
    %dma_wait3A_384 = tpu.memref_slice %arg4[%dma_wait3A_371, %dma_wait3A_372, %dma_wait3A_373, %dma_wait3A_382, %dma_wait3A_383] : memref<200x4x32x8x128xf32, #tpu.memory_space<hbm>> -> memref<1x1x1x8x128xf32, #tpu.memory_space<hbm>>
    %dma_wait3A_385 = tpu.memref_squeeze %dma_wait3A_384 : memref<1x1x1x8x128xf32, #tpu.memory_space<hbm>> -> memref<8x128xf32, #tpu.memory_space<hbm>>
    %dma_wait3A_386 = arith.constant 0 : i32
    %dma_wait3A_387 = arith.constant 0 : i32
    %dma_wait3A_388 = tpu.memref_slice %arg7[%dma_wait3A_370, %dma_wait3A_386, %dma_wait3A_387] : memref<32x8x129xf32, #tpu.memory_space<vmem>> -> memref<1x8x128xf32, #tpu.memory_space<vmem>>
    %dma_wait3A_389 = tpu.memref_squeeze %dma_wait3A_388 : memref<1x8x128xf32, #tpu.memory_space<vmem>> -> memref<8x128xf32, #tpu.memory_space<vmem>>
    tpu.wait_dma2 semaphore(%arg9 : memref<!tpu.dma_semaphore, #tpu.memory_space<semaphore_mem>>) src(%dma_wait3A_389 : memref<8x128xf32, #tpu.memory_space<vmem>>) dst(%dma_wait3A_385 : memref<8x128xf32, #tpu.memory_space<hbm>>)
    %dma_wait3A_390 = arith.constant 0 : i32
    %dma_wait3A_391 = arith.constant 0 : i32
    %dma_wait3A_392 = arith.constant 0 : i32
    %dma_wait3A_393 = arith.constant 0 : i32
    %dma_wait3A_394 = arith.constant 0 : i32
    %dma_wait3A_395 = arith.constant 0 : i32
    %dma_wait3A_396 = tpu.memref_slice %arg7[%dma_wait3A_390, %dma_wait3A_394, %dma_wait3A_395] : memref<32x8x129xf32, #tpu.memory_space<vmem>> -> memref<1x8x128xf32, #tpu.memory_space<vmem>>
    %dma_wait3A_397 = tpu.memref_squeeze %dma_wait3A_396 : memref<1x8x128xf32, #tpu.memory_space<vmem>> -> memref<8x128xf32, #tpu.memory_space<vmem>>
    %dma_wait3A_398 = arith.constant 0 : i32
    %dma_wait3A_399 = arith.constant 0 : i32
    %dma_wait3A_400 = tpu.memref_slice %arg4[%dma_wait3A_391, %dma_wait3A_392, %dma_wait3A_393, %dma_wait3A_398, %dma_wait3A_399] : memref<200x4x32x8x128xf32, #tpu.memory_space<hbm>> -> memref<1x1x1x8x128xf32, #tpu.memory_space<hbm>>
    %dma_wait3A_401 = tpu.memref_squeeze %dma_wait3A_400 : memref<1x1x1x8x128xf32, #tpu.memory_space<hbm>> -> memref<8x128xf32, #tpu.memory_space<hbm>>
    %dma_wait3A_402 = arith.constant 0 : i32
    %dma_wait3A_403 = arith.constant 0 : i32
    %dma_wait3A_404 = tpu.memref_slice %arg4[%dma_wait3A_391, %dma_wait3A_392, %dma_wait3A_393, %dma_wait3A_402, %dma_wait3A_403] : memref<200x4x32x8x128xf32, #tpu.memory_space<hbm>> -> memref<1x1x1x8x128xf32, #tpu.memory_space<hbm>>
    %dma_wait3A_405 = tpu.memref_squeeze %dma_wait3A_404 : memref<1x1x1x8x128xf32, #tpu.memory_space<hbm>> -> memref<8x128xf32, #tpu.memory_space<hbm>>
    %dma_wait3A_406 = arith.constant 0 : i32
    %dma_wait3A_407 = arith.constant 0 : i32
    %dma_wait3A_408 = tpu.memref_slice %arg7[%dma_wait3A_390, %dma_wait3A_406, %dma_wait3A_407] : memref<32x8x129xf32, #tpu.memory_space<vmem>> -> memref<1x8x128xf32, #tpu.memory_space<vmem>>
    %dma_wait3A_409 = tpu.memref_squeeze %dma_wait3A_408 : memref<1x8x128xf32, #tpu.memory_space<vmem>> -> memref<8x128xf32, #tpu.memory_space<vmem>>
    tpu.wait_dma2 semaphore(%arg9 : memref<!tpu.dma_semaphore, #tpu.memory_space<semaphore_mem>>) src(%dma_wait3A_409 : memref<8x128xf32, #tpu.memory_space<vmem>>) dst(%dma_wait3A_405 : memref<8x128xf32, #tpu.memory_space<hbm>>)
    %dma_wait3A_410 = arith.constant 0 : i32
    %dma_wait3A_411 = arith.constant 0 : i32
    %dma_wait3A_412 = arith.constant 0 : i32
    %dma_wait3A_413 = arith.constant 0 : i32
    %dma_wait3A_414 = arith.constant 0 : i32
    %dma_wait3A_415 = arith.constant 0 : i32
    %dma_wait3A_416 = tpu.memref_slice %arg7[%dma_wait3A_410, %dma_wait3A_414, %dma_wait3A_415] : memref<32x8x129xf32, #tpu.memory_space<vmem>> -> memref<1x8x128xf32, #tpu.memory_space<vmem>>
    %dma_wait3A_417 = tpu.memref_squeeze %dma_wait3A_416 : memref<1x8x128xf32, #tpu.memory_space<vmem>> -> memref<8x128xf32, #tpu.memory_space<vmem>>
    %dma_wait3A_418 = arith.constant 0 : i32
    %dma_wait3A_419 = arith.constant 0 : i32
    %dma_wait3A_420 = tpu.memref_slice %arg4[%dma_wait3A_411, %dma_wait3A_412, %dma_wait3A_413, %dma_wait3A_418, %dma_wait3A_419] : memref<200x4x32x8x128xf32, #tpu.memory_space<hbm>> -> memref<1x1x1x8x128xf32, #tpu.memory_space<hbm>>
    %dma_wait3A_421 = tpu.memref_squeeze %dma_wait3A_420 : memref<1x1x1x8x128xf32, #tpu.memory_space<hbm>> -> memref<8x128xf32, #tpu.memory_space<hbm>>
    %dma_wait3A_422 = arith.constant 0 : i32
    %dma_wait3A_423 = arith.constant 0 : i32
    %dma_wait3A_424 = tpu.memref_slice %arg4[%dma_wait3A_411, %dma_wait3A_412, %dma_wait3A_413, %dma_wait3A_422, %dma_wait3A_423] : memref<200x4x32x8x128xf32, #tpu.memory_space<hbm>> -> memref<1x1x1x8x128xf32, #tpu.memory_space<hbm>>
    %dma_wait3A_425 = tpu.memref_squeeze %dma_wait3A_424 : memref<1x1x1x8x128xf32, #tpu.memory_space<hbm>> -> memref<8x128xf32, #tpu.memory_space<hbm>>
    %dma_wait3A_426 = arith.constant 0 : i32
    %dma_wait3A_427 = arith.constant 0 : i32
    %dma_wait3A_428 = tpu.memref_slice %arg7[%dma_wait3A_410, %dma_wait3A_426, %dma_wait3A_427] : memref<32x8x129xf32, #tpu.memory_space<vmem>> -> memref<1x8x128xf32, #tpu.memory_space<vmem>>
    %dma_wait3A_429 = tpu.memref_squeeze %dma_wait3A_428 : memref<1x8x128xf32, #tpu.memory_space<vmem>> -> memref<8x128xf32, #tpu.memory_space<vmem>>
    tpu.wait_dma2 semaphore(%arg9 : memref<!tpu.dma_semaphore, #tpu.memory_space<semaphore_mem>>) src(%dma_wait3A_429 : memref<8x128xf32, #tpu.memory_space<vmem>>) dst(%dma_wait3A_425 : memref<8x128xf32, #tpu.memory_space<hbm>>)
    %dma_wait3A_430 = arith.constant 0 : i32
    %dma_wait3A_431 = arith.constant 0 : i32
    %dma_wait3A_432 = arith.constant 0 : i32
    %dma_wait3A_433 = arith.constant 0 : i32
    %dma_wait3A_434 = arith.constant 0 : i32
    %dma_wait3A_435 = arith.constant 0 : i32
    %dma_wait3A_436 = tpu.memref_slice %arg7[%dma_wait3A_430, %dma_wait3A_434, %dma_wait3A_435] : memref<32x8x129xf32, #tpu.memory_space<vmem>> -> memref<1x8x128xf32, #tpu.memory_space<vmem>>
    %dma_wait3A_437 = tpu.memref_squeeze %dma_wait3A_436 : memref<1x8x128xf32, #tpu.memory_space<vmem>> -> memref<8x128xf32, #tpu.memory_space<vmem>>
    %dma_wait3A_438 = arith.constant 0 : i32
    %dma_wait3A_439 = arith.constant 0 : i32
    %dma_wait3A_440 = tpu.memref_slice %arg4[%dma_wait3A_431, %dma_wait3A_432, %dma_wait3A_433, %dma_wait3A_438, %dma_wait3A_439] : memref<200x4x32x8x128xf32, #tpu.memory_space<hbm>> -> memref<1x1x1x8x128xf32, #tpu.memory_space<hbm>>
    %dma_wait3A_441 = tpu.memref_squeeze %dma_wait3A_440 : memref<1x1x1x8x128xf32, #tpu.memory_space<hbm>> -> memref<8x128xf32, #tpu.memory_space<hbm>>
    %dma_wait3A_442 = arith.constant 0 : i32
    %dma_wait3A_443 = arith.constant 0 : i32
    %dma_wait3A_444 = tpu.memref_slice %arg4[%dma_wait3A_431, %dma_wait3A_432, %dma_wait3A_433, %dma_wait3A_442, %dma_wait3A_443] : memref<200x4x32x8x128xf32, #tpu.memory_space<hbm>> -> memref<1x1x1x8x128xf32, #tpu.memory_space<hbm>>
    %dma_wait3A_445 = tpu.memref_squeeze %dma_wait3A_444 : memref<1x1x1x8x128xf32, #tpu.memory_space<hbm>> -> memref<8x128xf32, #tpu.memory_space<hbm>>
    %dma_wait3A_446 = arith.constant 0 : i32
    %dma_wait3A_447 = arith.constant 0 : i32
    %dma_wait3A_448 = tpu.memref_slice %arg7[%dma_wait3A_430, %dma_wait3A_446, %dma_wait3A_447] : memref<32x8x129xf32, #tpu.memory_space<vmem>> -> memref<1x8x128xf32, #tpu.memory_space<vmem>>
    %dma_wait3A_449 = tpu.memref_squeeze %dma_wait3A_448 : memref<1x8x128xf32, #tpu.memory_space<vmem>> -> memref<8x128xf32, #tpu.memory_space<vmem>>
    tpu.wait_dma2 semaphore(%arg9 : memref<!tpu.dma_semaphore, #tpu.memory_space<semaphore_mem>>) src(%dma_wait3A_449 : memref<8x128xf32, #tpu.memory_space<vmem>>) dst(%dma_wait3A_445 : memref<8x128xf32, #tpu.memory_space<hbm>>)
    %dma_wait3A_450 = arith.constant 0 : i32
    %dma_wait3A_451 = arith.constant 0 : i32
    %dma_wait3A_452 = arith.constant 0 : i32
    %dma_wait3A_453 = arith.constant 0 : i32
    %dma_wait3A_454 = arith.constant 0 : i32
    %dma_wait3A_455 = arith.constant 0 : i32
    %dma_wait3A_456 = tpu.memref_slice %arg7[%dma_wait3A_450, %dma_wait3A_454, %dma_wait3A_455] : memref<32x8x129xf32, #tpu.memory_space<vmem>> -> memref<1x8x128xf32, #tpu.memory_space<vmem>>
    %dma_wait3A_457 = tpu.memref_squeeze %dma_wait3A_456 : memref<1x8x128xf32, #tpu.memory_space<vmem>> -> memref<8x128xf32, #tpu.memory_space<vmem>>
    %dma_wait3A_458 = arith.constant 0 : i32
    %dma_wait3A_459 = arith.constant 0 : i32
    %dma_wait3A_460 = tpu.memref_slice %arg4[%dma_wait3A_451, %dma_wait3A_452, %dma_wait3A_453, %dma_wait3A_458, %dma_wait3A_459] : memref<200x4x32x8x128xf32, #tpu.memory_space<hbm>> -> memref<1x1x1x8x128xf32, #tpu.memory_space<hbm>>
    %dma_wait3A_461 = tpu.memref_squeeze %dma_wait3A_460 : memref<1x1x1x8x128xf32, #tpu.memory_space<hbm>> -> memref<8x128xf32, #tpu.memory_space<hbm>>
    %dma_wait3A_462 = arith.constant 0 : i32
    %dma_wait3A_463 = arith.constant 0 : i32
    %dma_wait3A_464 = tpu.memref_slice %arg4[%dma_wait3A_451, %dma_wait3A_452, %dma_wait3A_453, %dma_wait3A_462, %dma_wait3A_463] : memref<200x4x32x8x128xf32, #tpu.memory_space<hbm>> -> memref<1x1x1x8x128xf32, #tpu.memory_space<hbm>>
    %dma_wait3A_465 = tpu.memref_squeeze %dma_wait3A_464 : memref<1x1x1x8x128xf32, #tpu.memory_space<hbm>> -> memref<8x128xf32, #tpu.memory_space<hbm>>
    %dma_wait3A_466 = arith.constant 0 : i32
    %dma_wait3A_467 = arith.constant 0 : i32
    %dma_wait3A_468 = tpu.memref_slice %arg7[%dma_wait3A_450, %dma_wait3A_466, %dma_wait3A_467] : memref<32x8x129xf32, #tpu.memory_space<vmem>> -> memref<1x8x128xf32, #tpu.memory_space<vmem>>
    %dma_wait3A_469 = tpu.memref_squeeze %dma_wait3A_468 : memref<1x8x128xf32, #tpu.memory_space<vmem>> -> memref<8x128xf32, #tpu.memory_space<vmem>>
    tpu.wait_dma2 semaphore(%arg9 : memref<!tpu.dma_semaphore, #tpu.memory_space<semaphore_mem>>) src(%dma_wait3A_469 : memref<8x128xf32, #tpu.memory_space<vmem>>) dst(%dma_wait3A_465 : memref<8x128xf32, #tpu.memory_space<hbm>>)
    %dma_wait3A_470 = arith.constant 0 : i32
    %dma_wait3A_471 = arith.constant 0 : i32
    %dma_wait3A_472 = arith.constant 0 : i32
    %dma_wait3A_473 = arith.constant 0 : i32
    %dma_wait3A_474 = arith.constant 0 : i32
    %dma_wait3A_475 = arith.constant 0 : i32
    %dma_wait3A_476 = tpu.memref_slice %arg7[%dma_wait3A_470, %dma_wait3A_474, %dma_wait3A_475] : memref<32x8x129xf32, #tpu.memory_space<vmem>> -> memref<1x8x128xf32, #tpu.memory_space<vmem>>
    %dma_wait3A_477 = tpu.memref_squeeze %dma_wait3A_476 : memref<1x8x128xf32, #tpu.memory_space<vmem>> -> memref<8x128xf32, #tpu.memory_space<vmem>>
    %dma_wait3A_478 = arith.constant 0 : i32
    %dma_wait3A_479 = arith.constant 0 : i32
    %dma_wait3A_480 = tpu.memref_slice %arg4[%dma_wait3A_471, %dma_wait3A_472, %dma_wait3A_473, %dma_wait3A_478, %dma_wait3A_479] : memref<200x4x32x8x128xf32, #tpu.memory_space<hbm>> -> memref<1x1x1x8x128xf32, #tpu.memory_space<hbm>>
    %dma_wait3A_481 = tpu.memref_squeeze %dma_wait3A_480 : memref<1x1x1x8x128xf32, #tpu.memory_space<hbm>> -> memref<8x128xf32, #tpu.memory_space<hbm>>
    %dma_wait3A_482 = arith.constant 0 : i32
    %dma_wait3A_483 = arith.constant 0 : i32
    %dma_wait3A_484 = tpu.memref_slice %arg4[%dma_wait3A_471, %dma_wait3A_472, %dma_wait3A_473, %dma_wait3A_482, %dma_wait3A_483] : memref<200x4x32x8x128xf32, #tpu.memory_space<hbm>> -> memref<1x1x1x8x128xf32, #tpu.memory_space<hbm>>
    %dma_wait3A_485 = tpu.memref_squeeze %dma_wait3A_484 : memref<1x1x1x8x128xf32, #tpu.memory_space<hbm>> -> memref<8x128xf32, #tpu.memory_space<hbm>>
    %dma_wait3A_486 = arith.constant 0 : i32
    %dma_wait3A_487 = arith.constant 0 : i32
    %dma_wait3A_488 = tpu.memref_slice %arg7[%dma_wait3A_470, %dma_wait3A_486, %dma_wait3A_487] : memref<32x8x129xf32, #tpu.memory_space<vmem>> -> memref<1x8x128xf32, #tpu.memory_space<vmem>>
    %dma_wait3A_489 = tpu.memref_squeeze %dma_wait3A_488 : memref<1x8x128xf32, #tpu.memory_space<vmem>> -> memref<8x128xf32, #tpu.memory_space<vmem>>
    tpu.wait_dma2 semaphore(%arg9 : memref<!tpu.dma_semaphore, #tpu.memory_space<semaphore_mem>>) src(%dma_wait3A_489 : memref<8x128xf32, #tpu.memory_space<vmem>>) dst(%dma_wait3A_485 : memref<8x128xf32, #tpu.memory_space<hbm>>)
    %dma_wait3A_490 = arith.constant 0 : i32
    %dma_wait3A_491 = arith.constant 0 : i32
    %dma_wait3A_492 = arith.constant 0 : i32
    %dma_wait3A_493 = arith.constant 0 : i32
    %dma_wait3A_494 = arith.constant 0 : i32
    %dma_wait3A_495 = arith.constant 0 : i32
    %dma_wait3A_496 = tpu.memref_slice %arg7[%dma_wait3A_490, %dma_wait3A_494, %dma_wait3A_495] : memref<32x8x129xf32, #tpu.memory_space<vmem>> -> memref<1x8x128xf32, #tpu.memory_space<vmem>>
    %dma_wait3A_497 = tpu.memref_squeeze %dma_wait3A_496 : memref<1x8x128xf32, #tpu.memory_space<vmem>> -> memref<8x128xf32, #tpu.memory_space<vmem>>
    %dma_wait3A_498 = arith.constant 0 : i32
    %dma_wait3A_499 = arith.constant 0 : i32
    %dma_wait3A_500 = tpu.memref_slice %arg4[%dma_wait3A_491, %dma_wait3A_492, %dma_wait3A_493, %dma_wait3A_498, %dma_wait3A_499] : memref<200x4x32x8x128xf32, #tpu.memory_space<hbm>> -> memref<1x1x1x8x128xf32, #tpu.memory_space<hbm>>
    %dma_wait3A_501 = tpu.memref_squeeze %dma_wait3A_500 : memref<1x1x1x8x128xf32, #tpu.memory_space<hbm>> -> memref<8x128xf32, #tpu.memory_space<hbm>>
    %dma_wait3A_502 = arith.constant 0 : i32
    %dma_wait3A_503 = arith.constant 0 : i32
    %dma_wait3A_504 = tpu.memref_slice %arg4[%dma_wait3A_491, %dma_wait3A_492, %dma_wait3A_493, %dma_wait3A_502, %dma_wait3A_503] : memref<200x4x32x8x128xf32, #tpu.memory_space<hbm>> -> memref<1x1x1x8x128xf32, #tpu.memory_space<hbm>>
    %dma_wait3A_505 = tpu.memref_squeeze %dma_wait3A_504 : memref<1x1x1x8x128xf32, #tpu.memory_space<hbm>> -> memref<8x128xf32, #tpu.memory_space<hbm>>
    %dma_wait3A_506 = arith.constant 0 : i32
    %dma_wait3A_507 = arith.constant 0 : i32
    %dma_wait3A_508 = tpu.memref_slice %arg7[%dma_wait3A_490, %dma_wait3A_506, %dma_wait3A_507] : memref<32x8x129xf32, #tpu.memory_space<vmem>> -> memref<1x8x128xf32, #tpu.memory_space<vmem>>
    %dma_wait3A_509 = tpu.memref_squeeze %dma_wait3A_508 : memref<1x8x128xf32, #tpu.memory_space<vmem>> -> memref<8x128xf32, #tpu.memory_space<vmem>>
    tpu.wait_dma2 semaphore(%arg9 : memref<!tpu.dma_semaphore, #tpu.memory_space<semaphore_mem>>) src(%dma_wait3A_509 : memref<8x128xf32, #tpu.memory_space<vmem>>) dst(%dma_wait3A_505 : memref<8x128xf32, #tpu.memory_space<hbm>>)
    %dma_wait3A_510 = arith.constant 0 : i32
    %dma_wait3A_511 = arith.constant 0 : i32
    %dma_wait3A_512 = arith.constant 0 : i32
    %dma_wait3A_513 = arith.constant 0 : i32
    %dma_wait3A_514 = arith.constant 0 : i32
    %dma_wait3A_515 = arith.constant 0 : i32
    %dma_wait3A_516 = tpu.memref_slice %arg7[%dma_wait3A_510, %dma_wait3A_514, %dma_wait3A_515] : memref<32x8x129xf32, #tpu.memory_space<vmem>> -> memref<1x8x128xf32, #tpu.memory_space<vmem>>
    %dma_wait3A_517 = tpu.memref_squeeze %dma_wait3A_516 : memref<1x8x128xf32, #tpu.memory_space<vmem>> -> memref<8x128xf32, #tpu.memory_space<vmem>>
    %dma_wait3A_518 = arith.constant 0 : i32
    %dma_wait3A_519 = arith.constant 0 : i32
    %dma_wait3A_520 = tpu.memref_slice %arg4[%dma_wait3A_511, %dma_wait3A_512, %dma_wait3A_513, %dma_wait3A_518, %dma_wait3A_519] : memref<200x4x32x8x128xf32, #tpu.memory_space<hbm>> -> memref<1x1x1x8x128xf32, #tpu.memory_space<hbm>>
    %dma_wait3A_521 = tpu.memref_squeeze %dma_wait3A_520 : memref<1x1x1x8x128xf32, #tpu.memory_space<hbm>> -> memref<8x128xf32, #tpu.memory_space<hbm>>
    %dma_wait3A_522 = arith.constant 0 : i32
    %dma_wait3A_523 = arith.constant 0 : i32
    %dma_wait3A_524 = tpu.memref_slice %arg4[%dma_wait3A_511, %dma_wait3A_512, %dma_wait3A_513, %dma_wait3A_522, %dma_wait3A_523] : memref<200x4x32x8x128xf32, #tpu.memory_space<hbm>> -> memref<1x1x1x8x128xf32, #tpu.memory_space<hbm>>
    %dma_wait3A_525 = tpu.memref_squeeze %dma_wait3A_524 : memref<1x1x1x8x128xf32, #tpu.memory_space<hbm>> -> memref<8x128xf32, #tpu.memory_space<hbm>>
    %dma_wait3A_526 = arith.constant 0 : i32
    %dma_wait3A_527 = arith.constant 0 : i32
    %dma_wait3A_528 = tpu.memref_slice %arg7[%dma_wait3A_510, %dma_wait3A_526, %dma_wait3A_527] : memref<32x8x129xf32, #tpu.memory_space<vmem>> -> memref<1x8x128xf32, #tpu.memory_space<vmem>>
    %dma_wait3A_529 = tpu.memref_squeeze %dma_wait3A_528 : memref<1x8x128xf32, #tpu.memory_space<vmem>> -> memref<8x128xf32, #tpu.memory_space<vmem>>
    tpu.wait_dma2 semaphore(%arg9 : memref<!tpu.dma_semaphore, #tpu.memory_space<semaphore_mem>>) src(%dma_wait3A_529 : memref<8x128xf32, #tpu.memory_space<vmem>>) dst(%dma_wait3A_525 : memref<8x128xf32, #tpu.memory_space<hbm>>)
    %dma_wait3A_530 = arith.constant 0 : i32
    %dma_wait3A_531 = arith.constant 0 : i32
    %dma_wait3A_532 = arith.constant 0 : i32
    %dma_wait3A_533 = arith.constant 0 : i32
    %dma_wait3A_534 = arith.constant 0 : i32
    %dma_wait3A_535 = arith.constant 0 : i32
    %dma_wait3A_536 = tpu.memref_slice %arg7[%dma_wait3A_530, %dma_wait3A_534, %dma_wait3A_535] : memref<32x8x129xf32, #tpu.memory_space<vmem>> -> memref<1x8x128xf32, #tpu.memory_space<vmem>>
    %dma_wait3A_537 = tpu.memref_squeeze %dma_wait3A_536 : memref<1x8x128xf32, #tpu.memory_space<vmem>> -> memref<8x128xf32, #tpu.memory_space<vmem>>
    %dma_wait3A_538 = arith.constant 0 : i32
    %dma_wait3A_539 = arith.constant 0 : i32
    %dma_wait3A_540 = tpu.memref_slice %arg4[%dma_wait3A_531, %dma_wait3A_532, %dma_wait3A_533, %dma_wait3A_538, %dma_wait3A_539] : memref<200x4x32x8x128xf32, #tpu.memory_space<hbm>> -> memref<1x1x1x8x128xf32, #tpu.memory_space<hbm>>
    %dma_wait3A_541 = tpu.memref_squeeze %dma_wait3A_540 : memref<1x1x1x8x128xf32, #tpu.memory_space<hbm>> -> memref<8x128xf32, #tpu.memory_space<hbm>>
    %dma_wait3A_542 = arith.constant 0 : i32
    %dma_wait3A_543 = arith.constant 0 : i32
    %dma_wait3A_544 = tpu.memref_slice %arg4[%dma_wait3A_531, %dma_wait3A_532, %dma_wait3A_533, %dma_wait3A_542, %dma_wait3A_543] : memref<200x4x32x8x128xf32, #tpu.memory_space<hbm>> -> memref<1x1x1x8x128xf32, #tpu.memory_space<hbm>>
    %dma_wait3A_545 = tpu.memref_squeeze %dma_wait3A_544 : memref<1x1x1x8x128xf32, #tpu.memory_space<hbm>> -> memref<8x128xf32, #tpu.memory_space<hbm>>
    %dma_wait3A_546 = arith.constant 0 : i32
    %dma_wait3A_547 = arith.constant 0 : i32
    %dma_wait3A_548 = tpu.memref_slice %arg7[%dma_wait3A_530, %dma_wait3A_546, %dma_wait3A_547] : memref<32x8x129xf32, #tpu.memory_space<vmem>> -> memref<1x8x128xf32, #tpu.memory_space<vmem>>
    %dma_wait3A_549 = tpu.memref_squeeze %dma_wait3A_548 : memref<1x8x128xf32, #tpu.memory_space<vmem>> -> memref<8x128xf32, #tpu.memory_space<vmem>>
    tpu.wait_dma2 semaphore(%arg9 : memref<!tpu.dma_semaphore, #tpu.memory_space<semaphore_mem>>) src(%dma_wait3A_549 : memref<8x128xf32, #tpu.memory_space<vmem>>) dst(%dma_wait3A_545 : memref<8x128xf32, #tpu.memory_space<hbm>>)
    %dma_wait3A_550 = arith.constant 0 : i32
    %dma_wait3A_551 = arith.constant 0 : i32
    %dma_wait3A_552 = arith.constant 0 : i32
    %dma_wait3A_553 = arith.constant 0 : i32
    %dma_wait3A_554 = arith.constant 0 : i32
    %dma_wait3A_555 = arith.constant 0 : i32
    %dma_wait3A_556 = tpu.memref_slice %arg7[%dma_wait3A_550, %dma_wait3A_554, %dma_wait3A_555] : memref<32x8x129xf32, #tpu.memory_space<vmem>> -> memref<1x8x128xf32, #tpu.memory_space<vmem>>
    %dma_wait3A_557 = tpu.memref_squeeze %dma_wait3A_556 : memref<1x8x128xf32, #tpu.memory_space<vmem>> -> memref<8x128xf32, #tpu.memory_space<vmem>>
    %dma_wait3A_558 = arith.constant 0 : i32
    %dma_wait3A_559 = arith.constant 0 : i32
    %dma_wait3A_560 = tpu.memref_slice %arg4[%dma_wait3A_551, %dma_wait3A_552, %dma_wait3A_553, %dma_wait3A_558, %dma_wait3A_559] : memref<200x4x32x8x128xf32, #tpu.memory_space<hbm>> -> memref<1x1x1x8x128xf32, #tpu.memory_space<hbm>>
    %dma_wait3A_561 = tpu.memref_squeeze %dma_wait3A_560 : memref<1x1x1x8x128xf32, #tpu.memory_space<hbm>> -> memref<8x128xf32, #tpu.memory_space<hbm>>
    %dma_wait3A_562 = arith.constant 0 : i32
    %dma_wait3A_563 = arith.constant 0 : i32
    %dma_wait3A_564 = tpu.memref_slice %arg4[%dma_wait3A_551, %dma_wait3A_552, %dma_wait3A_553, %dma_wait3A_562, %dma_wait3A_563] : memref<200x4x32x8x128xf32, #tpu.memory_space<hbm>> -> memref<1x1x1x8x128xf32, #tpu.memory_space<hbm>>
    %dma_wait3A_565 = tpu.memref_squeeze %dma_wait3A_564 : memref<1x1x1x8x128xf32, #tpu.memory_space<hbm>> -> memref<8x128xf32, #tpu.memory_space<hbm>>
    %dma_wait3A_566 = arith.constant 0 : i32
    %dma_wait3A_567 = arith.constant 0 : i32
    %dma_wait3A_568 = tpu.memref_slice %arg7[%dma_wait3A_550, %dma_wait3A_566, %dma_wait3A_567] : memref<32x8x129xf32, #tpu.memory_space<vmem>> -> memref<1x8x128xf32, #tpu.memory_space<vmem>>
    %dma_wait3A_569 = tpu.memref_squeeze %dma_wait3A_568 : memref<1x8x128xf32, #tpu.memory_space<vmem>> -> memref<8x128xf32, #tpu.memory_space<vmem>>
    tpu.wait_dma2 semaphore(%arg9 : memref<!tpu.dma_semaphore, #tpu.memory_space<semaphore_mem>>) src(%dma_wait3A_569 : memref<8x128xf32, #tpu.memory_space<vmem>>) dst(%dma_wait3A_565 : memref<8x128xf32, #tpu.memory_space<hbm>>)
    %dma_wait3A_570 = arith.constant 0 : i32
    %dma_wait3A_571 = arith.constant 0 : i32
    %dma_wait3A_572 = arith.constant 0 : i32
    %dma_wait3A_573 = arith.constant 0 : i32
    %dma_wait3A_574 = arith.constant 0 : i32
    %dma_wait3A_575 = arith.constant 0 : i32
    %dma_wait3A_576 = tpu.memref_slice %arg7[%dma_wait3A_570, %dma_wait3A_574, %dma_wait3A_575] : memref<32x8x129xf32, #tpu.memory_space<vmem>> -> memref<1x8x128xf32, #tpu.memory_space<vmem>>
    %dma_wait3A_577 = tpu.memref_squeeze %dma_wait3A_576 : memref<1x8x128xf32, #tpu.memory_space<vmem>> -> memref<8x128xf32, #tpu.memory_space<vmem>>
    %dma_wait3A_578 = arith.constant 0 : i32
    %dma_wait3A_579 = arith.constant 0 : i32
    %dma_wait3A_580 = tpu.memref_slice %arg4[%dma_wait3A_571, %dma_wait3A_572, %dma_wait3A_573, %dma_wait3A_578, %dma_wait3A_579] : memref<200x4x32x8x128xf32, #tpu.memory_space<hbm>> -> memref<1x1x1x8x128xf32, #tpu.memory_space<hbm>>
    %dma_wait3A_581 = tpu.memref_squeeze %dma_wait3A_580 : memref<1x1x1x8x128xf32, #tpu.memory_space<hbm>> -> memref<8x128xf32, #tpu.memory_space<hbm>>
    %dma_wait3A_582 = arith.constant 0 : i32
    %dma_wait3A_583 = arith.constant 0 : i32
    %dma_wait3A_584 = tpu.memref_slice %arg4[%dma_wait3A_571, %dma_wait3A_572, %dma_wait3A_573, %dma_wait3A_582, %dma_wait3A_583] : memref<200x4x32x8x128xf32, #tpu.memory_space<hbm>> -> memref<1x1x1x8x128xf32, #tpu.memory_space<hbm>>
    %dma_wait3A_585 = tpu.memref_squeeze %dma_wait3A_584 : memref<1x1x1x8x128xf32, #tpu.memory_space<hbm>> -> memref<8x128xf32, #tpu.memory_space<hbm>>
    %dma_wait3A_586 = arith.constant 0 : i32
    %dma_wait3A_587 = arith.constant 0 : i32
    %dma_wait3A_588 = tpu.memref_slice %arg7[%dma_wait3A_570, %dma_wait3A_586, %dma_wait3A_587] : memref<32x8x129xf32, #tpu.memory_space<vmem>> -> memref<1x8x128xf32, #tpu.memory_space<vmem>>
    %dma_wait3A_589 = tpu.memref_squeeze %dma_wait3A_588 : memref<1x8x128xf32, #tpu.memory_space<vmem>> -> memref<8x128xf32, #tpu.memory_space<vmem>>
    tpu.wait_dma2 semaphore(%arg9 : memref<!tpu.dma_semaphore, #tpu.memory_space<semaphore_mem>>) src(%dma_wait3A_589 : memref<8x128xf32, #tpu.memory_space<vmem>>) dst(%dma_wait3A_585 : memref<8x128xf32, #tpu.memory_space<hbm>>)
    %dma_wait3A_590 = arith.constant 0 : i32
    %dma_wait3A_591 = arith.constant 0 : i32
    %dma_wait3A_592 = arith.constant 0 : i32
    %dma_wait3A_593 = arith.constant 0 : i32
    %dma_wait3A_594 = arith.constant 0 : i32
    %dma_wait3A_595 = arith.constant 0 : i32
    %dma_wait3A_596 = tpu.memref_slice %arg7[%dma_wait3A_590, %dma_wait3A_594, %dma_wait3A_595] : memref<32x8x129xf32, #tpu.memory_space<vmem>> -> memref<1x8x128xf32, #tpu.memory_space<vmem>>
    %dma_wait3A_597 = tpu.memref_squeeze %dma_wait3A_596 : memref<1x8x128xf32, #tpu.memory_space<vmem>> -> memref<8x128xf32, #tpu.memory_space<vmem>>
    %dma_wait3A_598 = arith.constant 0 : i32
    %dma_wait3A_599 = arith.constant 0 : i32
    %dma_wait3A_600 = tpu.memref_slice %arg4[%dma_wait3A_591, %dma_wait3A_592, %dma_wait3A_593, %dma_wait3A_598, %dma_wait3A_599] : memref<200x4x32x8x128xf32, #tpu.memory_space<hbm>> -> memref<1x1x1x8x128xf32, #tpu.memory_space<hbm>>
    %dma_wait3A_601 = tpu.memref_squeeze %dma_wait3A_600 : memref<1x1x1x8x128xf32, #tpu.memory_space<hbm>> -> memref<8x128xf32, #tpu.memory_space<hbm>>
    %dma_wait3A_602 = arith.constant 0 : i32
    %dma_wait3A_603 = arith.constant 0 : i32
    %dma_wait3A_604 = tpu.memref_slice %arg4[%dma_wait3A_591, %dma_wait3A_592, %dma_wait3A_593, %dma_wait3A_602, %dma_wait3A_603] : memref<200x4x32x8x128xf32, #tpu.memory_space<hbm>> -> memref<1x1x1x8x128xf32, #tpu.memory_space<hbm>>
    %dma_wait3A_605 = tpu.memref_squeeze %dma_wait3A_604 : memref<1x1x1x8x128xf32, #tpu.memory_space<hbm>> -> memref<8x128xf32, #tpu.memory_space<hbm>>
    %dma_wait3A_606 = arith.constant 0 : i32
    %dma_wait3A_607 = arith.constant 0 : i32
    %dma_wait3A_608 = tpu.memref_slice %arg7[%dma_wait3A_590, %dma_wait3A_606, %dma_wait3A_607] : memref<32x8x129xf32, #tpu.memory_space<vmem>> -> memref<1x8x128xf32, #tpu.memory_space<vmem>>
    %dma_wait3A_609 = tpu.memref_squeeze %dma_wait3A_608 : memref<1x8x128xf32, #tpu.memory_space<vmem>> -> memref<8x128xf32, #tpu.memory_space<vmem>>
    tpu.wait_dma2 semaphore(%arg9 : memref<!tpu.dma_semaphore, #tpu.memory_space<semaphore_mem>>) src(%dma_wait3A_609 : memref<8x128xf32, #tpu.memory_space<vmem>>) dst(%dma_wait3A_605 : memref<8x128xf32, #tpu.memory_space<hbm>>)
    %dma_wait3A_610 = arith.constant 0 : i32
    %dma_wait3A_611 = arith.constant 0 : i32
    %dma_wait3A_612 = arith.constant 0 : i32
    %dma_wait3A_613 = arith.constant 0 : i32
    %dma_wait3A_614 = arith.constant 0 : i32
    %dma_wait3A_615 = arith.constant 0 : i32
    %dma_wait3A_616 = tpu.memref_slice %arg7[%dma_wait3A_610, %dma_wait3A_614, %dma_wait3A_615] : memref<32x8x129xf32, #tpu.memory_space<vmem>> -> memref<1x8x128xf32, #tpu.memory_space<vmem>>
    %dma_wait3A_617 = tpu.memref_squeeze %dma_wait3A_616 : memref<1x8x128xf32, #tpu.memory_space<vmem>> -> memref<8x128xf32, #tpu.memory_space<vmem>>
    %dma_wait3A_618 = arith.constant 0 : i32
    %dma_wait3A_619 = arith.constant 0 : i32
    %dma_wait3A_620 = tpu.memref_slice %arg4[%dma_wait3A_611, %dma_wait3A_612, %dma_wait3A_613, %dma_wait3A_618, %dma_wait3A_619] : memref<200x4x32x8x128xf32, #tpu.memory_space<hbm>> -> memref<1x1x1x8x128xf32, #tpu.memory_space<hbm>>
    %dma_wait3A_621 = tpu.memref_squeeze %dma_wait3A_620 : memref<1x1x1x8x128xf32, #tpu.memory_space<hbm>> -> memref<8x128xf32, #tpu.memory_space<hbm>>
    %dma_wait3A_622 = arith.constant 0 : i32
    %dma_wait3A_623 = arith.constant 0 : i32
    %dma_wait3A_624 = tpu.memref_slice %arg4[%dma_wait3A_611, %dma_wait3A_612, %dma_wait3A_613, %dma_wait3A_622, %dma_wait3A_623] : memref<200x4x32x8x128xf32, #tpu.memory_space<hbm>> -> memref<1x1x1x8x128xf32, #tpu.memory_space<hbm>>
    %dma_wait3A_625 = tpu.memref_squeeze %dma_wait3A_624 : memref<1x1x1x8x128xf32, #tpu.memory_space<hbm>> -> memref<8x128xf32, #tpu.memory_space<hbm>>
    %dma_wait3A_626 = arith.constant 0 : i32
    %dma_wait3A_627 = arith.constant 0 : i32
    %dma_wait3A_628 = tpu.memref_slice %arg7[%dma_wait3A_610, %dma_wait3A_626, %dma_wait3A_627] : memref<32x8x129xf32, #tpu.memory_space<vmem>> -> memref<1x8x128xf32, #tpu.memory_space<vmem>>
    %dma_wait3A_629 = tpu.memref_squeeze %dma_wait3A_628 : memref<1x8x128xf32, #tpu.memory_space<vmem>> -> memref<8x128xf32, #tpu.memory_space<vmem>>
    tpu.wait_dma2 semaphore(%arg9 : memref<!tpu.dma_semaphore, #tpu.memory_space<semaphore_mem>>) src(%dma_wait3A_629 : memref<8x128xf32, #tpu.memory_space<vmem>>) dst(%dma_wait3A_625 : memref<8x128xf32, #tpu.memory_space<hbm>>)
    %dma_wait3A_630 = arith.constant 0 : i32
    %dma_wait3A_631 = arith.constant 0 : i32
    %dma_wait3A_632 = arith.constant 0 : i32
    %dma_wait3A_633 = arith.constant 0 : i32
    %dma_wait3A_634 = arith.constant 0 : i32
    %dma_wait3A_635 = arith.constant 0 : i32
    %dma_wait3A_636 = tpu.memref_slice %arg7[%dma_wait3A_630, %dma_wait3A_634, %dma_wait3A_635] : memref<32x8x129xf32, #tpu.memory_space<vmem>> -> memref<1x8x128xf32, #tpu.memory_space<vmem>>
    %dma_wait3A_637 = tpu.memref_squeeze %dma_wait3A_636 : memref<1x8x128xf32, #tpu.memory_space<vmem>> -> memref<8x128xf32, #tpu.memory_space<vmem>>
    %dma_wait3A_638 = arith.constant 0 : i32
    %dma_wait3A_639 = arith.constant 0 : i32
    %dma_wait3A_640 = tpu.memref_slice %arg4[%dma_wait3A_631, %dma_wait3A_632, %dma_wait3A_633, %dma_wait3A_638, %dma_wait3A_639] : memref<200x4x32x8x128xf32, #tpu.memory_space<hbm>> -> memref<1x1x1x8x128xf32, #tpu.memory_space<hbm>>
    %dma_wait3A_641 = tpu.memref_squeeze %dma_wait3A_640 : memref<1x1x1x8x128xf32, #tpu.memory_space<hbm>> -> memref<8x128xf32, #tpu.memory_space<hbm>>
    %dma_wait3A_642 = arith.constant 0 : i32
    %dma_wait3A_643 = arith.constant 0 : i32
    %dma_wait3A_644 = tpu.memref_slice %arg4[%dma_wait3A_631, %dma_wait3A_632, %dma_wait3A_633, %dma_wait3A_642, %dma_wait3A_643] : memref<200x4x32x8x128xf32, #tpu.memory_space<hbm>> -> memref<1x1x1x8x128xf32, #tpu.memory_space<hbm>>
    %dma_wait3A_645 = tpu.memref_squeeze %dma_wait3A_644 : memref<1x1x1x8x128xf32, #tpu.memory_space<hbm>> -> memref<8x128xf32, #tpu.memory_space<hbm>>
    %dma_wait3A_646 = arith.constant 0 : i32
    %dma_wait3A_647 = arith.constant 0 : i32
    %dma_wait3A_648 = tpu.memref_slice %arg7[%dma_wait3A_630, %dma_wait3A_646, %dma_wait3A_647] : memref<32x8x129xf32, #tpu.memory_space<vmem>> -> memref<1x8x128xf32, #tpu.memory_space<vmem>>
    %dma_wait3A_649 = tpu.memref_squeeze %dma_wait3A_648 : memref<1x8x128xf32, #tpu.memory_space<vmem>> -> memref<8x128xf32, #tpu.memory_space<vmem>>
    tpu.wait_dma2 semaphore(%arg9 : memref<!tpu.dma_semaphore, #tpu.memory_space<semaphore_mem>>) src(%dma_wait3A_649 : memref<8x128xf32, #tpu.memory_space<vmem>>) dst(%dma_wait3A_645 : memref<8x128xf32, #tpu.memory_space<hbm>>)
    %dma_wait3A_650 = arith.constant 0 : i32
    %dma_wait3A_651 = arith.constant 0 : i32
    %dma_wait3A_652 = arith.constant 0 : i32
    %dma_wait3A_653 = arith.constant 0 : i32
    %dma_wait3A_654 = arith.constant 0 : i32
    %dma_wait3A_655 = arith.constant 0 : i32
    %dma_wait3A_656 = tpu.memref_slice %arg7[%dma_wait3A_650, %dma_wait3A_654, %dma_wait3A_655] : memref<32x8x129xf32, #tpu.memory_space<vmem>> -> memref<1x8x128xf32, #tpu.memory_space<vmem>>
    %dma_wait3A_657 = tpu.memref_squeeze %dma_wait3A_656 : memref<1x8x128xf32, #tpu.memory_space<vmem>> -> memref<8x128xf32, #tpu.memory_space<vmem>>
    %dma_wait3A_658 = arith.constant 0 : i32
    %dma_wait3A_659 = arith.constant 0 : i32
    %dma_wait3A_660 = tpu.memref_slice %arg4[%dma_wait3A_651, %dma_wait3A_652, %dma_wait3A_653, %dma_wait3A_658, %dma_wait3A_659] : memref<200x4x32x8x128xf32, #tpu.memory_space<hbm>> -> memref<1x1x1x8x128xf32, #tpu.memory_space<hbm>>
    %dma_wait3A_661 = tpu.memref_squeeze %dma_wait3A_660 : memref<1x1x1x8x128xf32, #tpu.memory_space<hbm>> -> memref<8x128xf32, #tpu.memory_space<hbm>>
    %dma_wait3A_662 = arith.constant 0 : i32
    %dma_wait3A_663 = arith.constant 0 : i32
    %dma_wait3A_664 = tpu.memref_slice %arg4[%dma_wait3A_651, %dma_wait3A_652, %dma_wait3A_653, %dma_wait3A_662, %dma_wait3A_663] : memref<200x4x32x8x128xf32, #tpu.memory_space<hbm>> -> memref<1x1x1x8x128xf32, #tpu.memory_space<hbm>>
    %dma_wait3A_665 = tpu.memref_squeeze %dma_wait3A_664 : memref<1x1x1x8x128xf32, #tpu.memory_space<hbm>> -> memref<8x128xf32, #tpu.memory_space<hbm>>
    %dma_wait3A_666 = arith.constant 0 : i32
    %dma_wait3A_667 = arith.constant 0 : i32
    %dma_wait3A_668 = tpu.memref_slice %arg7[%dma_wait3A_650, %dma_wait3A_666, %dma_wait3A_667] : memref<32x8x129xf32, #tpu.memory_space<vmem>> -> memref<1x8x128xf32, #tpu.memory_space<vmem>>
    %dma_wait3A_669 = tpu.memref_squeeze %dma_wait3A_668 : memref<1x8x128xf32, #tpu.memory_space<vmem>> -> memref<8x128xf32, #tpu.memory_space<vmem>>
    tpu.wait_dma2 semaphore(%arg9 : memref<!tpu.dma_semaphore, #tpu.memory_space<semaphore_mem>>) src(%dma_wait3A_669 : memref<8x128xf32, #tpu.memory_space<vmem>>) dst(%dma_wait3A_665 : memref<8x128xf32, #tpu.memory_space<hbm>>)
    %dma_wait3A_670 = arith.constant 0 : i32
    %dma_wait3A_671 = arith.constant 0 : i32
    %dma_wait3A_672 = arith.constant 0 : i32
    %dma_wait3A_673 = arith.constant 0 : i32
    %dma_wait3A_674 = arith.constant 0 : i32
    %dma_wait3A_675 = arith.constant 0 : i32
    %dma_wait3A_676 = tpu.memref_slice %arg7[%dma_wait3A_670, %dma_wait3A_674, %dma_wait3A_675] : memref<32x8x129xf32, #tpu.memory_space<vmem>> -> memref<1x8x128xf32, #tpu.memory_space<vmem>>
    %dma_wait3A_677 = tpu.memref_squeeze %dma_wait3A_676 : memref<1x8x128xf32, #tpu.memory_space<vmem>> -> memref<8x128xf32, #tpu.memory_space<vmem>>
    %dma_wait3A_678 = arith.constant 0 : i32
    %dma_wait3A_679 = arith.constant 0 : i32
    %dma_wait3A_680 = tpu.memref_slice %arg4[%dma_wait3A_671, %dma_wait3A_672, %dma_wait3A_673, %dma_wait3A_678, %dma_wait3A_679] : memref<200x4x32x8x128xf32, #tpu.memory_space<hbm>> -> memref<1x1x1x8x128xf32, #tpu.memory_space<hbm>>
    %dma_wait3A_681 = tpu.memref_squeeze %dma_wait3A_680 : memref<1x1x1x8x128xf32, #tpu.memory_space<hbm>> -> memref<8x128xf32, #tpu.memory_space<hbm>>
    %dma_wait3A_682 = arith.constant 0 : i32
    %dma_wait3A_683 = arith.constant 0 : i32
    %dma_wait3A_684 = tpu.memref_slice %arg4[%dma_wait3A_671, %dma_wait3A_672, %dma_wait3A_673, %dma_wait3A_682, %dma_wait3A_683] : memref<200x4x32x8x128xf32, #tpu.memory_space<hbm>> -> memref<1x1x1x8x128xf32, #tpu.memory_space<hbm>>
    %dma_wait3A_685 = tpu.memref_squeeze %dma_wait3A_684 : memref<1x1x1x8x128xf32, #tpu.memory_space<hbm>> -> memref<8x128xf32, #tpu.memory_space<hbm>>
    %dma_wait3A_686 = arith.constant 0 : i32
    %dma_wait3A_687 = arith.constant 0 : i32
    %dma_wait3A_688 = tpu.memref_slice %arg7[%dma_wait3A_670, %dma_wait3A_686, %dma_wait3A_687] : memref<32x8x129xf32, #tpu.memory_space<vmem>> -> memref<1x8x128xf32, #tpu.memory_space<vmem>>
    %dma_wait3A_689 = tpu.memref_squeeze %dma_wait3A_688 : memref<1x8x128xf32, #tpu.memory_space<vmem>> -> memref<8x128xf32, #tpu.memory_space<vmem>>
    tpu.wait_dma2 semaphore(%arg9 : memref<!tpu.dma_semaphore, #tpu.memory_space<semaphore_mem>>) src(%dma_wait3A_689 : memref<8x128xf32, #tpu.memory_space<vmem>>) dst(%dma_wait3A_685 : memref<8x128xf32, #tpu.memory_space<hbm>>)
    %dma_wait3A_690 = arith.constant 0 : i32
    %dma_wait3A_691 = arith.constant 0 : i32
    %dma_wait3A_692 = arith.constant 0 : i32
    %dma_wait3A_693 = arith.constant 0 : i32
    %dma_wait3A_694 = arith.constant 0 : i32
    %dma_wait3A_695 = arith.constant 0 : i32
    %dma_wait3A_696 = tpu.memref_slice %arg7[%dma_wait3A_690, %dma_wait3A_694, %dma_wait3A_695] : memref<32x8x129xf32, #tpu.memory_space<vmem>> -> memref<1x8x128xf32, #tpu.memory_space<vmem>>
    %dma_wait3A_697 = tpu.memref_squeeze %dma_wait3A_696 : memref<1x8x128xf32, #tpu.memory_space<vmem>> -> memref<8x128xf32, #tpu.memory_space<vmem>>
    %dma_wait3A_698 = arith.constant 0 : i32
    %dma_wait3A_699 = arith.constant 0 : i32
    %dma_wait3A_700 = tpu.memref_slice %arg4[%dma_wait3A_691, %dma_wait3A_692, %dma_wait3A_693, %dma_wait3A_698, %dma_wait3A_699] : memref<200x4x32x8x128xf32, #tpu.memory_space<hbm>> -> memref<1x1x1x8x128xf32, #tpu.memory_space<hbm>>
    %dma_wait3A_701 = tpu.memref_squeeze %dma_wait3A_700 : memref<1x1x1x8x128xf32, #tpu.memory_space<hbm>> -> memref<8x128xf32, #tpu.memory_space<hbm>>
    %dma_wait3A_702 = arith.constant 0 : i32
    %dma_wait3A_703 = arith.constant 0 : i32
    %dma_wait3A_704 = tpu.memref_slice %arg4[%dma_wait3A_691, %dma_wait3A_692, %dma_wait3A_693, %dma_wait3A_702, %dma_wait3A_703] : memref<200x4x32x8x128xf32, #tpu.memory_space<hbm>> -> memref<1x1x1x8x128xf32, #tpu.memory_space<hbm>>
    %dma_wait3A_705 = tpu.memref_squeeze %dma_wait3A_704 : memref<1x1x1x8x128xf32, #tpu.memory_space<hbm>> -> memref<8x128xf32, #tpu.memory_space<hbm>>
    %dma_wait3A_706 = arith.constant 0 : i32
    %dma_wait3A_707 = arith.constant 0 : i32
    %dma_wait3A_708 = tpu.memref_slice %arg7[%dma_wait3A_690, %dma_wait3A_706, %dma_wait3A_707] : memref<32x8x129xf32, #tpu.memory_space<vmem>> -> memref<1x8x128xf32, #tpu.memory_space<vmem>>
    %dma_wait3A_709 = tpu.memref_squeeze %dma_wait3A_708 : memref<1x8x128xf32, #tpu.memory_space<vmem>> -> memref<8x128xf32, #tpu.memory_space<vmem>>
    tpu.wait_dma2 semaphore(%arg9 : memref<!tpu.dma_semaphore, #tpu.memory_space<semaphore_mem>>) src(%dma_wait3A_709 : memref<8x128xf32, #tpu.memory_space<vmem>>) dst(%dma_wait3A_705 : memref<8x128xf32, #tpu.memory_space<hbm>>)
    %dma_wait3A_710 = arith.constant 0 : i32
    %dma_wait3A_711 = arith.constant 0 : i32
    %dma_wait3A_712 = arith.constant 0 : i32
    %dma_wait3A_713 = arith.constant 0 : i32
    %dma_wait3A_714 = arith.constant 0 : i32
    %dma_wait3A_715 = arith.constant 0 : i32
    %dma_wait3A_716 = tpu.memref_slice %arg7[%dma_wait3A_710, %dma_wait3A_714, %dma_wait3A_715] : memref<32x8x129xf32, #tpu.memory_space<vmem>> -> memref<1x8x128xf32, #tpu.memory_space<vmem>>
    %dma_wait3A_717 = tpu.memref_squeeze %dma_wait3A_716 : memref<1x8x128xf32, #tpu.memory_space<vmem>> -> memref<8x128xf32, #tpu.memory_space<vmem>>
    %dma_wait3A_718 = arith.constant 0 : i32
    %dma_wait3A_719 = arith.constant 0 : i32
    %dma_wait3A_720 = tpu.memref_slice %arg4[%dma_wait3A_711, %dma_wait3A_712, %dma_wait3A_713, %dma_wait3A_718, %dma_wait3A_719] : memref<200x4x32x8x128xf32, #tpu.memory_space<hbm>> -> memref<1x1x1x8x128xf32, #tpu.memory_space<hbm>>
    %dma_wait3A_721 = tpu.memref_squeeze %dma_wait3A_720 : memref<1x1x1x8x128xf32, #tpu.memory_space<hbm>> -> memref<8x128xf32, #tpu.memory_space<hbm>>
    %dma_wait3A_722 = arith.constant 0 : i32
    %dma_wait3A_723 = arith.constant 0 : i32
    %dma_wait3A_724 = tpu.memref_slice %arg4[%dma_wait3A_711, %dma_wait3A_712, %dma_wait3A_713, %dma_wait3A_722, %dma_wait3A_723] : memref<200x4x32x8x128xf32, #tpu.memory_space<hbm>> -> memref<1x1x1x8x128xf32, #tpu.memory_space<hbm>>
    %dma_wait3A_725 = tpu.memref_squeeze %dma_wait3A_724 : memref<1x1x1x8x128xf32, #tpu.memory_space<hbm>> -> memref<8x128xf32, #tpu.memory_space<hbm>>
    %dma_wait3A_726 = arith.constant 0 : i32
    %dma_wait3A_727 = arith.constant 0 : i32
    %dma_wait3A_728 = tpu.memref_slice %arg7[%dma_wait3A_710, %dma_wait3A_726, %dma_wait3A_727] : memref<32x8x129xf32, #tpu.memory_space<vmem>> -> memref<1x8x128xf32, #tpu.memory_space<vmem>>
    %dma_wait3A_729 = tpu.memref_squeeze %dma_wait3A_728 : memref<1x8x128xf32, #tpu.memory_space<vmem>> -> memref<8x128xf32, #tpu.memory_space<vmem>>
    tpu.wait_dma2 semaphore(%arg9 : memref<!tpu.dma_semaphore, #tpu.memory_space<semaphore_mem>>) src(%dma_wait3A_729 : memref<8x128xf32, #tpu.memory_space<vmem>>) dst(%dma_wait3A_725 : memref<8x128xf32, #tpu.memory_space<hbm>>)
    return
  }
}

</mosaic_0001>

<sc_bundles>
// kernel: kernel.3.cloned.1.call-start
scs
__scs_entry_jumppad:
0x0: {  	(pc) =	sbr.rel $0x88, $3  }
0x1: {  	(tag) =	ssettag $0x0;
	lr =	simm.s32 $0x1  }
0x2: {  	[smem:$0x3F9F] =	sst lr;
	_ =	strace $0xD0000000  }
0x3: {  	_ = 	snop  }
0x4: {  	_ = 	snop  }
0x5: {  	_ = 	snop  }
0x6: {  	_ = 	snop  }
0x7: {  	_ = 	snop  }
__scs_overlays_trampoline_lowered:
0x8: {  	[smem:$0x3FAE] =	sst s0  }
0x9: {  	[smem:$0x3FAF] =	sst s1  }
0xa: {  	[smem:$0x3FB0] =	sst s2  }
0xb: {  	[smem:$0x3FB1] =	sst s3  }
0xc: {  	[smem:$0x3FB2] =	sst s4  }
0xd: {  	[smem:$0x3FB3] =	sst s5  }
0xe: {  	[smem:$0x3FB4] =	sst s6  }
0xf: {  	[smem:$0x3FB5] =	sst s7  }
0x10: {  	[smem:$0x3FB6] =	sst s8  }
0x11: {  	[smem:$0x3FB7] =	sst s9;
	s0 =	simm.s32 @!p0 $0x0  }
0x12: {  	s1 =	sld [smem:$0x3F9D];
	s0 =	simm.s32 @p0 $0x1  }
0x13: {  	[smem:$0x3FB8] =	sst s0;
	s0 =	simm.s32 @!p1 $0x0  }
0x14: {  	s2 =	sld [smem:$0x3F9C];
	s0 =	simm.s32 @p1 $0x1  }
0x15: {  	[smem:$0x3FB9] =	sst s0;
	s0 =	simm.s32 @!p2 $0x0  }
0x16: {  	s3 =	sld [smem:$0x3FDB];
	s0 =	simm.s32 @p2 $0x1  }
0x17: {  	s4 =	simm.s32 $0x1BF5;
	[smem:$0x3FBB] =	sst s0  }
0x18: {  	s0 =	sld [smem:$0x3F9E];
	_ =	swait.ge [sflag:s4], $0x0  }
0x19: {  	s7 =	sld [smem:$0x3F9F]  }
0x1a: {  	s8 =	sadd.s32 $0xFFFFE003, lr  }
0x1b: {  	s9 =	sadd.s32 $0xFFFFFEF7, lr;
	s5 =	simm.s32 $0xFFFFFFFF;
	p2 =	slt.u32 s8, $0xFFFFF086  }
0x1c: {  	p1 =	slt.u32 s9, $0xF7A;
	s5 =	simm.s32 @!p2 $0x0  }
0x1d: {  	s5 =	simm.s32 @p1 $0x1;
	p0 =	seq.s32 s7, s2  }
0x1e: {  	s7 =	smul.u32 @!p0 $0xF7A, s2;
	p2 =	seq.s32 @!p0 s5, $0x0  }
0x1f: {  	s9 =	smul.u32 $0xF7A, s1;
	s8 =	simm.s32 @!p0 $0x1BF5;
	p2 =	por !p2, p0  }
0x20: {  	[sflag:s8] =	ssyncset.s32 @!p0 $0xFFFFF086;
	s6 =	sadd.s32 @!p0 s3, s7;
	s7 =	simm.s32 @!p0 $0x108  }
0x21: {  	s3 =	sadd.s32 s3, s9;
	s6 =	sadd.s32 @!p0 $0x88, s6;
	s7 =	simm.s32 @p2 $0x1082  }
0x22: {  	[simem:s7], [sflag:s8] =	dma.local @!p0 [hbm:s6], $0xF7A  }
0x23: {  	s9 =	sor.u32 $0xD0000000, s2;
	s6 =	simm.s32 $0x108;
	_ =	swait.ge @!p0 [sflag:s8], $0x0  }
0x24: {  	s3 =	sadd.s32 $0x88, s3;
	s6 =	simm.s32 @!p1 $0x1082;
	[sflag:s4] =	ssyncset.s32 $0xFFFFF086  }
0x25: {  	[simem:s6], [sflag:s4] =	dma.local [hbm:s3], $0xF7A  }
0x26: {  	[smem:$0x3F9F] =	sst s1;
	(tag) =	ssettag s2;
	_ =	strace s9  }
0x27: {  	s1 =	sld [smem:$0x3FAF]  }
0x28: {  	s2 =	sld [smem:$0x3FB0]  }
0x29: {  	s4 =	sld [smem:$0x3FB2]  }
0x2a: {  	p0 =	seq.s32 s5, $0x0;
	s5 =	sld [smem:$0x3FB3]  }
0x2b: {  	s6 =	sld [smem:$0x3FB4]  }
0x2c: {  	s7 =	sld [smem:$0x3FB5]  }
0x2d: {  	s3 =	simm.s32 $0x108;
	s8 =	sld [smem:$0x3FB6]  }
0x2e: {  	s3 =	simm.s32 @!p0 $0x1082;
	s9 =	sld [smem:$0x3FB7]  }
0x2f: {  	lr =	sadd.s32 s0, s3;
	s0 =	sld [smem:$0x3FAE]  }
0x30: {  	s3 =	sld [smem:$0x3FB1]  }
0x31: {  	[smem:$0x3FBA] =	sst s10  }
0x32: {  	s10 =	sld [smem:$0x3FB8];
	_ =	sdelay $0x3  }
0x33: {  	p0 =	seq.s32 s10, $0x1;
	s10 =	sld [smem:$0x3FBA];
	_ =	sdelay $0x3  }
0x34: {  	[smem:$0x3FBA] =	sst s10  }
0x35: {  	s10 =	sld [smem:$0x3FB9];
	_ =	sdelay $0x3  }
0x36: {  	p1 =	seq.s32 s10, $0x1;
	s10 =	sld [smem:$0x3FBA];
	_ =	sdelay $0x3  }
0x37: {  	[smem:$0x3FBA] =	sst s10  }
0x38: {  	s10 =	sld [smem:$0x3FBB]  }
0x39: {  	_ = 	snop;
	(pc) =	sbr.ind lr, $3  }
0x3a: {  	_ = 	snop  }
0x3b: {  	_ = 	snop  }
0x3c: {  	p2 =	seq.s32 s10, $0x1;
	s10 =	sld [smem:$0x3FBA]  }
0x3d: {  	_ =	shalt  }
0x3e: {  	_ =	shalt  }
0x3f: {  	_ =	shalt  }
0x40: {  	_ =	shalt  }
0x41: {  	_ =	shalt  }
0x42: {  	_ =	shalt  }
0x43: {  	_ =	shalt  }
0x44: {  	_ =	shalt  }
0x45: {  	_ =	shalt  }
0x46: {  	_ =	shalt  }
0x47: {  	_ =	shalt  }
0x48: {  	_ =	shalt  }
0x49: {  	_ =	shalt  }
0x4a: {  	_ =	shalt  }
0x4b: {  	_ =	shalt  }
0x4c: {  	_ =	shalt  }
0x4d: {  	_ =	shalt  }
0x4e: {  	_ =	shalt  }
0x4f: {  	_ =	shalt  }
0x50: {  	_ =	shalt  }
0x51: {  	_ =	shalt  }
0x52: {  	_ =	shalt  }
0x53: {  	_ =	shalt  }
0x54: {  	_ =	shalt  }
0x55: {  	_ =	shalt  }
0x56: {  	_ =	shalt  }
0x57: {  	_ =	shalt  }
0x58: {  	_ =	shalt  }
0x59: {  	_ =	shalt  }
0x5a: {  	_ =	shalt  }
0x5b: {  	_ =	shalt  }
0x5c: {  	_ =	shalt  }
0x5d: {  	_ =	shalt  }
0x5e: {  	_ =	shalt  }
0x5f: {  	_ =	shalt  }
0x60: {  	_ =	shalt  }
0x61: {  	_ =	shalt  }
0x62: {  	_ =	shalt  }
0x63: {  	_ =	shalt  }
0x64: {  	_ =	shalt  }
0x65: {  	_ =	shalt  }
0x66: {  	_ =	shalt  }
0x67: {  	_ =	shalt  }
0x68: {  	_ =	shalt  }
0x69: {  	_ =	shalt  }
0x6a: {  	_ =	shalt  }
0x6b: {  	_ =	shalt  }
0x6c: {  	_ =	shalt  }
0x6d: {  	_ =	shalt  }
0x6e: {  	_ =	shalt  }
0x6f: {  	_ =	shalt  }
0x70: {  	_ =	shalt  }
0x71: {  	_ =	shalt  }
0x72: {  	_ =	shalt  }
0x73: {  	_ =	shalt  }
0x74: {  	_ =	shalt  }
0x75: {  	_ =	shalt  }
0x76: {  	_ =	shalt  }
0x77: {  	_ =	shalt  }
0x78: {  	_ =	shalt  }
0x79: {  	_ =	shalt  }
0x7a: {  	_ =	shalt  }
0x7b: {  	_ =	shalt  }
0x7c: {  	_ =	shalt  }
0x7d: {  	_ =	shalt  }
0x7e: {  	_ =	shalt  }
0x7f: {  	_ =	shalt  }
0x80: {  	_ =	shalt  }
0x81: {  	_ =	shalt  }
0x82: {  	_ =	shalt  }
0x83: {  	_ =	shalt  }
0x84: {  	_ =	shalt  }
0x85: {  	_ =	shalt  }
0x86: {  	_ =	shalt  }
0x87: {  	_ =	shalt  }
.Lfunc_end0:
.L_simem_size_0:
called_computation_lowered:
.L_overlay_start_0:
0x88: {  	s2 =	sld [smem:$0x3FD9]  }
0x89: {  	s3 =	sld [smem:$0x3FFE];
	_ =	sdelay $0x1  }
0x8a: {  	s1 =	srdreg.scid  }
0x8b: {  	s0 =	sand.u32 $0x1, s1  }
0x8c: {  	s17 =	sshll.u32 s0, $0xA;
	s2 =	sadd.s32 s3, s2  }
0x8d: {  	s2 =	sadd.s32 s2, s17  }
0x8e: {  	[smem:$0x3FC6] =	sst s2  }
0x8f: {  	_ = 	snop  }
0x90: {  	s2 =	sld [smem:$0x3FD0];
	(tm) =	ssettm $0x1  }
0x91: {  	s18 =	sld [smem:$0x3FFB];
	_ =	sdelay $0x3  }
0x92: {  	_ =	strace s18  }
0x93: {  	s3 =	sld [smem:$0x3FFC];
	_ =	sdelay $0x3  }
0x94: {  	_ =	strace s3  }
0x95: {  	s3 =	sld [smem:$0x3FFD];
	_ =	sdelay $0x3  }
0x96: {  	_ =	strace s3  }
0x97: {  	_ =	strace $0x8FFFFFFF  }
0x98: {  	s19 =	sld [smem:$0x3FDB];
	_ =	sdelay $0x1  }
0x99: {  	s4 =	simm.s32 $_scs_section_size  }
0x9a: {  	s5 =	simm.s32 $_size__tile_overlayer_lowered;
	s6 =	simm.s32 $_tile_overlayer_lowered  }
0x9b: {  	s22 =	simm.s32 $0x1BFF;
	s21 =	sshll.u32 s6, $0x1;
	s3 =	sadd.s32 s4, s19  }
0x9c: {  	s7 =	simm.s32 $0x0;
	s20 =	sshll.u32 s5, $0x1;
	s5 =	sadd.s32 s21, s3  }
0x9d: {  	[timem:s7], [sflag:s22] =	dma.local [hbm:s5], s20  }
0x9e: {  	_ =	swait.ge [sflag:s22], s20  }
0x9f: {  	s4 =	ssub.s32 $0x0, s20;
	[sflag:s22] =	ssyncset.done $0x0  }
0xa0: {  	[sflag:s22] =	ssyncadd.s32 s4;
	_ =	sdelay $0x1  }
0xa1: {  	s23 =	simm.s32 $0x1B8B  }
0xa2: {  	_ =	swait.ge [sflag:s23], $0x1  }
0xa3: {  	[sflag:s23] =	ssyncset.done $0x0  }
0xa4: {  	s25 =	simm.s32 $0x1B8E;
	s24 =	sld [smem:$0x3FFE];
	[sflag:s23] =	ssyncadd.s32 $0xFFFFFFFF  }
0xa5: {  	s26 =	simm.s32 $execute0_lowered;
	[smem:$0x3FD2] =	sst s25  }
0xa6: {  	s5 =	sshll.u32 s26, $0x1;
	_ =	strace $0x80000046;
	[dreg:$0x1] =	wrdreg $0xFFFFFFFF  }
0xa7: {  	s28 =	simm.s32 $_size_execute0_lowered;
	s3 =	sadd.s32 s3, s5;
	[dreg:$0x0] =	wrdreg $0x0  }
0xa8: {  	s5 =	sshll.u32 s28, $0x1;
	[dreg:$0x2] =	wrdreg s3  }
0xa9: {  	[dreg:$0x3] =	wrdreg s5  }
0xaa: {  	[dreg:$0x4] =	wrdreg $0xC0  }
0xab: {  	_ =	task [dreg:s7], $0x5FFFF  }
0xac: {  	[dreg:$0x1] =	wrdreg $0xFFFFFFFF  }
0xad: {  	[dreg:$0x0] =	wrdreg $0x60  }
0xae: {  	[dreg:$0x2] =	wrdreg s24  }
0xaf: {  	[dreg:$0x3] =	wrdreg s2  }
0xb0: {  	[dreg:$0x4] =	wrdreg $0x9  }
0xb1: {  	_ =	task.clear_ibuf [dreg:s7], $0x5FFFF;
	_ =	strace $0x90000046  }
0xb2: {  	s29 =	simm.s32 $0x9;
	_ =	strace $0x80000048  }
0xb3: {  	_ =	swait.ge [sflag:s29], $0x1  }
0xb4: {  	[sflag:s29] =	ssyncadd.s32 $0xFFFFFFFF  }
0xb5: {  	_ =	strace $0x90000048  }
0xb6: {  	_ =	sfence  }
0xb7: {  	s30 =	sld [smem:$0x0];
	_ =	sdelay $0x2  }
0xb8: {  	s31 =	sshll.u32 s1, $0xD;
	s1 =	sshrl.u32 s1, $0x2  }
0xb9: {  	s3 =	sand.u32 $0x4000, s31;
	s1 =	sadd.s32 s1, s30  }
0xba: {  	s0 =	sor.u32 s3, s0;
	s1 =	sshll.u32 s1, $0x11  }
0xbb: {  	s0 =	sor.u32 s1, s0  }
0xbc: {  	s0 =	sadd.s32 $0x8F2B, s0  }
0xbd: {  	[sflag:s0] =	ssyncadd.remote.s32 $0x1  }
0xbe: {  	_ =	sfence.sel $0xFFFF  }
0xbf: {  	[dreg:$0x0] =	wrdreg $0xFFFFFFFF;
	(pc) =	sbr.abs _section_cstart, $3  }
0xc0: {  	[dreg:$0x1] =	wrdreg $0xFFFFFFFF  }
0xc1: {  	_ =	task.clear_ibuf [dreg:s7], $0x2FFFF;
	_ =	strace $0x9FFFFFFF  }
0xc2: {  	(tm) =	ssettm $0x7FFFFFFF  }
0xc3: {  	_ =	shalt  }
tec
execute0_lowered:
.L_overlay_start_1:
0x0: {  	(tag) =	ssettag $0x1  }
0x1: {  	s0 =	rddreg [dreg:$0x0]  }
0x2: {  	s2 =	rddreg [dreg:$0x1];
	s1 =	srdreg.scid  }
0x3: {  	s4 =	stileid.u32;
	s3 =	simm.s32 $0x0;
	s11 =	simm.s32 $0x80  }
0x4: {  	s13 =	simm.s32 $0x3;
	s23 =	simm.s32 $0xB400;
	s24 =	simm.s32 $0x300  }
0x5: {  	s25 =	simm.s32 $0xC400;
	s28 =	simm.s32 $0xD400;
	s29 =	simm.s32 $0x1  }
0x6: {  	s30 =	simm.s32 $0x16400;
	s31 =	simm.s32 $0x2;
	s1 =	sand.u32 $0x1, s1  }
0x7: {  	s4 =	sshll.u32 s4, $0x1;
	[smem:$0x7FF] =	sst s3;
	s8 =	sadd.s32 $0x2000, s2  }
0x8: {  	s9 =	sadd.s32 $0x3000, s2;
	s6 =	sor.u32 s1, s4;
	s1 =	ssub.s32 $0x2, s1  }
0x9: {  	v0 =	vlaneseq.u32;
	_ =	strace $0x80000047;
	s4 =	sshll.u32 s6, $0x4;
	s5 =	sshrl.u32 s1, $0x1  }
0xa: {  	v0 =	vmul.u32 $0x88, v0;
	s6 =	sshll.u32 s6, $0x7;
	s7 =	sadd.s32 s4, s0;
	s4 =	sadd.s32 $0xF42A00, s0  }
0xb: {  	s26 =	ssub.s32 s1, s5;
	s0 =	simm.s32 $0x0;
	s5 =	sadd.s32 $0x600, s7  }
0xc: {  	v1 =	vadd.s32 $0x880, v0;
	s7 =	sadd.s32 $0x1000, s2;
	s10 =	smax.u32 s26, $0x1;
	s26 =	simm.s32 $0x380  }
.LBB2_1:
0xd: {  	s1 =	simm.s32 $0x1000  }
0xe: {  	[tilespmem:s3], [sflag:$0x3] =	stream.strided.gather [hbm4b:s5+s11], $0x6400, s1, s11, $0x38;
	[tilespmem:$0x1EC00] =	vst v63  }
0xf: {  	_ =	swait.ge [sflag:s13], $0x6400  }
0x10: {  	[sflag:s13] =	ssyncset.done $0x0  }
0x11: {  	s15 =	simm.s32 $0x6400;
	[sflag:s13] =	ssyncadd.s32 $0xFFFF9C00  }
0x12: {  	[tilespmem:s15], [sflag:$0x1] =	stream.indirect.gather [hbm4b:s4+s11], $0x20, s3, s11, $0xb8;
	[tilespmem:$0x1EC00] =	vst v63  }
0x13: {  	s16 =	simm.s32 $0x7400  }
0x14: {  	[tilespmem:s16], [sflag:$0x1] =	stream.indirect.gather [hbm4b:s4+s11], $0x20, s11, s11, $0xb8;
	[tilespmem:$0x1EC00] =	vst v63  }
0x15: {  	s17 =	simm.s32 $0x100;
	s12 =	simm.s32 $0x8400  }
0x16: {  	[tilespmem:s12], [sflag:$0x1] =	stream.indirect.gather [hbm4b:s4+s11], $0x20, s17, s11, $0xb8;
	[tilespmem:$0x1EC00] =	vst v63  }
0x17: {  	s18 =	simm.s32 $0x180;
	s19 =	simm.s32 $0x9400  }
0x18: {  	[tilespmem:s19], [sflag:$0x1] =	stream.indirect.gather [hbm4b:s4+s11], $0x20, s18, s11, $0xb8;
	[tilespmem:$0x1EC00] =	vst v63  }
0x19: {  	s20 =	simm.s32 $0x200;
	s21 =	simm.s32 $0xA400  }
0x1a: {  	[tilespmem:s21], [sflag:$0x1] =	stream.indirect.gather [hbm4b:s4+s11], $0x20, s20, s11, $0xb8;
	[tilespmem:$0x1EC00] =	vst v63  }
0x1b: {  	s22 =	simm.s32 $0x280  }
0x1c: {  	[tilespmem:s23], [sflag:$0x1] =	stream.indirect.gather [hbm4b:s4+s11], $0x20, s22, s11, $0xb8;
	[tilespmem:$0x1EC00] =	vst v63  }
0x1d: {  	_ = 	snop  }
0x1e: {  	[tilespmem:s25], [sflag:$0x1] =	stream.indirect.gather [hbm4b:s4+s11], $0x20, s24, s11, $0xb8;
	[tilespmem:$0x1EC00] =	vst v63  }
0x1f: {  	p0 =	por $0x0, $0x0;
	s14 =	simm.s32 $0x0  }
0x20: {  	[tilespmem:s28], [sflag:$0x1] =	stream.indirect.gather [hbm4b:s4+s11], $0x20, s26, s11, $0xb8;
	[tilespmem:$0x1EC00] =	vst v63  }
.LBB2_3:
0x21: {  	_ =	swait.ge [sflag:s29], $0x1000  }
0x22: {  	[sflag:s29] =	ssyncset.done $0x0  }
0x23: {  	[sflag:s29] =	ssyncadd.s32 $0xFFFFF000  }
0x24: {  	_ =	swait.ge [sflag:s29], $0x1000  }
0x25: {  	[sflag:s29] =	ssyncset.done $0x0  }
0x26: {  	[sflag:s29] =	ssyncadd.s32 $0xFFFFF000  }
0x27: {  	_ =	swait.ge [sflag:s29], $0x1000  }
0x28: {  	[sflag:s29] =	ssyncset.done $0x0  }
0x29: {  	[sflag:s29] =	ssyncadd.s32 $0xFFFFF000  }
0x2a: {  	_ =	swait.ge [sflag:s29], $0x1000  }
0x2b: {  	[sflag:s29] =	ssyncset.done $0x0  }
0x2c: {  	[sflag:s29] =	ssyncadd.s32 $0xFFFFF000  }
0x2d: {  	_ =	swait.ge [sflag:s29], $0x1000  }
0x2e: {  	[sflag:s29] =	ssyncset.done $0x0  }
0x2f: {  	[sflag:s29] =	ssyncadd.s32 $0xFFFFF000  }
0x30: {  	_ =	swait.ge [sflag:s29], $0x1000  }
0x31: {  	[sflag:s29] =	ssyncset.done $0x0  }
0x32: {  	[sflag:s29] =	ssyncadd.s32 $0xFFFFF000  }
0x33: {  	_ =	swait.ge [sflag:s29], $0x1000  }
0x34: {  	s12 =	sand.u32 $0x1, s14;
	[sflag:s29] =	ssyncset.done $0x0  }
0x35: {  	p1 =	seq.s32 s14, $0x18;
	s1 =	sadd.s32 $0x1, s14;
	[sflag:s29] =	ssyncadd.s32 $0xFFFFF000  }
0x36: {  	s12 =	sshll.u32 @!p1 s12, $0xF;
	s15 =	sshll.u32 @!p1 s1, $0xA;
	_ =	swait.ge [sflag:s29], $0x1000  }
0x37: {  	s17 =	simm.s32 @!p1 $0x80;
	s12 =	sxor.u32 @!p1 $0x8000, s12;
	[sflag:s29] =	ssyncset.done $0x0  }
0x38: {  	s15 =	sand.u32 @!p1 $0x3FFFFC00, s15;
	s16 =	sor.u32 @!p1 $0x6400, s12;
	[sflag:s29] =	ssyncadd.s32 $0xFFFFF000  }
0x39: {  	[tilespmem:s16], [sflag:$0x1] =	stream.indirect.gather @!p1 [hbm4b:s4+s17], $0x20, s15, s17, $0xb8;
	[tilespmem:$0x1EC00] =	vst v63  }
0x3a: {  	s18 =	sor.u32 @!p1 $0x80, s15;
	s16 =	sor.u32 @!p1 $0x7400, s12  }
0x3b: {  	[tilespmem:s16], [sflag:$0x1] =	stream.indirect.gather @!p1 [hbm4b:s4+s17], $0x20, s18, s17, $0xb8;
	[tilespmem:$0x1EC00] =	vst v63  }
0x3c: {  	s16 =	sadd.s32 @!p1 $0x8400, s12;
	s18 =	sor.u32 @!p1 $0x100, s15  }
0x3d: {  	[tilespmem:s16], [sflag:$0x1] =	stream.indirect.gather @!p1 [hbm4b:s4+s17], $0x20, s18, s17, $0xb8;
	[tilespmem:$0x1EC00] =	vst v63  }
0x3e: {  	s16 =	sadd.s32 @!p1 $0x9400, s12;
	s18 =	sor.u32 @!p1 $0x180, s15  }
0x3f: {  	[tilespmem:s16], [sflag:$0x1] =	stream.indirect.gather @!p1 [hbm4b:s4+s17], $0x20, s18, s17, $0xb8;
	[tilespmem:$0x1EC00] =	vst v63  }
0x40: {  	s16 =	sadd.s32 @!p1 $0xA400, s12;
	s18 =	sor.u32 @!p1 $0x200, s15  }
0x41: {  	[tilespmem:s16], [sflag:$0x1] =	stream.indirect.gather @!p1 [hbm4b:s4+s17], $0x20, s18, s17, $0xb8;
	[tilespmem:$0x1EC00] =	vst v63  }
0x42: {  	s16 =	sadd.s32 @!p1 $0xB400, s12;
	s18 =	sor.u32 @!p1 $0x280, s15  }
0x43: {  	[tilespmem:s16], [sflag:$0x1] =	stream.indirect.gather @!p1 [hbm4b:s4+s17], $0x20, s18, s17, $0xb8;
	[tilespmem:$0x1EC00] =	vst v63  }
0x44: {  	s16 =	sadd.s32 @!p1 $0xC400, s12;
	s18 =	sor.u32 @!p1 $0x300, s15  }
0x45: {  	[tilespmem:s16], [sflag:$0x1] =	stream.indirect.gather @!p1 [hbm4b:s4+s17], $0x20, s18, s17, $0xb8;
	[tilespmem:$0x1EC00] =	vst v63  }
0x46: {  	p2 =	seq.s32 @!p1 s14, $0x0;
	s12 =	sadd.s32 @!p1 $0xD400, s12;
	s15 =	sor.u32 @!p1 $0x380, s15  }
0x47: {  	[tilespmem:s12], [sflag:$0x1] =	stream.indirect.gather @!p1 [hbm4b:s4+s17], $0x20, s15, s17, $0xb8;
	[tilespmem:$0x1EC00] =	vst v63  }
0x48: {  	p1 =	por p1, !p2  }
.Ltmp0:
0x49: {  	_ = 	snop;
	(pc) =	sbr.rel @!p1 .LBB2_5-.Ltmp0, $1  }
0x4a: {  	_ =	sdelay $0x3  }
0x4b: {  	_ =	swait.ge [sflag:s31], $0x400  }
0x4c: {  	[sflag:s31] =	ssyncset.done $0x0  }
0x4d: {  	[sflag:s31] =	ssyncadd.s32 $0xFFFFFC00  }
0x4e: {  	_ =	swait.ge [sflag:s31], $0x400  }
0x4f: {  	[sflag:s31] =	ssyncset.done $0x0  }
0x50: {  	[sflag:s31] =	ssyncadd.s32 $0xFFFFFC00  }
0x51: {  	_ =	swait.ge [sflag:s31], $0x400  }
0x52: {  	[sflag:s31] =	ssyncset.done $0x0  }
0x53: {  	[sflag:s31] =	ssyncadd.s32 $0xFFFFFC00  }
0x54: {  	_ =	swait.ge [sflag:s31], $0x400  }
0x55: {  	[sflag:s31] =	ssyncset.done $0x0  }
0x56: {  	[sflag:s31] =	ssyncadd.s32 $0xFFFFFC00  }
0x57: {  	_ =	swait.ge [sflag:s31], $0x400  }
0x58: {  	[sflag:s31] =	ssyncset.done $0x0  }
0x59: {  	[sflag:s31] =	ssyncadd.s32 $0xFFFFFC00  }
0x5a: {  	_ =	swait.ge [sflag:s31], $0x400  }
0x5b: {  	[sflag:s31] =	ssyncset.done $0x0  }
0x5c: {  	[sflag:s31] =	ssyncadd.s32 $0xFFFFFC00  }
0x5d: {  	_ =	swait.ge [sflag:s31], $0x400  }
0x5e: {  	[sflag:s31] =	ssyncset.done $0x0  }
0x5f: {  	[sflag:s31] =	ssyncadd.s32 $0xFFFFFC00  }
0x60: {  	_ =	swait.ge [sflag:s31], $0x400  }
0x61: {  	[sflag:s31] =	ssyncset.done $0x0  }
0x62: {  	[sflag:s31] =	ssyncadd.s32 $0xFFFFFC00  }
0x63: {  	_ =	swait.ge [sflag:s31], $0x400  }
0x64: {  	[sflag:s31] =	ssyncset.done $0x0  }
0x65: {  	[sflag:s31] =	ssyncadd.s32 $0xFFFFFC00  }
0x66: {  	_ =	swait.ge [sflag:s31], $0x400  }
0x67: {  	[sflag:s31] =	ssyncset.done $0x0  }
0x68: {  	[sflag:s31] =	ssyncadd.s32 $0xFFFFFC00  }
0x69: {  	_ =	swait.ge [sflag:s31], $0x400  }
0x6a: {  	[sflag:s31] =	ssyncset.done $0x0  }
0x6b: {  	[sflag:s31] =	ssyncadd.s32 $0xFFFFFC00  }
0x6c: {  	_ =	swait.ge [sflag:s31], $0x400  }
0x6d: {  	[sflag:s31] =	ssyncset.done $0x0  }
0x6e: {  	[sflag:s31] =	ssyncadd.s32 $0xFFFFFC00  }
0x6f: {  	_ =	swait.ge [sflag:s31], $0x400  }
0x70: {  	[sflag:s31] =	ssyncset.done $0x0  }
0x71: {  	[sflag:s31] =	ssyncadd.s32 $0xFFFFFC00  }
0x72: {  	_ =	swait.ge [sflag:s31], $0x400  }
0x73: {  	[sflag:s31] =	ssyncset.done $0x0  }
0x74: {  	[sflag:s31] =	ssyncadd.s32 $0xFFFFFC00  }
0x75: {  	_ =	swait.ge [sflag:s31], $0x400  }
0x76: {  	[sflag:s31] =	ssyncset.done $0x0  }
0x77: {  	[sflag:s31] =	ssyncadd.s32 $0xFFFFFC00  }
0x78: {  	_ =	swait.ge [sflag:s31], $0x400  }
0x79: {  	[sflag:s31] =	ssyncset.done $0x0  }
0x7a: {  	[sflag:s31] =	ssyncadd.s32 $0xFFFFFC00  }
0x7b: {  	_ =	swait.ge [sflag:s31], $0x400  }
0x7c: {  	[sflag:s31] =	ssyncset.done $0x0  }
0x7d: {  	[sflag:s31] =	ssyncadd.s32 $0xFFFFFC00  }
0x7e: {  	_ =	swait.ge [sflag:s31], $0x400  }
0x7f: {  	[sflag:s31] =	ssyncset.done $0x0  }
0x80: {  	[sflag:s31] =	ssyncadd.s32 $0xFFFFFC00  }
0x81: {  	_ =	swait.ge [sflag:s31], $0x400  }
0x82: {  	[sflag:s31] =	ssyncset.done $0x0  }
0x83: {  	[sflag:s31] =	ssyncadd.s32 $0xFFFFFC00  }
0x84: {  	_ =	swait.ge [sflag:s31], $0x400  }
0x85: {  	[sflag:s31] =	ssyncset.done $0x0  }
0x86: {  	[sflag:s31] =	ssyncadd.s32 $0xFFFFFC00  }
0x87: {  	_ =	swait.ge [sflag:s31], $0x400  }
0x88: {  	[sflag:s31] =	ssyncset.done $0x0  }
0x89: {  	[sflag:s31] =	ssyncadd.s32 $0xFFFFFC00  }
0x8a: {  	_ =	swait.ge [sflag:s31], $0x400  }
0x8b: {  	[sflag:s31] =	ssyncset.done $0x0  }
0x8c: {  	[sflag:s31] =	ssyncadd.s32 $0xFFFFFC00  }
0x8d: {  	_ =	swait.ge [sflag:s31], $0x400  }
0x8e: {  	[sflag:s31] =	ssyncset.done $0x0  }
0x8f: {  	[sflag:s31] =	ssyncadd.s32 $0xFFFFFC00  }
0x90: {  	_ =	swait.ge [sflag:s31], $0x400  }
0x91: {  	[sflag:s31] =	ssyncset.done $0x0  }
0x92: {  	[sflag:s31] =	ssyncadd.s32 $0xFFFFFC00  }
0x93: {  	_ =	swait.ge [sflag:s31], $0x400  }
0x94: {  	[sflag:s31] =	ssyncset.done $0x0  }
0x95: {  	[sflag:s31] =	ssyncadd.s32 $0xFFFFFC00  }
0x96: {  	_ =	swait.ge [sflag:s31], $0x400  }
0x97: {  	[sflag:s31] =	ssyncset.done $0x0  }
0x98: {  	[sflag:s31] =	ssyncadd.s32 $0xFFFFFC00  }
0x99: {  	_ =	swait.ge [sflag:s31], $0x400  }
0x9a: {  	[sflag:s31] =	ssyncset.done $0x0  }
0x9b: {  	[sflag:s31] =	ssyncadd.s32 $0xFFFFFC00  }
0x9c: {  	_ =	swait.ge [sflag:s31], $0x400  }
0x9d: {  	[sflag:s31] =	ssyncset.done $0x0  }
0x9e: {  	[sflag:s31] =	ssyncadd.s32 $0xFFFFFC00  }
0x9f: {  	_ =	swait.ge [sflag:s31], $0x400  }
0xa0: {  	[sflag:s31] =	ssyncset.done $0x0  }
0xa1: {  	[sflag:s31] =	ssyncadd.s32 $0xFFFFFC00  }
0xa2: {  	_ =	swait.ge [sflag:s31], $0x400  }
0xa3: {  	[sflag:s31] =	ssyncset.done $0x0  }
0xa4: {  	[sflag:s31] =	ssyncadd.s32 $0xFFFFFC00  }
0xa5: {  	_ =	swait.ge [sflag:s31], $0x400  }
0xa6: {  	[sflag:s31] =	ssyncset.done $0x0  }
0xa7: {  	[sflag:s31] =	ssyncadd.s32 $0xFFFFFC00  }
0xa8: {  	_ =	swait.ge [sflag:s31], $0x400  }
0xa9: {  	[sflag:s31] =	ssyncset.done $0x0  }
0xaa: {  	[sflag:s31] =	ssyncadd.s32 $0xFFFFFC00  }
.LBB2_5:
0xab: {  	s12 =	simm.s32 $0x1  }
0xac: {  	s12 =	simm.s32 @!p0 $0x0  }
0xad: {  	s14 =	sshll.u32 s14, $0x11;
	s15 =	simm.s32 $0x0;
	s12 =	sshll.u32 s12, $0xF  }
0xae: {  	s16 =	simm.s32 $0x0;
	s14 =	sor.u32 s6, s14;
	s12 =	sor.u32 $0x6500, s12  }
.LBB2_6:
0xaf: {  	s17 =	sshll.u32 s16, $0x2  }
0xb0: {  	v2 =	vmov s17  }
0xb1: {  	v2 =	vmul.u32 $0x440, v2;
	_ =	sdelay $0x1  }
0xb2: {  	v2 =	vbroadcast v2, $0x0;
	_ =	sdelay $0x1  }
0xb3: {  	v10 =	vadd.s32 v0, v2  }
0xb4: {  	s21 =	simm.s32 $0x8;
	v4 =	vld [tilespmem:s12+$0xFFFFFF00];
	v14 =	vadd.s32 s15, v10  }
0xb5: {  	v3 =	vld [tilespmem:s12+$0x0];
	v15 =	vadd.s32 s21, v10;
	_ =	sdelay $0x3  }
0xb6: {  	v11 =	vadd.s32 v1, v2;
	[tilespmem:v14+s30+$0x0] =	vst.idx.msk $0xffff, v4  }
0xb7: {  	v12 =	vadd.s32 s15, v11;
	[tilespmem:v15+s30+$0x0] =	vst.idx.msk $0xffff, v3;
	v3 =	vld [tilespmem:s12+$0xFFFFFF10]  }
0xb8: {  	v13 =	vadd.s32 s21, v11;
	v2 =	vld [tilespmem:s12+$0x10];
	_ =	sdelay $0x3  }
0xb9: {  	[tilespmem:v12+s30+$0x0] =	vst.idx.msk $0xffff, v3  }
0xba: {  	v5 =	vor.u32 $0x1, v14;
	[tilespmem:v13+s30+$0x0] =	vst.idx.msk $0xffff, v2;
	v4 =	vld [tilespmem:s12+$0xFFFFFF20]  }
0xbb: {  	v3 =	vor.u32 $0x1, v15;
	v2 =	vld [tilespmem:s12+$0x20];
	_ =	sdelay $0x3  }
0xbc: {  	[tilespmem:v5+s30+$0x0] =	vst.idx.msk $0xffff, v4  }
0xbd: {  	[tilespmem:v3+s30+$0x0] =	vst.idx.msk $0xffff, v2;
	v5 =	vor.u32 $0x1, v12;
	v4 =	vld [tilespmem:s12+$0xFFFFFF30]  }
0xbe: {  	v3 =	vor.u32 $0x1, v13;
	v2 =	vld [tilespmem:s12+$0x30];
	_ =	sdelay $0x3  }
0xbf: {  	[tilespmem:v5+s30+$0x0] =	vst.idx.msk $0xffff, v4  }
0xc0: {  	[tilespmem:v3+s30+$0x0] =	vst.idx.msk $0xffff, v2;
	v5 =	vor.u32 $0x2, v14;
	v4 =	vld [tilespmem:s12+$0xFFFFFF40]  }
0xc1: {  	v3 =	vor.u32 $0x2, v15;
	v2 =	vld [tilespmem:s12+$0x40];
	_ =	sdelay $0x2  }
0xc2: {  	s18 =	simm.s32 $0x18;
	s17 =	sadd.s32 $0x200, s12  }
0xc3: {  	s19 =	simm.s32 $0x10;
	v8 =	vld [tilespmem:s17+$0x0];
	[tilespmem:v5+s30+$0x0] =	vst.idx.msk $0xffff, v4;
	v4 =	vadd.s32 s18, v10  }
0xc4: {  	v9 =	vld [tilespmem:s17+$0xFFFFFF00];
	[tilespmem:v3+s30+$0x0] =	vst.idx.msk $0xffff, v2;
	v5 =	vadd.s32 s19, v10  }
0xc5: {  	v3 =	vor.u32 $0x2, v13;
	v2 =	vld [tilespmem:s12+$0x50]  }
0xc6: {  	v7 =	vor.u32 $0x2, v12;
	v6 =	vld [tilespmem:s12+$0xFFFFFF50];
	_ =	sdelay $0x1  }
0xc7: {  	[tilespmem:v4+s30+$0x0] =	vst.idx.msk $0xffff, v8  }
0xc8: {  	[tilespmem:v5+s30+$0x0] =	vst.idx.msk $0xffff, v9  }
0xc9: {  	[tilespmem:v3+s30+$0x0] =	vst.idx.msk $0xffff, v2;
	v9 =	vld [tilespmem:s17+$0x10];
	v2 =	vadd.s32 s18, v11  }
0xca: {  	[tilespmem:v7+s30+$0x0] =	vst.idx.msk $0xffff, v6;
	v17 =	vld [tilespmem:s17+$0xFFFFFF10];
	v3 =	vadd.s32 s19, v11  }
0xcb: {  	v16 =	vor.u32 $0x3, v14;
	v8 =	vld [tilespmem:s12+$0xFFFFFF60]  }
0xcc: {  	v7 =	vor.u32 $0x3, v15;
	v6 =	vld [tilespmem:s12+$0x60];
	_ =	sdelay $0x1  }
0xcd: {  	[tilespmem:v2+s30+$0x0] =	vst.idx.msk $0xffff, v9  }
0xce: {  	[tilespmem:v3+s30+$0x0] =	vst.idx.msk $0xffff, v17  }
0xcf: {  	v17 =	vor.u32 $0x1, v4;
	[tilespmem:v16+s30+$0x0] =	vst.idx.msk $0xffff, v8;
	v16 =	vld [tilespmem:s17+$0x20]  }
0xd0: {  	v19 =	vor.u32 $0x1, v5;
	[tilespmem:v7+s30+$0x0] =	vst.idx.msk $0xffff, v6;
	v18 =	vld [tilespmem:s17+$0xFFFFFF20]  }
0xd1: {  	v7 =	vor.u32 $0x3, v13;
	v6 =	vld [tilespmem:s12+$0x70]  }
0xd2: {  	v9 =	vor.u32 $0x3, v12;
	v8 =	vld [tilespmem:s12+$0xFFFFFF70];
	_ =	sdelay $0x1  }
0xd3: {  	[tilespmem:v17+s30+$0x0] =	vst.idx.msk $0xffff, v16  }
0xd4: {  	[tilespmem:v19+s30+$0x0] =	vst.idx.msk $0xffff, v18;
	v17 =	vor.u32 $0x1, v2;
	v16 =	vld [tilespmem:s17+$0x30]  }
0xd5: {  	v19 =	vor.u32 $0x1, v3;
	[tilespmem:v7+s30+$0x0] =	vst.idx.msk $0xffff, v6;
	v18 =	vld [tilespmem:s17+$0xFFFFFF30]  }
0xd6: {  	[tilespmem:v9+s30+$0x0] =	vst.idx.msk $0xffff, v8;
	v7 =	vor.u32 $0x4, v15;
	v6 =	vld [tilespmem:s12+$0x80]  }
0xd7: {  	v9 =	vor.u32 $0x4, v14;
	v8 =	vld [tilespmem:s12+$0xFFFFFF80];
	_ =	sdelay $0x1  }
0xd8: {  	[tilespmem:v17+s30+$0x0] =	vst.idx.msk $0xffff, v16  }
0xd9: {  	[tilespmem:v19+s30+$0x0] =	vst.idx.msk $0xffff, v18;
	v17 =	vor.u32 $0x2, v4;
	v16 =	vld [tilespmem:s17+$0x40]  }
0xda: {  	v19 =	vor.u32 $0x2, v5;
	[tilespmem:v7+s30+$0x0] =	vst.idx.msk $0xffff, v6;
	v18 =	vld [tilespmem:s17+$0xFFFFFF40]  }
0xdb: {  	[tilespmem:v9+s30+$0x0] =	vst.idx.msk $0xffff, v8;
	v7 =	vor.u32 $0x4, v13;
	v6 =	vld [tilespmem:s12+$0x90]  }
0xdc: {  	v9 =	vor.u32 $0x4, v12;
	v8 =	vld [tilespmem:s12+$0xFFFFFF90];
	_ =	sdelay $0x1  }
0xdd: {  	[tilespmem:v17+s30+$0x0] =	vst.idx.msk $0xffff, v16  }
0xde: {  	[tilespmem:v19+s30+$0x0] =	vst.idx.msk $0xffff, v18;
	v19 =	vor.u32 $0x2, v2;
	v18 =	vld [tilespmem:s17+$0x50]  }
0xdf: {  	v21 =	vor.u32 $0x2, v3;
	[tilespmem:v7+s30+$0x0] =	vst.idx.msk $0xffff, v6;
	v20 =	vld [tilespmem:s17+$0xFFFFFF50]  }
0xe0: {  	[tilespmem:v9+s30+$0x0] =	vst.idx.msk $0xffff, v8;
	v9 =	vor.u32 $0x5, v15;
	v8 =	vld [tilespmem:s12+$0xA0]  }
0xe1: {  	v17 =	vor.u32 $0x5, v14;
	v16 =	vld [tilespmem:s12+$0xFFFFFFA0]  }
0xe2: {  	s22 =	simm.s32 $0x28;
	s18 =	sadd.s32 $0x200, s17  }
0xe3: {  	s20 =	simm.s32 $0x20;
	v22 =	vld [tilespmem:s18+$0x0];
	v6 =	vadd.s32 s22, v10;
	[tilespmem:v19+s30+$0x0] =	vst.idx.msk $0xffff, v18  }
0xe4: {  	v23 =	vld [tilespmem:s18+$0xFFFFFF00];
	v7 =	vadd.s32 s20, v10;
	[tilespmem:v21+s30+$0x0] =	vst.idx.msk $0xffff, v20  }
0xe5: {  	v21 =	vor.u32 $0x3, v4;
	[tilespmem:v9+s30+$0x0] =	vst.idx.msk $0xffff, v8;
	v20 =	vld [tilespmem:s17+$0x60]  }
0xe6: {  	[tilespmem:v17+s30+$0x0] =	vst.idx.msk $0xffff, v16;
	v17 =	vor.u32 $0x5, v13;
	v16 =	vld [tilespmem:s12+$0xB0]  }
0xe7: {  	v19 =	vor.u32 $0x5, v12;
	v18 =	vld [tilespmem:s12+$0xFFFFFFB0]  }
0xe8: {  	v24 =	vor.u32 $0x3, v5;
	[tilespmem:v6+s30+$0x0] =	vst.idx.msk $0xffff, v22;
	v22 =	vld [tilespmem:s17+$0xFFFFFF60]  }
0xe9: {  	[tilespmem:v7+s30+$0x0] =	vst.idx.msk $0xffff, v23;
	v23 =	vld [tilespmem:s18+$0x10];
	v8 =	vadd.s32 s22, v11  }
0xea: {  	v25 =	vld [tilespmem:s18+$0xFFFFFF10];
	v9 =	vadd.s32 s20, v11;
	[tilespmem:v21+s30+$0x0] =	vst.idx.msk $0xffff, v20  }
0xeb: {  	v21 =	vor.u32 $0x3, v2;
	[tilespmem:v17+s30+$0x0] =	vst.idx.msk $0xffff, v16;
	v20 =	vld [tilespmem:s17+$0x70]  }
0xec: {  	[tilespmem:v19+s30+$0x0] =	vst.idx.msk $0xffff, v18;
	v17 =	vor.u32 $0x6, v15;
	v16 =	vld [tilespmem:s12+$0xC0]  }
0xed: {  	[tilespmem:v24+s30+$0x0] =	vst.idx.msk $0xffff, v22;
	v19 =	vor.u32 $0x6, v14;
	v18 =	vld [tilespmem:s12+$0xFFFFFFC0]  }
0xee: {  	[tilespmem:v8+s30+$0x0] =	vst.idx.msk $0xffff, v23;
	v23 =	vor.u32 $0x3, v3;
	v22 =	vld [tilespmem:s17+$0xFFFFFF70]  }
0xef: {  	[tilespmem:v9+s30+$0x0] =	vst.idx.msk $0xffff, v25;
	v25 =	vor.u32 $0x1, v6;
	v24 =	vld [tilespmem:s18+$0x20]  }
0xf0: {  	v27 =	vor.u32 $0x1, v7;
	v26 =	vld [tilespmem:s18+$0xFFFFFF20];
	[tilespmem:v21+s30+$0x0] =	vst.idx.msk $0xffff, v20  }
0xf1: {  	v21 =	vor.u32 $0x4, v4;
	[tilespmem:v17+s30+$0x0] =	vst.idx.msk $0xffff, v16;
	v20 =	vld [tilespmem:s17+$0x80]  }
0xf2: {  	[tilespmem:v19+s30+$0x0] =	vst.idx.msk $0xffff, v18;
	v17 =	vor.u32 $0x6, v13;
	v16 =	vld [tilespmem:s12+$0xD0]  }
0xf3: {  	[tilespmem:v23+s30+$0x0] =	vst.idx.msk $0xffff, v22;
	v19 =	vor.u32 $0x6, v12;
	v18 =	vld [tilespmem:s12+$0xFFFFFFD0]  }
0xf4: {  	[tilespmem:v25+s30+$0x0] =	vst.idx.msk $0xffff, v24  }
0xf5: {  	v23 =	vor.u32 $0x4, v5;
	[tilespmem:v27+s30+$0x0] =	vst.idx.msk $0xffff, v26;
	v22 =	vld [tilespmem:s17+$0xFFFFFF80]  }
0xf6: {  	v25 =	vor.u32 $0x1, v8;
	v24 =	vld [tilespmem:s18+$0x30];
	[tilespmem:v21+s30+$0x0] =	vst.idx.msk $0xffff, v20  }
0xf7: {  	v27 =	vor.u32 $0x1, v9;
	v26 =	vld [tilespmem:s18+$0xFFFFFF30];
	[tilespmem:v17+s30+$0x0] =	vst.idx.msk $0xffff, v16  }
0xf8: {  	[tilespmem:v19+s30+$0x0] =	vst.idx.msk $0xffff, v18;
	v18 =	vld [tilespmem:s17+$0x90];
	v19 =	vor.u32 $0x4, v2  }
0xf9: {  	v15 =	vor.u32 $0x7, v15;
	v16 =	vld [tilespmem:s12+$0xE0]  }
0xfa: {  	v14 =	vor.u32 $0x7, v14;
	[tilespmem:v23+s30+$0x0] =	vst.idx.msk $0xffff, v22;
	v17 =	vld [tilespmem:s12+$0xFFFFFFE0]  }
0xfb: {  	[tilespmem:v25+s30+$0x0] =	vst.idx.msk $0xffff, v24;
	v21 =	vor.u32 $0x4, v3;
	v20 =	vld [tilespmem:s17+$0xFFFFFF90]  }
0xfc: {  	[tilespmem:v27+s30+$0x0] =	vst.idx.msk $0xffff, v26  }
0xfd: {  	v23 =	vor.u32 $0x2, v6;
	v22 =	vld [tilespmem:s18+$0x40];
	[tilespmem:v19+s30+$0x0] =	vst.idx.msk $0xffff, v18  }
0xfe: {  	v25 =	vor.u32 $0x2, v7;
	v24 =	vld [tilespmem:s18+$0xFFFFFF40];
	[tilespmem:v15+s30+$0x0] =	vst.idx.msk $0xffff, v16  }
0xff: {  	v13 =	vor.u32 $0x7, v13;
	[tilespmem:v14+s30+$0x0] =	vst.idx.msk $0xffff, v17;
	v14 =	vld [tilespmem:s12+$0xF0]  }
0x100: {  	[tilespmem:v21+s30+$0x0] =	vst.idx.msk $0xffff, v20;
	v20 =	vor.u32 $0x7, v12;
	v17 =	vld [tilespmem:s12+$0xFFFFFFF0]  }
0x101: {  	v18 =	vor.u32 $0x5, v4;
	v15 =	vld [tilespmem:s17+$0xA0]  }
0x102: {  	[tilespmem:v23+s30+$0x0] =	vst.idx.msk $0xffff, v22;
	v19 =	vor.u32 $0x5, v5;
	v16 =	vld [tilespmem:s17+$0xFFFFFFA0]  }
0x103: {  	s21 =	simm.s32 $0x40;
	[tilespmem:v25+s30+$0x0] =	vst.idx.msk $0xffff, v24;
	v22 =	vor.u32 $0x2, v8;
	v21 =	vld [tilespmem:s18+$0x50]  }
0x104: {  	s19 =	sadd.s32 $0x200, s18;
	s20 =	simm.s32 $0x30;
	s22 =	simm.s32 $0x38;
	v24 =	vor.u32 $0x2, v9;
	v23 =	vld [tilespmem:s18+$0xFFFFFF50];
	[tilespmem:v13+s30+$0x0] =	vst.idx.msk $0xffff, v14  }
.LBB2_7:
0x105: {  	p1 =	slt.u32 s21, $0x70;
	v12 =	vld [tilespmem:s19+$0x0];
	v13 =	vadd.s32 s22, v10;
	[tilespmem:v20+s30+$0x0] =	vst.idx.msk $0xffff, v17  }
0x106: {  	v17 =	vadd.s32 s20, v10;
	v14 =	vld [tilespmem:s19+$0xFFFFFF00];
	[tilespmem:v18+s30+$0x0] =	vst.idx.msk $0xffff, v15  }
0x107: {  	[tilespmem:v19+s30+$0x0] =	vst.idx.msk $0xffff, v16;
	v15 =	vld [tilespmem:s17+$0xB0];
	v16 =	vor.u32 $0x5, v2  }
0x108: {  	v19 =	vor.u32 $0x5, v3;
	[tilespmem:v22+s30+$0x0] =	vst.idx.msk $0xffff, v21;
	v18 =	vld [tilespmem:s17+$0xFFFFFFB0]  }
0x109: {  	v21 =	vor.u32 $0x3, v6;
	[tilespmem:v24+s30+$0x0] =	vst.idx.msk $0xffff, v23;
	v20 =	vld [tilespmem:s18+$0x60]  }
0x10a: {  	v22 =	vor.u32 $0x3, v7;
	[tilespmem:v13+s30+$0x0] =	vst.idx.msk $0xffff, v12;
	v12 =	vld [tilespmem:s18+$0xFFFFFF60]  }
0x10b: {  	v23 =	vadd.s32 s22, v11;
	[tilespmem:v17+s30+$0x0] =	vst.idx.msk $0xffff, v14;
	v14 =	vld [tilespmem:s19+$0x10]  }
0x10c: {  	v25 =	vadd.s32 s20, v11;
	s20 =	smov.u32 s21;
	v24 =	vld [tilespmem:s19+$0xFFFFFF10];
	[tilespmem:v16+s30+$0x0] =	vst.idx.msk $0xffff, v15  }
0x10d: {  	v16 =	vor.u32 $0x6, v4;
	[tilespmem:v19+s30+$0x0] =	vst.idx.msk $0xffff, v18;
	v15 =	vld [tilespmem:s17+$0xC0]  }
0x10e: {  	v19 =	vor.u32 $0x6, v5;
	[tilespmem:v21+s30+$0x0] =	vst.idx.msk $0xffff, v20;
	v18 =	vld [tilespmem:s17+$0xFFFFFFC0]  }
0x10f: {  	v20 =	vor.u32 $0x3, v8;
	[tilespmem:v22+s30+$0x0] =	vst.idx.msk $0xffff, v12;
	v12 =	vld [tilespmem:s18+$0x70]  }
0x110: {  	v21 =	vor.u32 $0x3, v9;
	[tilespmem:v23+s30+$0x0] =	vst.idx.msk $0xffff, v14;
	v14 =	vld [tilespmem:s18+$0xFFFFFF70]  }
0x111: {  	[tilespmem:v25+s30+$0x0] =	vst.idx.msk $0xffff, v24;
	v22 =	vld [tilespmem:s19+$0x20];
	v24 =	vor.u32 $0x1, v13  }
0x112: {  	v27 =	vor.u32 $0x1, v17;
	v26 =	vld [tilespmem:s19+$0xFFFFFF20];
	[tilespmem:v16+s30+$0x0] =	vst.idx.msk $0xffff, v15  }
0x113: {  	v16 =	vor.u32 $0x6, v2;
	[tilespmem:v19+s30+$0x0] =	vst.idx.msk $0xffff, v18;
	v15 =	vld [tilespmem:s17+$0xD0]  }
0x114: {  	v18 =	vor.u32 $0x6, v3;
	[tilespmem:v20+s30+$0x0] =	vst.idx.msk $0xffff, v12;
	v12 =	vld [tilespmem:s17+$0xFFFFFFD0]  }
0x115: {  	v19 =	vor.u32 $0x4, v6;
	[tilespmem:v21+s30+$0x0] =	vst.idx.msk $0xffff, v14;
	v14 =	vld [tilespmem:s18+$0x80]  }
0x116: {  	v21 =	vor.u32 $0x4, v7;
	[tilespmem:v24+s30+$0x0] =	vst.idx.msk $0xffff, v22;
	v20 =	vld [tilespmem:s18+$0xFFFFFF80]  }
0x117: {  	v24 =	vor.u32 $0x1, v23;
	[tilespmem:v27+s30+$0x0] =	vst.idx.msk $0xffff, v26;
	v22 =	vld [tilespmem:s19+$0x30]  }
0x118: {  	v27 =	vor.u32 $0x1, v25;
	v26 =	vld [tilespmem:s19+$0xFFFFFF30];
	[tilespmem:v16+s30+$0x0] =	vst.idx.msk $0xffff, v15  }
0x119: {  	v15 =	vor.u32 $0x7, v4;
	v4 =	vmov v6;
	v6 =	vmov v13;
	[tilespmem:v18+s30+$0x0] =	vst.idx.msk $0xffff, v12;
	v12 =	vld [tilespmem:s17+$0xE0]  }
0x11a: {  	[tilespmem:v19+s30+$0x0] =	vst.idx.msk $0xffff, v14;
	v13 =	vld [tilespmem:s17+$0xFFFFFFE0];
	v14 =	vor.u32 $0x7, v5;
	v5 =	vmov v7;
	v7 =	vmov v17  }
0x11b: {  	v17 =	vor.u32 $0x4, v8;
	[tilespmem:v21+s30+$0x0] =	vst.idx.msk $0xffff, v20;
	v16 =	vld [tilespmem:s18+$0x90]  }
0x11c: {  	v19 =	vor.u32 $0x4, v9;
	[tilespmem:v24+s30+$0x0] =	vst.idx.msk $0xffff, v22;
	v18 =	vld [tilespmem:s18+$0xFFFFFF90]  }
0x11d: {  	v22 =	vor.u32 $0x2, v6;
	[tilespmem:v27+s30+$0x0] =	vst.idx.msk $0xffff, v26;
	v21 =	vld [tilespmem:s19+$0x40]  }
0x11e: {  	v26 =	vor.u32 $0x2, v7;
	v24 =	vld [tilespmem:s19+$0xFFFFFF40];
	[tilespmem:v15+s30+$0x0] =	vst.idx.msk $0xffff, v12  }
0x11f: {  	[tilespmem:v14+s30+$0x0] =	vst.idx.msk $0xffff, v13;
	v12 =	vld [tilespmem:s17+$0xF0];
	v13 =	vor.u32 $0x7, v2;
	v2 =	vmov v8;
	v8 =	vmov v23  }
.Ltmp1:
0x120: {  	v20 =	vor.u32 $0x7, v3;
	v3 =	vmov v9;
	v9 =	vmov v25;
	[tilespmem:v17+s30+$0x0] =	vst.idx.msk $0xffff, v16;
	v17 =	vld [tilespmem:s17+$0xFFFFFFF0];
	s17 =	smov.u32 s18;
	s18 =	smov.u32 s19;
	(pc) =	sbr.rel @p1 .LBB2_7-.Ltmp1, $4  }
0x121: {  	[tilespmem:v19+s30+$0x0] =	vst.idx.msk $0xffff, v18;
	v15 =	vld [tilespmem:s17+$0xA0];
	v18 =	vor.u32 $0x5, v4  }
0x122: {  	v19 =	vor.u32 $0x5, v5;
	[tilespmem:v22+s30+$0x0] =	vst.idx.msk $0xffff, v21;
	v16 =	vld [tilespmem:s17+$0xFFFFFFA0]  }
0x123: {  	v22 =	vor.u32 $0x2, v8;
	[tilespmem:v26+s30+$0x0] =	vst.idx.msk $0xffff, v24;
	v21 =	vld [tilespmem:s19+$0x50]  }
0x124: {  	s21 =	sadd.s32 $0x10, s21;
	s22 =	sadd.s32 $0x8, s20;
	v24 =	vor.u32 $0x2, v9;
	s19 =	sadd.s32 $0x200, s19;
	v23 =	vld [tilespmem:s18+$0xFFFFFF50];
	[tilespmem:v13+s30+$0x0] =	vst.idx.msk $0xffff, v12  }
0x125: {  	v12 =	vld [tilespmem:s19+$0x0];
	v14 =	vadd.s32 s22, v10  }
0x126: {  	v25 =	vld [tilespmem:s19+$0xFFFFFF00];
	v13 =	vadd.s32 s20, v10;
	_ =	sdelay $0x3  }
0x127: {  	[tilespmem:v14+s30+$0x0] =	vst.idx.msk $0xffff, v12  }
0x128: {  	[tilespmem:v13+s30+$0x0] =	vst.idx.msk $0xffff, v25;
	v12 =	vadd.s32 s22, v11;
	v32 =	vld [tilespmem:s19+$0x10]  }
0x129: {  	v10 =	vadd.s32 s20, v11;
	v26 =	vld [tilespmem:s19+$0xFFFFFF10];
	_ =	sdelay $0x3  }
0x12a: {  	[tilespmem:v12+s30+$0x0] =	vst.idx.msk $0xffff, v32  }
0x12b: {  	v34 =	vor.u32 $0x1, v14;
	[tilespmem:v10+s30+$0x0] =	vst.idx.msk $0xffff, v26;
	v33 =	vld [tilespmem:s19+$0x20]  }
0x12c: {  	v27 =	vor.u32 $0x1, v13;
	v26 =	vld [tilespmem:s19+$0xFFFFFF20];
	_ =	sdelay $0x3  }
0x12d: {  	[tilespmem:v34+s30+$0x0] =	vst.idx.msk $0xffff, v33  }
0x12e: {  	v35 =	vor.u32 $0x1, v12;
	[tilespmem:v27+s30+$0x0] =	vst.idx.msk $0xffff, v26;
	v11 =	vld [tilespmem:s19+$0x30]  }
0x12f: {  	v36 =	vor.u32 $0x1, v10;
	v26 =	vld [tilespmem:s19+$0xFFFFFF30];
	_ =	sdelay $0x3  }
0x130: {  	[tilespmem:v35+s30+$0x0] =	vst.idx.msk $0xffff, v11  }
0x131: {  	v37 =	vor.u32 $0x2, v14;
	[tilespmem:v36+s30+$0x0] =	vst.idx.msk $0xffff, v26;
	v11 =	vld [tilespmem:s19+$0x40]  }
0x132: {  	v38 =	vor.u32 $0x2, v13;
	v26 =	vld [tilespmem:s19+$0xFFFFFF40];
	_ =	sdelay $0x3  }
0x133: {  	[tilespmem:v37+s30+$0x0] =	vst.idx.msk $0xffff, v11  }
0x134: {  	v39 =	vor.u32 $0x2, v12;
	[tilespmem:v38+s30+$0x0] =	vst.idx.msk $0xffff, v26;
	v11 =	vld [tilespmem:s19+$0x50]  }
0x135: {  	v40 =	vor.u32 $0x2, v10;
	v26 =	vld [tilespmem:s19+$0xFFFFFF50];
	_ =	sdelay $0x1  }
0x136: {  	[tilespmem:v22+s30+$0x0] =	vst.idx.msk $0xffff, v21  }
0x137: {  	v41 =	vor.u32 $0x3, v6;
	[tilespmem:v24+s30+$0x0] =	vst.idx.msk $0xffff, v23;
	v21 =	vld [tilespmem:s18+$0x60]  }
0x138: {  	v42 =	vor.u32 $0x3, v7;
	v23 =	vld [tilespmem:s18+$0xFFFFFF60];
	[tilespmem:v39+s30+$0x0] =	vst.idx.msk $0xffff, v11  }
0x139: {  	v43 =	vor.u32 $0x3, v14;
	[tilespmem:v40+s30+$0x0] =	vst.idx.msk $0xffff, v26;
	v11 =	vld [tilespmem:s19+$0x60]  }
0x13a: {  	v44 =	vor.u32 $0x3, v13;
	v26 =	vld [tilespmem:s19+$0xFFFFFF60];
	_ =	sdelay $0x1  }
0x13b: {  	[tilespmem:v41+s30+$0x0] =	vst.idx.msk $0xffff, v21  }
0x13c: {  	v45 =	vor.u32 $0x3, v8;
	[tilespmem:v42+s30+$0x0] =	vst.idx.msk $0xffff, v23;
	v21 =	vld [tilespmem:s18+$0x70]  }
0x13d: {  	v46 =	vor.u32 $0x3, v9;
	v23 =	vld [tilespmem:s18+$0xFFFFFF70];
	[tilespmem:v43+s30+$0x0] =	vst.idx.msk $0xffff, v11  }
0x13e: {  	v47 =	vor.u32 $0x3, v12;
	[tilespmem:v44+s30+$0x0] =	vst.idx.msk $0xffff, v26;
	v11 =	vld [tilespmem:s19+$0x70]  }
0x13f: {  	v48 =	vor.u32 $0x3, v10;
	v26 =	vld [tilespmem:s19+$0xFFFFFF70];
	_ =	sdelay $0x1  }
0x140: {  	[tilespmem:v45+s30+$0x0] =	vst.idx.msk $0xffff, v21  }
0x141: {  	v49 =	vor.u32 $0x4, v6;
	[tilespmem:v46+s30+$0x0] =	vst.idx.msk $0xffff, v23;
	v21 =	vld [tilespmem:s18+$0x80]  }
0x142: {  	v50 =	vor.u32 $0x4, v7;
	v23 =	vld [tilespmem:s18+$0xFFFFFF80];
	[tilespmem:v47+s30+$0x0] =	vst.idx.msk $0xffff, v11  }
0x143: {  	v51 =	vor.u32 $0x4, v14;
	[tilespmem:v48+s30+$0x0] =	vst.idx.msk $0xffff, v26;
	v11 =	vld [tilespmem:s19+$0x80]  }
0x144: {  	v52 =	vor.u32 $0x4, v13;
	v26 =	vld [tilespmem:s19+$0xFFFFFF80];
	_ =	sdelay $0x1  }
0x145: {  	[tilespmem:v49+s30+$0x0] =	vst.idx.msk $0xffff, v21  }
0x146: {  	v53 =	vor.u32 $0x4, v8;
	[tilespmem:v50+s30+$0x0] =	vst.idx.msk $0xffff, v23;
	v21 =	vld [tilespmem:s18+$0x90]  }
0x147: {  	v54 =	vor.u32 $0x4, v9;
	v23 =	vld [tilespmem:s18+$0xFFFFFF90];
	[tilespmem:v51+s30+$0x0] =	vst.idx.msk $0xffff, v11  }
0x148: {  	v55 =	vor.u32 $0x4, v12;
	[tilespmem:v52+s30+$0x0] =	vst.idx.msk $0xffff, v26;
	v11 =	vld [tilespmem:s19+$0x90]  }
0x149: {  	v56 =	vor.u32 $0x4, v10;
	v26 =	vld [tilespmem:s19+$0xFFFFFF90]  }
0x14a: {  	[tilespmem:v20+s30+$0x0] =	vst.idx.msk $0xffff, v17  }
0x14b: {  	[tilespmem:v53+s30+$0x0] =	vst.idx.msk $0xffff, v21  }
0x14c: {  	v58 =	vor.u32 $0x5, v6;
	[tilespmem:v54+s30+$0x0] =	vst.idx.msk $0xffff, v23;
	v57 =	vld [tilespmem:s18+$0xA0]  }
0x14d: {  	v60 =	vor.u32 $0x5, v7;
	v59 =	vld [tilespmem:s18+$0xFFFFFFA0];
	[tilespmem:v55+s30+$0x0] =	vst.idx.msk $0xffff, v11  }
0x14e: {  	v61 =	vor.u32 $0x5, v14;
	[tilespmem:v56+s30+$0x0] =	vst.idx.msk $0xffff, v26;
	v11 =	vld [tilespmem:s19+$0xA0]  }
0x14f: {  	[tilespmem:v18+s30+$0x0] =	vst.idx.msk $0xffff, v15;
	v63 =	vor.u32 $0x5, v13;
	v62 =	vld [tilespmem:s19+$0xFFFFFFA0]  }
0x150: {  	v29 =	vor.u32 $0x5, v2;
	[tilespmem:v19+s30+$0x0] =	vst.idx.msk $0xffff, v16;
	v28 =	vld [tilespmem:s17+$0xB0]  }
0x151: {  	v31 =	vor.u32 $0x5, v3;
	v30 =	vld [tilespmem:s17+$0xFFFFFFB0];
	[tilespmem:v58+s30+$0x0] =	vst.idx.msk $0xffff, v57  }
0x152: {  	v32 =	vor.u32 $0x5, v8;
	[tilespmem:v60+s30+$0x0] =	vst.idx.msk $0xffff, v59;
	v17 =	vld [tilespmem:s18+$0xB0]  }
0x153: {  	v33 =	vor.u32 $0x5, v9;
	v21 =	vld [tilespmem:s18+$0xFFFFFFB0];
	[tilespmem:v61+s30+$0x0] =	vst.idx.msk $0xffff, v11  }
0x154: {  	v34 =	vor.u32 $0x5, v12;
	[tilespmem:v63+s30+$0x0] =	vst.idx.msk $0xffff, v62;
	v11 =	vld [tilespmem:s19+$0xB0]  }
0x155: {  	[tilespmem:v29+s30+$0x0] =	vst.idx.msk $0xffff, v28;
	v36 =	vor.u32 $0x5, v10;
	v35 =	vld [tilespmem:s19+$0xFFFFFFB0]  }
0x156: {  	[tilespmem:v31+s30+$0x0] =	vst.idx.msk $0xffff, v30;
	v19 =	vld [tilespmem:s17+$0xC0];
	v37 =	vor.u32 $0x6, v4  }
0x157: {  	v24 =	vld [tilespmem:s17+$0xFFFFFFC0];
	v38 =	vor.u32 $0x6, v5;
	[tilespmem:v32+s30+$0x0] =	vst.idx.msk $0xffff, v17  }
0x158: {  	v39 =	vor.u32 $0x6, v6;
	[tilespmem:v33+s30+$0x0] =	vst.idx.msk $0xffff, v21;
	v17 =	vld [tilespmem:s18+$0xC0]  }
0x159: {  	v40 =	vor.u32 $0x6, v7;
	v21 =	vld [tilespmem:s18+$0xFFFFFFC0];
	[tilespmem:v34+s30+$0x0] =	vst.idx.msk $0xffff, v11  }
0x15a: {  	v41 =	vor.u32 $0x6, v14;
	[tilespmem:v36+s30+$0x0] =	vst.idx.msk $0xffff, v35;
	v11 =	vld [tilespmem:s19+$0xC0]  }
0x15b: {  	v42 =	vor.u32 $0x6, v13;
	[tilespmem:v37+s30+$0x0] =	vst.idx.msk $0xffff, v19;
	v16 =	vld [tilespmem:s19+$0xFFFFFFC0]  }
0x15c: {  	[tilespmem:v38+s30+$0x0] =	vst.idx.msk $0xffff, v24;
	v19 =	vld [tilespmem:s17+$0xD0];
	v43 =	vor.u32 $0x6, v2  }
0x15d: {  	v24 =	vld [tilespmem:s17+$0xFFFFFFD0];
	v44 =	vor.u32 $0x6, v3;
	[tilespmem:v39+s30+$0x0] =	vst.idx.msk $0xffff, v17  }
0x15e: {  	v45 =	vor.u32 $0x6, v8;
	[tilespmem:v40+s30+$0x0] =	vst.idx.msk $0xffff, v21;
	v17 =	vld [tilespmem:s18+$0xD0]  }
0x15f: {  	v46 =	vor.u32 $0x6, v9;
	v21 =	vld [tilespmem:s18+$0xFFFFFFD0];
	[tilespmem:v41+s30+$0x0] =	vst.idx.msk $0xffff, v11  }
0x160: {  	v47 =	vor.u32 $0x6, v12;
	[tilespmem:v42+s30+$0x0] =	vst.idx.msk $0xffff, v16;
	v11 =	vld [tilespmem:s19+$0xD0]  }
0x161: {  	[tilespmem:v43+s30+$0x0] =	vst.idx.msk $0xffff, v19;
	v48 =	vor.u32 $0x6, v10;
	v16 =	vld [tilespmem:s19+$0xFFFFFFD0]  }
0x162: {  	v49 =	vor.u32 $0x7, v4;
	[tilespmem:v44+s30+$0x0] =	vst.idx.msk $0xffff, v24;
	v19 =	vld [tilespmem:s17+$0xE0]  }
0x163: {  	v50 =	vld [tilespmem:s17+$0xFFFFFFE0];
	[tilespmem:v45+s30+$0x0] =	vst.idx.msk $0xffff, v17;
	v51 =	vor.u32 $0x7, v5  }
0x164: {  	[tilespmem:v46+s30+$0x0] =	vst.idx.msk $0xffff, v21;
	v17 =	vld [tilespmem:s18+$0xE0];
	v52 =	vor.u32 $0x7, v6  }
0x165: {  	v54 =	vor.u32 $0x7, v7;
	v53 =	vld [tilespmem:s18+$0xFFFFFFE0];
	[tilespmem:v47+s30+$0x0] =	vst.idx.msk $0xffff, v11  }
0x166: {  	v14 =	vor.u32 $0x7, v14;
	[tilespmem:v48+s30+$0x0] =	vst.idx.msk $0xffff, v16;
	v11 =	vld [tilespmem:s19+$0xE0]  }
0x167: {  	v13 =	vor.u32 $0x7, v13;
	[tilespmem:v49+s30+$0x0] =	vst.idx.msk $0xffff, v19;
	v55 =	vld [tilespmem:s19+$0xFFFFFFE0]  }
0x168: {  	v2 =	vor.u32 $0x7, v2;
	[tilespmem:v51+s30+$0x0] =	vst.idx.msk $0xffff, v50;
	v56 =	vld [tilespmem:s17+$0xF0]  }
0x169: {  	v3 =	vor.u32 $0x7, v3;
	[tilespmem:v52+s30+$0x0] =	vst.idx.msk $0xffff, v17;
	v57 =	vld [tilespmem:s17+$0xFFFFFFF0]  }
0x16a: {  	v58 =	vor.u32 $0x7, v8;
	[tilespmem:v54+s30+$0x0] =	vst.idx.msk $0xffff, v53;
	v6 =	vld [tilespmem:s18+$0xF0]  }
0x16b: {  	v60 =	vor.u32 $0x7, v9;
	v59 =	vld [tilespmem:s18+$0xFFFFFFF0];
	[tilespmem:v14+s30+$0x0] =	vst.idx.msk $0xffff, v11  }
0x16c: {  	v62 =	vor.u32 $0x7, v12;
	[tilespmem:v13+s30+$0x0] =	vst.idx.msk $0xffff, v55;
	v61 =	vld [tilespmem:s19+$0xF0]  }
0x16d: {  	[tilespmem:v2+s30+$0x0] =	vst.idx.msk $0xffff, v56;
	v63 =	vor.u32 $0x7, v10;
	v2 =	vld [tilespmem:s19+$0xFFFFFFF0]  }
0x16e: {  	[tilespmem:v3+s30+$0x0] =	vst.idx.msk $0xffff, v57  }
0x16f: {  	[tilespmem:v58+s30+$0x0] =	vst.idx.msk $0xffff, v6;
	s19 =	smul.u32 $0x4400, s16  }
0x170: {  	s20 =	sshll.u32 s16, $0xE;
	[tilespmem:v60+s30+$0x0] =	vst.idx.msk $0xffff, v59  }
0x171: {  	s18 =	sadd.s32 s14, s20;
	s17 =	sshra.s32 s19, $0x2;
	[tilespmem:v62+s30+$0x0] =	vst.idx.msk $0xffff, v61  }
0x172: {  	s19 =	sadd.s32 s2, s18;
	s21 =	sadd.s32 $0x16400, s17;
	[tilespmem:v63+s30+$0x0] =	vst.idx.msk $0xffff, v2  }
0x173: {  	[hbm4b:s19+s3] =	stream.linear.scatter [tilespmem:s21], [sflag:$0x2], $0x80, $0x38;
	[tilespmem:$0x1EC00] =	vst v63  }
0x174: {  	s22 =	sadd.s32 $0x16488, s17;
	s21 =	sadd.s32 $0x10, s19  }
0x175: {  	[hbm4b:s21+s3] =	stream.linear.scatter [tilespmem:s22], [sflag:$0x2], $0x80, $0x38;
	[tilespmem:$0x1EC00] =	vst v63  }
0x176: {  	s21 =	sadd.s32 $0x16510, s17;
	s22 =	sadd.s32 $0x20, s19  }
0x177: {  	[hbm4b:s22+s3] =	stream.linear.scatter [tilespmem:s21], [sflag:$0x2], $0x80, $0x38;
	[tilespmem:$0x1EC00] =	vst v63  }
0x178: {  	s21 =	sadd.s32 $0x16598, s17;
	s22 =	sadd.s32 $0x30, s19  }
0x179: {  	[hbm4b:s22+s3] =	stream.linear.scatter [tilespmem:s21], [sflag:$0x2], $0x80, $0x38;
	[tilespmem:$0x1EC00] =	vst v63  }
0x17a: {  	s21 =	sadd.s32 $0x16620, s17;
	s22 =	sadd.s32 $0x40, s19  }
0x17b: {  	[hbm4b:s22+s3] =	stream.linear.scatter [tilespmem:s21], [sflag:$0x2], $0x80, $0x38;
	[tilespmem:$0x1EC00] =	vst v63  }
0x17c: {  	s21 =	sadd.s32 $0x166A8, s17;
	s22 =	sadd.s32 $0x50, s19  }
0x17d: {  	[hbm4b:s22+s3] =	stream.linear.scatter [tilespmem:s21], [sflag:$0x2], $0x80, $0x38;
	[tilespmem:$0x1EC00] =	vst v63  }
0x17e: {  	s21 =	sadd.s32 $0x16730, s17;
	s22 =	sadd.s32 $0x60, s19  }
0x17f: {  	[hbm4b:s22+s3] =	stream.linear.scatter [tilespmem:s21], [sflag:$0x2], $0x80, $0x38;
	[tilespmem:$0x1EC00] =	vst v63  }
0x180: {  	s19 =	sadd.s32 $0x70, s19;
	s21 =	sadd.s32 $0x167B8, s17  }
0x181: {  	[hbm4b:s19+s3] =	stream.linear.scatter [tilespmem:s21], [sflag:$0x2], $0x80, $0x38;
	[tilespmem:$0x1EC00] =	vst v63  }
0x182: {  	s22 =	sadd.s32 $0x16840, s17;
	s19 =	sadd.s32 s18, s7  }
0x183: {  	[hbm4b:s19+s3] =	stream.linear.scatter [tilespmem:s22], [sflag:$0x2], $0x80, $0x38;
	[tilespmem:$0x1EC00] =	vst v63  }
0x184: {  	s21 =	sadd.s32 $0x168C8, s17;
	s22 =	sadd.s32 $0x10, s19  }
0x185: {  	[hbm4b:s22+s3] =	stream.linear.scatter [tilespmem:s21], [sflag:$0x2], $0x80, $0x38;
	[tilespmem:$0x1EC00] =	vst v63  }
0x186: {  	s21 =	sadd.s32 $0x16950, s17;
	s22 =	sadd.s32 $0x20, s19  }
0x187: {  	[hbm4b:s22+s3] =	stream.linear.scatter [tilespmem:s21], [sflag:$0x2], $0x80, $0x38;
	[tilespmem:$0x1EC00] =	vst v63  }
0x188: {  	s21 =	sadd.s32 $0x169D8, s17;
	s22 =	sadd.s32 $0x30, s19  }
0x189: {  	[hbm4b:s22+s3] =	stream.linear.scatter [tilespmem:s21], [sflag:$0x2], $0x80, $0x38;
	[tilespmem:$0x1EC00] =	vst v63  }
0x18a: {  	s21 =	sadd.s32 $0x16A60, s17;
	s22 =	sadd.s32 $0x40, s19  }
0x18b: {  	[hbm4b:s22+s3] =	stream.linear.scatter [tilespmem:s21], [sflag:$0x2], $0x80, $0x38;
	[tilespmem:$0x1EC00] =	vst v63  }
0x18c: {  	s21 =	sadd.s32 $0x16AE8, s17;
	s22 =	sadd.s32 $0x50, s19  }
0x18d: {  	[hbm4b:s22+s3] =	stream.linear.scatter [tilespmem:s21], [sflag:$0x2], $0x80, $0x38;
	[tilespmem:$0x1EC00] =	vst v63  }
0x18e: {  	s21 =	sadd.s32 $0x16B70, s17;
	s22 =	sadd.s32 $0x60, s19  }
0x18f: {  	[hbm4b:s22+s3] =	stream.linear.scatter [tilespmem:s21], [sflag:$0x2], $0x80, $0x38;
	[tilespmem:$0x1EC00] =	vst v63  }
0x190: {  	s19 =	sadd.s32 $0x70, s19;
	s21 =	sadd.s32 $0x16BF8, s17  }
0x191: {  	[hbm4b:s19+s3] =	stream.linear.scatter [tilespmem:s21], [sflag:$0x2], $0x80, $0x38;
	[tilespmem:$0x1EC00] =	vst v63  }
0x192: {  	s22 =	sadd.s32 $0x16C80, s17;
	s19 =	sadd.s32 s18, s8  }
0x193: {  	[hbm4b:s19+s3] =	stream.linear.scatter [tilespmem:s22], [sflag:$0x2], $0x80, $0x38;
	[tilespmem:$0x1EC00] =	vst v63  }
0x194: {  	s21 =	sadd.s32 $0x16D08, s17;
	s22 =	sadd.s32 $0x10, s19  }
0x195: {  	[hbm4b:s22+s3] =	stream.linear.scatter [tilespmem:s21], [sflag:$0x2], $0x80, $0x38;
	[tilespmem:$0x1EC00] =	vst v63  }
0x196: {  	s21 =	sadd.s32 $0x16D90, s17;
	s22 =	sadd.s32 $0x20, s19  }
0x197: {  	[hbm4b:s22+s3] =	stream.linear.scatter [tilespmem:s21], [sflag:$0x2], $0x80, $0x38;
	[tilespmem:$0x1EC00] =	vst v63  }
0x198: {  	s21 =	sadd.s32 $0x16E18, s17;
	s22 =	sadd.s32 $0x30, s19  }
0x199: {  	[hbm4b:s22+s3] =	stream.linear.scatter [tilespmem:s21], [sflag:$0x2], $0x80, $0x38;
	[tilespmem:$0x1EC00] =	vst v63  }
0x19a: {  	s21 =	sadd.s32 $0x16EA0, s17;
	s22 =	sadd.s32 $0x40, s19  }
0x19b: {  	[hbm4b:s22+s3] =	stream.linear.scatter [tilespmem:s21], [sflag:$0x2], $0x80, $0x38;
	[tilespmem:$0x1EC00] =	vst v63  }
0x19c: {  	s21 =	sadd.s32 $0x16F28, s17;
	s22 =	sadd.s32 $0x50, s19  }
0x19d: {  	[hbm4b:s22+s3] =	stream.linear.scatter [tilespmem:s21], [sflag:$0x2], $0x80, $0x38;
	[tilespmem:$0x1EC00] =	vst v63  }
0x19e: {  	s21 =	sadd.s32 $0x16FB0, s17;
	s22 =	sadd.s32 $0x60, s19  }
0x19f: {  	[hbm4b:s22+s3] =	stream.linear.scatter [tilespmem:s21], [sflag:$0x2], $0x80, $0x38;
	[tilespmem:$0x1EC00] =	vst v63  }
0x1a0: {  	s19 =	sadd.s32 $0x70, s19;
	s22 =	sadd.s32 $0x17038, s17  }
0x1a1: {  	[hbm4b:s19+s3] =	stream.linear.scatter [tilespmem:s22], [sflag:$0x2], $0x80, $0x38;
	[tilespmem:$0x1EC00] =	vst v63  }
0x1a2: {  	s20 =	sadd.s32 $0x170C0, s17;
	s18 =	sadd.s32 s18, s9  }
0x1a3: {  	[hbm4b:s18+s3] =	stream.linear.scatter [tilespmem:s20], [sflag:$0x2], $0x80, $0x38;
	[tilespmem:$0x1EC00] =	vst v63  }
0x1a4: {  	s21 =	sadd.s32 $0x17148, s17;
	s22 =	sadd.s32 $0x10, s18  }
0x1a5: {  	[hbm4b:s22+s3] =	stream.linear.scatter [tilespmem:s21], [sflag:$0x2], $0x80, $0x38;
	[tilespmem:$0x1EC00] =	vst v63  }
0x1a6: {  	s21 =	sadd.s32 $0x171D0, s17;
	s22 =	sadd.s32 $0x20, s18  }
0x1a7: {  	[hbm4b:s22+s3] =	stream.linear.scatter [tilespmem:s21], [sflag:$0x2], $0x80, $0x38;
	[tilespmem:$0x1EC00] =	vst v63  }
0x1a8: {  	s21 =	sadd.s32 $0x17258, s17;
	s22 =	sadd.s32 $0x30, s18  }
0x1a9: {  	[hbm4b:s22+s3] =	stream.linear.scatter [tilespmem:s21], [sflag:$0x2], $0x80, $0x38;
	[tilespmem:$0x1EC00] =	vst v63  }
0x1aa: {  	s16 =	sadd.s32 $0x1, s16;
	s21 =	sadd.s32 $0x172E0, s17;
	s22 =	sadd.s32 $0x40, s18  }
0x1ab: {  	[hbm4b:s22+s3] =	stream.linear.scatter [tilespmem:s21], [sflag:$0x2], $0x80, $0x38;
	[tilespmem:$0x1EC00] =	vst v63  }
0x1ac: {  	p1 =	seq.s32 s16, $0x8;
	s21 =	sadd.s32 $0x17368, s17;
	s22 =	sadd.s32 $0x50, s18  }
0x1ad: {  	[hbm4b:s22+s3] =	stream.linear.scatter [tilespmem:s21], [sflag:$0x2], $0x80, $0x38;
	[tilespmem:$0x1EC00] =	vst v63  }
.Ltmp2:
0x1ae: {  	_ = 	snop;
	(pc) =	sbr.rel @!p1 .LBB2_6-.Ltmp2, $4  }
0x1af: {  	s21 =	sadd.s32 $0x173F0, s17;
	s22 =	sadd.s32 $0x60, s18  }
0x1b0: {  	[hbm4b:s22+s3] =	stream.linear.scatter [tilespmem:s21], [sflag:$0x2], $0x80, $0x38;
	[tilespmem:$0x1EC00] =	vst v63  }
0x1b1: {  	s12 =	sadd.s32 $0x1000, s12;
	s17 =	sadd.s32 $0x17478, s17;
	s18 =	sadd.s32 $0x70, s18  }
0x1b2: {  	[hbm4b:s18+s3] =	stream.linear.scatter [tilespmem:s17], [sflag:$0x2], $0x80, $0x38;
	[tilespmem:$0x1EC00] =	vst v63  }
0x1b3: {  	p1 =	seq.s32 s1, $0x19  }
.Ltmp3:
0x1b4: {  	_ = 	snop;
	(pc) =	sbr.rel @!p1 .LBB2_3-.Ltmp3, $2  }
0x1b5: {  	_ =	sdelay $0x2  }
0x1b6: {  	p0 =	por !p0, !p0;
	s14 =	smov.u32 s1  }
0x1b7: {  	_ =	swait.ge [sflag:s31], $0x400  }
0x1b8: {  	[sflag:s31] =	ssyncset.done $0x0  }
0x1b9: {  	[sflag:s31] =	ssyncadd.s32 $0xFFFFFC00  }
0x1ba: {  	_ =	swait.ge [sflag:s31], $0x400  }
0x1bb: {  	[sflag:s31] =	ssyncset.done $0x0  }
0x1bc: {  	[sflag:s31] =	ssyncadd.s32 $0xFFFFFC00  }
0x1bd: {  	_ =	swait.ge [sflag:s31], $0x400  }
0x1be: {  	[sflag:s31] =	ssyncset.done $0x0  }
0x1bf: {  	[sflag:s31] =	ssyncadd.s32 $0xFFFFFC00  }
0x1c0: {  	_ =	swait.ge [sflag:s31], $0x400  }
0x1c1: {  	[sflag:s31] =	ssyncset.done $0x0  }
0x1c2: {  	[sflag:s31] =	ssyncadd.s32 $0xFFFFFC00  }
0x1c3: {  	_ =	swait.ge [sflag:s31], $0x400  }
0x1c4: {  	[sflag:s31] =	ssyncset.done $0x0  }
0x1c5: {  	[sflag:s31] =	ssyncadd.s32 $0xFFFFFC00  }
0x1c6: {  	_ =	swait.ge [sflag:s31], $0x400  }
0x1c7: {  	[sflag:s31] =	ssyncset.done $0x0  }
0x1c8: {  	[sflag:s31] =	ssyncadd.s32 $0xFFFFFC00  }
0x1c9: {  	_ =	swait.ge [sflag:s31], $0x400  }
0x1ca: {  	[sflag:s31] =	ssyncset.done $0x0  }
0x1cb: {  	[sflag:s31] =	ssyncadd.s32 $0xFFFFFC00  }
0x1cc: {  	_ =	swait.ge [sflag:s31], $0x400  }
0x1cd: {  	[sflag:s31] =	ssyncset.done $0x0  }
0x1ce: {  	[sflag:s31] =	ssyncadd.s32 $0xFFFFFC00  }
0x1cf: {  	_ =	swait.ge [sflag:s31], $0x400  }
0x1d0: {  	[sflag:s31] =	ssyncset.done $0x0  }
0x1d1: {  	[sflag:s31] =	ssyncadd.s32 $0xFFFFFC00  }
0x1d2: {  	_ =	swait.ge [sflag:s31], $0x400  }
0x1d3: {  	[sflag:s31] =	ssyncset.done $0x0  }
0x1d4: {  	[sflag:s31] =	ssyncadd.s32 $0xFFFFFC00  }
0x1d5: {  	_ =	swait.ge [sflag:s31], $0x400  }
0x1d6: {  	[sflag:s31] =	ssyncset.done $0x0  }
0x1d7: {  	[sflag:s31] =	ssyncadd.s32 $0xFFFFFC00  }
0x1d8: {  	_ =	swait.ge [sflag:s31], $0x400  }
0x1d9: {  	[sflag:s31] =	ssyncset.done $0x0  }
0x1da: {  	[sflag:s31] =	ssyncadd.s32 $0xFFFFFC00  }
0x1db: {  	_ =	swait.ge [sflag:s31], $0x400  }
0x1dc: {  	[sflag:s31] =	ssyncset.done $0x0  }
0x1dd: {  	[sflag:s31] =	ssyncadd.s32 $0xFFFFFC00  }
0x1de: {  	_ =	swait.ge [sflag:s31], $0x400  }
0x1df: {  	[sflag:s31] =	ssyncset.done $0x0  }
0x1e0: {  	[sflag:s31] =	ssyncadd.s32 $0xFFFFFC00  }
0x1e1: {  	_ =	swait.ge [sflag:s31], $0x400  }
0x1e2: {  	[sflag:s31] =	ssyncset.done $0x0  }
0x1e3: {  	[sflag:s31] =	ssyncadd.s32 $0xFFFFFC00  }
0x1e4: {  	_ =	swait.ge [sflag:s31], $0x400  }
0x1e5: {  	[sflag:s31] =	ssyncset.done $0x0  }
0x1e6: {  	[sflag:s31] =	ssyncadd.s32 $0xFFFFFC00  }
0x1e7: {  	_ =	swait.ge [sflag:s31], $0x400  }
0x1e8: {  	[sflag:s31] =	ssyncset.done $0x0  }
0x1e9: {  	[sflag:s31] =	ssyncadd.s32 $0xFFFFFC00  }
0x1ea: {  	_ =	swait.ge [sflag:s31], $0x400  }
0x1eb: {  	[sflag:s31] =	ssyncset.done $0x0  }
0x1ec: {  	[sflag:s31] =	ssyncadd.s32 $0xFFFFFC00  }
0x1ed: {  	_ =	swait.ge [sflag:s31], $0x400  }
0x1ee: {  	[sflag:s31] =	ssyncset.done $0x0  }
0x1ef: {  	[sflag:s31] =	ssyncadd.s32 $0xFFFFFC00  }
0x1f0: {  	_ =	swait.ge [sflag:s31], $0x400  }
0x1f1: {  	[sflag:s31] =	ssyncset.done $0x0  }
0x1f2: {  	[sflag:s31] =	ssyncadd.s32 $0xFFFFFC00  }
0x1f3: {  	_ =	swait.ge [sflag:s31], $0x400  }
0x1f4: {  	[sflag:s31] =	ssyncset.done $0x0  }
0x1f5: {  	[sflag:s31] =	ssyncadd.s32 $0xFFFFFC00  }
0x1f6: {  	_ =	swait.ge [sflag:s31], $0x400  }
0x1f7: {  	[sflag:s31] =	ssyncset.done $0x0  }
0x1f8: {  	[sflag:s31] =	ssyncadd.s32 $0xFFFFFC00  }
0x1f9: {  	_ =	swait.ge [sflag:s31], $0x400  }
0x1fa: {  	[sflag:s31] =	ssyncset.done $0x0  }
0x1fb: {  	[sflag:s31] =	ssyncadd.s32 $0xFFFFFC00  }
0x1fc: {  	_ =	swait.ge [sflag:s31], $0x400  }
0x1fd: {  	[sflag:s31] =	ssyncset.done $0x0  }
0x1fe: {  	[sflag:s31] =	ssyncadd.s32 $0xFFFFFC00  }
0x1ff: {  	_ =	swait.ge [sflag:s31], $0x400  }
0x200: {  	[sflag:s31] =	ssyncset.done $0x0  }
0x201: {  	[sflag:s31] =	ssyncadd.s32 $0xFFFFFC00  }
0x202: {  	_ =	swait.ge [sflag:s31], $0x400  }
0x203: {  	[sflag:s31] =	ssyncset.done $0x0  }
0x204: {  	[sflag:s31] =	ssyncadd.s32 $0xFFFFFC00  }
0x205: {  	_ =	swait.ge [sflag:s31], $0x400  }
0x206: {  	[sflag:s31] =	ssyncset.done $0x0  }
0x207: {  	[sflag:s31] =	ssyncadd.s32 $0xFFFFFC00  }
0x208: {  	_ =	swait.ge [sflag:s31], $0x400  }
0x209: {  	[sflag:s31] =	ssyncset.done $0x0  }
0x20a: {  	[sflag:s31] =	ssyncadd.s32 $0xFFFFFC00  }
0x20b: {  	_ =	swait.ge [sflag:s31], $0x400  }
0x20c: {  	[sflag:s31] =	ssyncset.done $0x0  }
0x20d: {  	[sflag:s31] =	ssyncadd.s32 $0xFFFFFC00  }
0x20e: {  	_ =	swait.ge [sflag:s31], $0x400  }
0x20f: {  	[sflag:s31] =	ssyncset.done $0x0  }
0x210: {  	s0 =	sadd.s32 $0x1, s0;
	[sflag:s31] =	ssyncadd.s32 $0xFFFFFC00  }
0x211: {  	p0 =	sne.s32 s0, s10;
	_ =	swait.ge [sflag:s31], $0x400  }
.Ltmp4:
0x212: {  	[sflag:s31] =	ssyncset.done $0x0;
	(pc) =	sbr.rel @p0 .LBB2_1-.Ltmp4, $4  }
0x213: {  	[sflag:s31] =	ssyncadd.s32 $0xFFFFFC00  }
0x214: {  	_ =	swait.ge [sflag:s31], $0x400  }
0x215: {  	[sflag:s31] =	ssyncset.done $0x0  }
0x216: {  	[sflag:s31] =	ssyncadd.s32 $0xFFFFFC00  }
0x217: {  	_ =	sfence.sel $0x180000  }
0x218: {  	[bflag:$0x0] =	sbarrier.arrive $0xFFFF  }
0x219: {  	_ =	strace $0x90000047  }
0x21a: {  	s0 =	stileid.u32;
	[bflag:$0x2] =	sbarrier.arrive $0xFFFF  }
0x21b: {  	p0 =	sne.s32 s0, $0x0;
	s0 =	rddreg [dreg:$0x2]  }
0x21c: {  	s0 =	sadd.s32 @!p0 $0x100000, s0  }
0x21d: {  	[sflag:s0] =	ssyncadd.tile.s32 @!p0 $0x1;
	_ =	shalt  }
.Lfunc_end2:
_tile_overlayer_lowered:
.L_overlay_start_2:
0x21e: {  	(tag) =	ssettag $0x2  }
0x21f: {  	s0 =	rddreg [dreg:$0x0];
	s2 =	stileid.u32  }
0x220: {  	s1 =	rddreg [dreg:$0x1];
	p0 =	sne.s32 s2, $0x0  }
0x221: {  	s3 =	rddreg [dreg:$0x2];
	[bflag:$0x3] =	sbarrier.arrive $0xFFFF;
	s2 =	simm.s32 @!p0 $0x1C03  }
0x222: {  	[timem:s3], [sflag:s2] =	dma.local @!p0 [hbm:s0], s1  }
0x223: {  	s0 =	simm.s32 @!p0 $0x3  }
0x224: {  	_ =	swait.ge @!p0 [sflag:s0], s1  }
0x225: {  	s1 =	ssub.s32 @!p0 $0x0, s1;
	[sflag:s0] =	ssyncset.done @!p0 $0x0  }
0x226: {  	[sflag:s0] =	ssyncadd.s32 @!p0 s1  }
0x227: {  	[bflag:$0x3] =	sbarrier.arrive $0xFFFF  }
0x228: {  	_ =	shalt  }

</sc_bundles>
